<compile_context>
chip_gen: v7x
topology: tpu7x:2x2x1
jax: 0.10.2.dev20260603
libtpu: 0.0.44.dev20260713+nightly
codegen_flags: <defaults>
</compile_context>

<pallas_src>
import functools

import jax
import jax.numpy as jnp
from jax import lax
from jax.experimental import pallas as pl
from jax.experimental.pallas import tpu as pltpu
from jax.experimental.pallas import tpu_sc as plsc

N = 10000
E = 320000
D_IN = 128
D_HID = 256
D_OUT = 47

NC = 2
NS = 16
NW = NC * NS
B = 128
NB = 160
NB0_L1 = 120
NB0_L2 = 140
CH = 20
TOTB = NS * NB
E_PAD = TOTB * B
N_PAD = 10240
RPS = N_PAD // NS
NDMP = RPS // B
D1 = 136
D2 = 64
BR = 200


def _make_seg_sum(D, nb0):
    mesh = plsc.VectorSubcoreMesh(core_axis_name="c", subcore_axis_name="s")
    nb1 = NB - nb0
    nchmax = nb0 // CH

    @functools.partial(
        pl.kernel,
        out_type=jax.ShapeDtypeStruct((NC, N_PAD, D), jnp.float32),
        mesh=mesh,
        scratch_types=[
            pltpu.VMEM_SHARED((N_PAD, D), jnp.float32),
            pltpu.VMEM((CH, B), jnp.int32),
            pltpu.VMEM((CH, B), jnp.int32),
            pltpu.VMEM((B, D), jnp.float32),
            pltpu.VMEM((B, D), jnp.float32),
            pltpu.VMEM((NDMP + 1, B), jnp.int32),
            pltpu.VMEM((nchmax, CH), jnp.int32),
            pltpu.SemaphoreType.DMA,
            pltpu.SemaphoreType.DMA,
        ],
        compiler_params=pltpu.CompilerParams(use_tc_tiling_on_sc=False),
    )
    def seg_sum(table, src_r, dst_r, zeros_tbl, hidx, bidx, out, acc, src_l,
                dst_l, rows0, rows1, hidx_l, bidx_l, sem0, sem1):
        c = lax.axis_index("c")
        s = lax.axis_index("s")
        base = s * RPS

        pltpu.sync_copy(hidx.at[s], hidx_l)
        pltpu.sync_copy(bidx.at[c, s], bidx_l)

        pltpu.async_copy(zeros_tbl.at[hidx_l.at[NDMP]], rows0, sem0).wait()
        for k in range(NDMP):
            pltpu.sync_copy(rows0, acc.at[hidx_l.at[k]])
        plsc.subcore_barrier()

        nch = jnp.where(c == 0, nb0 // CH, nb1 // CH)

        def chunk(ch, carry):
            cps = pltpu.async_copy(src_r.at[bidx_l.at[ch]], src_l, sem0)
            cpd = pltpu.async_copy(dst_r.at[bidx_l.at[ch]], dst_l, sem1)
            cps.wait()
            cpd.wait()
            pltpu.async_copy(table.at[src_l.at[0]], rows0, sem0)

            def pair(g, carry2):
                b0 = 2 * g
                pltpu.async_copy(table.at[src_l.at[b0 + 1]], rows1, sem1)
                pltpu.make_async_copy(
                    table.at[src_l.at[b0]], rows0, sem0).wait()
                pltpu.sync_copy(rows0, acc.at[dst_l.at[b0]], add=True)

                @pl.when(g < CH // 2 - 1)
                def _():
                    pltpu.async_copy(table.at[src_l.at[b0 + 2]], rows0, sem0)

                pltpu.make_async_copy(
                    table.at[src_l.at[b0 + 1]], rows1, sem1).wait()
                pltpu.sync_copy(rows1, acc.at[dst_l.at[b0 + 1]], add=True)
                return carry2

            lax.fori_loop(0, CH // 2, pair, 0)
            return carry

        lax.fori_loop(0, nch, chunk, 0)
        plsc.subcore_barrier()

        for k in range(NDMP):
            pltpu.sync_copy(acc.at[pl.ds(base + k * B, B)], rows0)
            pltpu.sync_copy(rows0, out.at[c].at[hidx_l.at[k]])

    return seg_sum


_seg_sum_cache = {}


def _seg_sum(D, nb0):
    if (D, nb0) not in _seg_sum_cache:
        _seg_sum_cache[(D, nb0)] = _make_seg_sum(D, nb0)
    return _seg_sum_cache[(D, nb0)]


def _batch_lists(nb0):
    nb1 = NB - nb0
    nchmax = nb0 // CH
    srange = jnp.arange(NS, dtype=jnp.int32)
    ch_i = jnp.arange(nchmax * CH, dtype=jnp.int32).reshape(nchmax, CH)
    b0v = srange[:, None, None] * nb0 + ch_i[None]
    b1v = NS * nb0 + srange[:, None, None] * nb1 + ch_i[None]
    b1v = jnp.where(ch_i[None] < nb1, b1v, 0)
    return jnp.stack([b0v, b1v], axis=0)


def _dense1_body(s01, x, w1l, b1, w1r, w2l, b2, w2r, p_o, z_o, ci_o):
    s = s01[0] + s01[1]
    cnt = jnp.sum(s[:, 128:D1], axis=1, keepdims=True)
    ci = 1.0 / jnp.maximum(cnt, 1.0)
    agg = s[:, :128] * ci
    h = agg @ w1l[...] + b1[...] + x[...] @ w1r[...]
    h = jnp.maximum(h, 0.0)
    p_o[...] = h @ w2l[...]
    z_o[...] = h @ w2r[...] + b2[...]
    ci_o[...] = jnp.broadcast_to(ci, (BR, D2))


def _dense2_body(sp, z, ci, out_o):
    o = (sp[0] + sp[1]) * ci[...] + z[...]
    col = lax.broadcasted_iota(jnp.int32, (BR, D2), 1)
    om = jnp.where(col < D_OUT, o, -1e30)
    m = jnp.max(om, axis=1, keepdims=True)
    lse = m + jnp.log(jnp.sum(jnp.exp(om - m), axis=1, keepdims=True))
    out_o[...] = (o - lse)[:, :D_OUT]


def _dense1_call(s01, x, w1l, b1, w1r, w2l, b2, w2r):
    grid = (N // BR,)
    return pl.pallas_call(
        _dense1_body,
        grid=grid,
        in_specs=[
            pl.BlockSpec((NC, BR, D1), lambda i: (0, i, 0)),
            pl.BlockSpec((BR, D_IN), lambda i: (i, 0)),
            pl.BlockSpec((D_IN, D_HID), lambda i: (0, 0)),
            pl.BlockSpec((1, D_HID), lambda i: (0, 0)),
            pl.BlockSpec((D_IN, D_HID), lambda i: (0, 0)),
            pl.BlockSpec((D_HID, D2), lambda i: (0, 0)),
            pl.BlockSpec((1, D2), lambda i: (0, 0)),
            pl.BlockSpec((D_HID, D2), lambda i: (0, 0)),
        ],
        out_specs=[
            pl.BlockSpec((BR, D2), lambda i: (i, 0)),
            pl.BlockSpec((BR, D2), lambda i: (i, 0)),
            pl.BlockSpec((BR, D2), lambda i: (i, 0)),
        ],
        out_shape=[
            jax.ShapeDtypeStruct((N, D2), jnp.float32),
            jax.ShapeDtypeStruct((N, D2), jnp.float32),
            jax.ShapeDtypeStruct((N, D2), jnp.float32),
        ],
    )(s01, x, w1l, b1, w1r, w2l, b2, w2r)


def _dense2_call(sp, z, ci):
    grid = (N // BR,)
    return pl.pallas_call(
        _dense2_body,
        grid=grid,
        in_specs=[
            pl.BlockSpec((NC, BR, D2), lambda i: (0, i, 0)),
            pl.BlockSpec((BR, D2), lambda i: (i, 0)),
            pl.BlockSpec((BR, D2), lambda i: (i, 0)),
        ],
        out_specs=pl.BlockSpec((BR, D_OUT), lambda i: (i, 0)),
        out_shape=jax.ShapeDtypeStruct((N, D_OUT), jnp.float32),
    )(sp, z, ci)


def kernel(x, edge_index, W1l, b1, W1r, W2l, b2, W2r):
    src = edge_index[0].astype(jnp.int32)
    dst = edge_index[1].astype(jnp.int32)
    pad = E_PAD - E
    src_r = jnp.concatenate([src, jnp.zeros((pad,), jnp.int32)]).reshape(
        TOTB, B)
    dst_r = jnp.concatenate(
        [dst, N + (jnp.arange(pad, dtype=jnp.int32) % (N_PAD - N))]).reshape(
        TOTB, B)

    x_pad = jnp.concatenate(
        [x, jnp.ones((N, 1), jnp.float32), jnp.zeros((N, 7), jnp.float32)],
        axis=1)

    w1l = W1l.T
    w1r = W1r.T
    w2l = jnp.zeros((D_HID, D2), jnp.float32).at[:, :D_OUT].set(W2l.T)
    w2r = jnp.zeros((D_HID, D2), jnp.float32).at[:, :D_OUT].set(W2r.T)
    b2p = jnp.zeros((1, D2), jnp.float32).at[0, :D_OUT].set(b2)

    z1 = jnp.zeros((B, D1), jnp.float32)
    z2 = jnp.zeros((B, D2), jnp.float32)

    srange = jnp.arange(NS, dtype=jnp.int32)
    jrange = jnp.arange(B, dtype=jnp.int32)
    dump_idx = (srange[:, None, None] * RPS
                + jnp.arange(NDMP, dtype=jnp.int32)[None, :, None] * B
                + jrange[None, None, :])
    hidx = jnp.concatenate(
        [dump_idx, jnp.broadcast_to(jrange, (NS, 1, B))], axis=1)
    bidx1 = _batch_lists(NB0_L1)
    bidx2 = _batch_lists(NB0_L2)

    s01 = _seg_sum(D1, NB0_L1)(x_pad, src_r, dst_r, z1, hidx, bidx1)
    p, z, ci = _dense1_call(s01, x, w1l, b1[None, :], w1r, w2l, b2p, w2r)
    sp = _seg_sum(D2, NB0_L2)(p, src_r, dst_r, z2, hidx, bidx2)
    return _dense2_call(sp, z, ci)

# --- scband reference (transcript-rebuilt; emitter-appended) ---
"""Pipeline reference for scband-sage-7584912244792 (READ-ONLY COPY).

The authoritative reference and input builder live on the scoring server;
editing this copy changes nothing except your own understanding.
"""

import jax, jax.numpy as jnp
import numpy as np

N_NODES = 10000
N_EDGES = 320000
D_IN = 128
D_HID = 256
D_OUT = 47


def setup_inputs(seed: int = 0) -> dict:
    key = jax.random.key(seed)
    ks = jax.random.split(key, 8)
    x = jax.random.normal(ks[0], (N_NODES, D_IN), dtype=jnp.float32)
    edge_index = jax.random.randint(ks[1], (2, N_EDGES), 0, N_NODES, dtype=jnp.int64)
    s1 = 1.0 / np.sqrt(D_IN)
    s2 = 1.0 / np.sqrt(D_HID)
    W1l = jax.random.uniform(ks[2], (D_HID, D_IN), jnp.float32, -s1, s1)
    b1 = jax.random.uniform(ks[3], (D_HID,), jnp.float32, -s1, s1)
    W1r = jax.random.uniform(ks[4], (D_HID, D_IN), jnp.float32, -s1, s1)
    W2l = jax.random.uniform(ks[5], (D_OUT, D_HID), jnp.float32, -s2, s2)
    b2 = jax.random.uniform(ks[6], (D_OUT,), jnp.float32, -s2, s2)
    W2r = jax.random.uniform(ks[7], (D_OUT, D_HID), jnp.float32, -s2, s2)
    return {"x": x, "edge_index": edge_index, "W1l": W1l, "b1": b1, "W1r": W1r,
            "W2l": W2l, "b2": b2, "W2r": W2r}


def _sage_conv(x, src, dst, Wl, bl, Wr, n_nodes):
    # PyG SAGEConv with mean aggregation:
    # out = lin_l(mean_{j in N(i)} x_j) + lin_r(x_i)
    msgs = jnp.take(x, src, axis=0)                      # gather source features
    summed = jax.ops.segment_sum(msgs, dst, num_segments=n_nodes)
    cnt = jax.ops.segment_sum(jnp.ones((src.shape[0],), x.dtype), dst,
                              num_segments=n_nodes)
    agg = summed / jnp.clip(cnt, 1.0, None)[:, None]
    return agg @ Wl.T + bl + x @ Wr.T


def reference(x, edge_index, W1l, b1, W1r, W2l, b2, W2r):
    src = edge_index[0]
    dst = edge_index[1]
    n = x.shape[0]
    h = _sage_conv(x, src, dst, W1l, b1, W1r, n)
    h = jax.nn.relu(h)
    # dropout is identity in eval mode
    h = _sage_conv(h, src, dst, W2l, b2, W2r, n)
    return jax.nn.log_softmax(h, axis=-1)

if __name__ == "__main__":
    import jax
    _d = setup_inputs()
    print(jax.jit(kernel)(*tuple(_d.values())))

</pallas_src>

<mosaic_0001>
#map = affine_map<(d0, d1) -> (0, 0)>
#map1 = affine_map<(d0, d1) -> (0, 0, 0)>
#map2 = affine_map<(d0, d1) -> (0, 0, 0, 0)>
module attributes {stable_mosaic.version = 14 : i64} {
  func.func @seg_sum(%arg0: i32, %arg1: i32, %arg2: memref<10000x64xf32, #tpu.memory_space<hbm>>, %arg3: memref<2560x128xi32, #tpu.memory_space<hbm>>, %arg4: memref<2560x128xi32, #tpu.memory_space<hbm>>, %arg5: memref<128x64xf32, #tpu.memory_space<hbm>>, %arg6: memref<16x6x128xi32, #tpu.memory_space<hbm>>, %arg7: memref<2x16x7x20xi32, #tpu.memory_space<hbm>>, %arg8: memref<2x10240x64xf32, #tpu.memory_space<hbm>>, %arg9: memref<10240x64xf32, #tpu.memory_space<vmem_shared>>, %arg10: memref<20x128xi32, #tpu.memory_space<vmem>>, %arg11: memref<20x128xi32, #tpu.memory_space<vmem>>, %arg12: memref<128x64xf32, #tpu.memory_space<vmem>>, %arg13: memref<128x64xf32, #tpu.memory_space<vmem>>, %arg14: memref<6x128xi32, #tpu.memory_space<vmem>>, %arg15: memref<7x20xi32, #tpu.memory_space<vmem>>, %arg16: memref<!tpu.dma_semaphore, #tpu.memory_space<semaphore_mem>>, %arg17: memref<!tpu.dma_semaphore, #tpu.memory_space<semaphore_mem>>) attributes {dimension_semantics = [#tpu.dimension_semantics<core_parallel>, #tpu.dimension_semantics<subcore_parallel>], iteration_bounds = array<i64: 2, 16>, scalar_prefetch = 0 : i64, scratch_operands = 9 : i64, tpu.core_type = #tpu.core_type<sc_vector_subcore>, window_params = [{transform_indices = #map}, {transform_indices = #map}, {transform_indices = #map}, {transform_indices = #map}, {transform_indices = #map1}, {transform_indices = #map2}, {transform_indices = #map1}]} {
    %mul3A = arith.constant 640 : i32
    %mul3A_0 = arith.muli %arg1, %mul3A : i32
    "tpu.region"() ({
      %run_scoped3A_43 = tpu.sem_alloc : memref<!tpu.dma_semaphore, #tpu.memory_space<semaphore_mem>>
      %dma_start3A_44 = arith.constant 0 : i32
      %dma_start3A_45 = arith.constant 0 : i32
      %dma_start3A_46 = tpu.memref_slice %arg6[%arg1, %dma_start3A_44, %dma_start3A_45] : memref<16x6x128xi32, #tpu.memory_space<hbm>> -> memref<1x6x128xi32, #tpu.memory_space<hbm>>
      %dma_start3A_47 = tpu.memref_squeeze %dma_start3A_46 : memref<1x6x128xi32, #tpu.memory_space<hbm>> -> memref<6x128xi32, #tpu.memory_space<hbm>>
      %dma_start3A_48 = arith.constant 0 : i32
      %dma_start3A_49 = arith.constant 0 : i32
      %dma_start3A_50 = tpu.memref_slice %arg6[%arg1, %dma_start3A_48, %dma_start3A_49] : memref<16x6x128xi32, #tpu.memory_space<hbm>> -> memref<1x6x128xi32, #tpu.memory_space<hbm>>
      %dma_start3A_51 = tpu.memref_squeeze %dma_start3A_50 : memref<1x6x128xi32, #tpu.memory_space<hbm>> -> memref<6x128xi32, #tpu.memory_space<hbm>>
      tpu.enqueue_dma source(%dma_start3A_51 : memref<6x128xi32, #tpu.memory_space<hbm>>) target(%arg14 : memref<6x128xi32, #tpu.memory_space<vmem>>) target_semaphore(%run_scoped3A_43 : memref<!tpu.dma_semaphore, #tpu.memory_space<semaphore_mem>>)
      %dma_wait3A_52 = arith.constant 0 : i32
      %dma_wait3A_53 = arith.constant 0 : i32
      %dma_wait3A_54 = tpu.memref_slice %arg6[%arg1, %dma_wait3A_52, %dma_wait3A_53] : memref<16x6x128xi32, #tpu.memory_space<hbm>> -> memref<1x6x128xi32, #tpu.memory_space<hbm>>
      %dma_wait3A_55 = tpu.memref_squeeze %dma_wait3A_54 : memref<1x6x128xi32, #tpu.memory_space<hbm>> -> memref<6x128xi32, #tpu.memory_space<hbm>>
      %dma_wait3A_56 = arith.constant 0 : i32
      %dma_wait3A_57 = arith.constant 0 : i32
      %dma_wait3A_58 = tpu.memref_slice %arg6[%arg1, %dma_wait3A_56, %dma_wait3A_57] : memref<16x6x128xi32, #tpu.memory_space<hbm>> -> memref<1x6x128xi32, #tpu.memory_space<hbm>>
      %dma_wait3A_59 = tpu.memref_squeeze %dma_wait3A_58 : memref<1x6x128xi32, #tpu.memory_space<hbm>> -> memref<6x128xi32, #tpu.memory_space<hbm>>
      tpu.wait_dma2 semaphore(%run_scoped3A_43 : memref<!tpu.dma_semaphore, #tpu.memory_space<semaphore_mem>>) src(%dma_wait3A_59 : memref<6x128xi32, #tpu.memory_space<hbm>>) dst(%arg14 : memref<6x128xi32, #tpu.memory_space<vmem>>)
      tpu.yield
    }) : () -> ()
    "tpu.region"() ({
      %run_scoped3A_43 = tpu.sem_alloc : memref<!tpu.dma_semaphore, #tpu.memory_space<semaphore_mem>>
      %dma_start3A_44 = arith.constant 0 : i32
      %dma_start3A_45 = arith.constant 0 : i32
      %dma_start3A_46 = tpu.memref_slice %arg7[%arg0, %arg1, %dma_start3A_44, %dma_start3A_45] : memref<2x16x7x20xi32, #tpu.memory_space<hbm>> -> memref<1x1x7x20xi32, #tpu.memory_space<hbm>>
      %dma_start3A_47 = tpu.memref_squeeze %dma_start3A_46 : memref<1x1x7x20xi32, #tpu.memory_space<hbm>> -> memref<7x20xi32, #tpu.memory_space<hbm>>
      %dma_start3A_48 = arith.constant 0 : i32
      %dma_start3A_49 = arith.constant 0 : i32
      %dma_start3A_50 = tpu.memref_slice %arg7[%arg0, %arg1, %dma_start3A_48, %dma_start3A_49] : memref<2x16x7x20xi32, #tpu.memory_space<hbm>> -> memref<1x1x7x20xi32, #tpu.memory_space<hbm>>
      %dma_start3A_51 = tpu.memref_squeeze %dma_start3A_50 : memref<1x1x7x20xi32, #tpu.memory_space<hbm>> -> memref<7x20xi32, #tpu.memory_space<hbm>>
      tpu.enqueue_dma source(%dma_start3A_51 : memref<7x20xi32, #tpu.memory_space<hbm>>) target(%arg15 : memref<7x20xi32, #tpu.memory_space<vmem>>) target_semaphore(%run_scoped3A_43 : memref<!tpu.dma_semaphore, #tpu.memory_space<semaphore_mem>>)
      %dma_wait3A_52 = arith.constant 0 : i32
      %dma_wait3A_53 = arith.constant 0 : i32
      %dma_wait3A_54 = tpu.memref_slice %arg7[%arg0, %arg1, %dma_wait3A_52, %dma_wait3A_53] : memref<2x16x7x20xi32, #tpu.memory_space<hbm>> -> memref<1x1x7x20xi32, #tpu.memory_space<hbm>>
      %dma_wait3A_55 = tpu.memref_squeeze %dma_wait3A_54 : memref<1x1x7x20xi32, #tpu.memory_space<hbm>> -> memref<7x20xi32, #tpu.memory_space<hbm>>
      %dma_wait3A_56 = arith.constant 0 : i32
      %dma_wait3A_57 = arith.constant 0 : i32
      %dma_wait3A_58 = tpu.memref_slice %arg7[%arg0, %arg1, %dma_wait3A_56, %dma_wait3A_57] : memref<2x16x7x20xi32, #tpu.memory_space<hbm>> -> memref<1x1x7x20xi32, #tpu.memory_space<hbm>>
      %dma_wait3A_59 = tpu.memref_squeeze %dma_wait3A_58 : memref<1x1x7x20xi32, #tpu.memory_space<hbm>> -> memref<7x20xi32, #tpu.memory_space<hbm>>
      tpu.wait_dma2 semaphore(%run_scoped3A_43 : memref<!tpu.dma_semaphore, #tpu.memory_space<semaphore_mem>>) src(%dma_wait3A_59 : memref<7x20xi32, #tpu.memory_space<hbm>>) dst(%arg15 : memref<7x20xi32, #tpu.memory_space<vmem>>)
      tpu.yield
    }) : () -> ()
    %dma_start3A = arith.constant 5 : i32
    %dma_start3A_1 = arith.constant 0 : i32
    %dma_start3A_2 = tpu.memref_slice %arg14[%dma_start3A, %dma_start3A_1] : memref<6x128xi32, #tpu.memory_space<vmem>> -> memref<1x128xi32, #tpu.memory_space<vmem>>
    %dma_start3A_3 = tpu.memref_squeeze %dma_start3A_2 : memref<1x128xi32, #tpu.memory_space<vmem>> -> memref<128xi32, #tpu.memory_space<vmem>>
    %dma_start3A_4 = arith.constant 0 : i32
    %dma_start3A_5 = arith.constant 0 : i32
    %dma_start3A_6 = tpu.memref_slice %arg5[%dma_start3A_4, %dma_start3A_5] : memref<128x64xf32, #tpu.memory_space<hbm>> -> memref<128x64xf32, #tpu.memory_space<hbm>>
    tpu.enqueue_indirect_dma source(%dma_start3A_6 : memref<128x64xf32, #tpu.memory_space<hbm>>) target(%arg12 : memref<128x64xf32, #tpu.memory_space<vmem>>) offsets(%dma_start3A_3 : memref<128xi32, #tpu.memory_space<vmem>>) semaphore(%arg16 : memref<!tpu.dma_semaphore, #tpu.memory_space<semaphore_mem>>)
    %dma_wait3A = arith.constant 5 : i32
    %dma_wait3A_7 = arith.constant 0 : i32
    %dma_wait3A_8 = tpu.memref_slice %arg14[%dma_wait3A, %dma_wait3A_7] : memref<6x128xi32, #tpu.memory_space<vmem>> -> memref<1x128xi32, #tpu.memory_space<vmem>>
    %dma_wait3A_9 = tpu.memref_squeeze %dma_wait3A_8 : memref<1x128xi32, #tpu.memory_space<vmem>> -> memref<128xi32, #tpu.memory_space<vmem>>
    %dma_wait3A_10 = arith.constant 0 : i32
    %dma_wait3A_11 = arith.constant 0 : i32
    %dma_wait3A_12 = tpu.memref_slice %arg5[%dma_wait3A_10, %dma_wait3A_11] : memref<128x64xf32, #tpu.memory_space<hbm>> -> memref<128x64xf32, #tpu.memory_space<hbm>>
    tpu.wait_indirect_dma semaphore(%arg16 : memref<!tpu.dma_semaphore, #tpu.memory_space<semaphore_mem>>) src(%dma_wait3A_12 : memref<128x64xf32, #tpu.memory_space<hbm>>) dst(%arg12 : memref<128x64xf32, #tpu.memory_space<vmem>>)
    %run_scoped3A = arith.constant 0 : i32
    "tpu.region"() ({
      %run_scoped3A_43 = tpu.sem_alloc : memref<!tpu.dma_semaphore, #tpu.memory_space<semaphore_mem>>
      %dma_start3A_44 = arith.constant 0 : i32
      %dma_start3A_45 = tpu.memref_slice %arg14[%run_scoped3A, %dma_start3A_44] : memref<6x128xi32, #tpu.memory_space<vmem>> -> memref<1x128xi32, #tpu.memory_space<vmem>>
      %dma_start3A_46 = tpu.memref_squeeze %dma_start3A_45 : memref<1x128xi32, #tpu.memory_space<vmem>> -> memref<128xi32, #tpu.memory_space<vmem>>
      %dma_start3A_47 = arith.constant 0 : i32
      %dma_start3A_48 = arith.constant 0 : i32
      %dma_start3A_49 = tpu.memref_slice %arg9[%dma_start3A_47, %dma_start3A_48] : memref<10240x64xf32, #tpu.memory_space<vmem_shared>> -> memref<10240x64xf32, #tpu.memory_space<vmem_shared>>
      tpu.enqueue_indirect_dma source(%arg12 : memref<128x64xf32, #tpu.memory_space<vmem>>) target(%dma_start3A_49 : memref<10240x64xf32, #tpu.memory_space<vmem_shared>>) offsets(%dma_start3A_46 : memref<128xi32, #tpu.memory_space<vmem>>) semaphore(%run_scoped3A_43 : memref<!tpu.dma_semaphore, #tpu.memory_space<semaphore_mem>>)
      %dma_wait3A_50 = arith.constant 0 : i32
      %dma_wait3A_51 = tpu.memref_slice %arg14[%run_scoped3A, %dma_wait3A_50] : memref<6x128xi32, #tpu.memory_space<vmem>> -> memref<1x128xi32, #tpu.memory_space<vmem>>
      %dma_wait3A_52 = tpu.memref_squeeze %dma_wait3A_51 : memref<1x128xi32, #tpu.memory_space<vmem>> -> memref<128xi32, #tpu.memory_space<vmem>>
      %dma_wait3A_53 = arith.constant 0 : i32
      %dma_wait3A_54 = arith.constant 0 : i32
      %dma_wait3A_55 = tpu.memref_slice %arg9[%dma_wait3A_53, %dma_wait3A_54] : memref<10240x64xf32, #tpu.memory_space<vmem_shared>> -> memref<10240x64xf32, #tpu.memory_space<vmem_shared>>
      tpu.wait_indirect_dma semaphore(%run_scoped3A_43 : memref<!tpu.dma_semaphore, #tpu.memory_space<semaphore_mem>>) src(%arg12 : memref<128x64xf32, #tpu.memory_space<vmem>>) dst(%dma_wait3A_55 : memref<10240x64xf32, #tpu.memory_space<vmem_shared>>)
      tpu.yield
    }) : () -> ()
    %run_scoped3A_13 = arith.constant 1 : i32
    "tpu.region"() ({
      %run_scoped3A_43 = tpu.sem_alloc : memref<!tpu.dma_semaphore, #tpu.memory_space<semaphore_mem>>
      %dma_start3A_44 = arith.constant 0 : i32
      %dma_start3A_45 = tpu.memref_slice %arg14[%run_scoped3A_13, %dma_start3A_44] : memref<6x128xi32, #tpu.memory_space<vmem>> -> memref<1x128xi32, #tpu.memory_space<vmem>>
      %dma_start3A_46 = tpu.memref_squeeze %dma_start3A_45 : memref<1x128xi32, #tpu.memory_space<vmem>> -> memref<128xi32, #tpu.memory_space<vmem>>
      %dma_start3A_47 = arith.constant 0 : i32
      %dma_start3A_48 = arith.constant 0 : i32
      %dma_start3A_49 = tpu.memref_slice %arg9[%dma_start3A_47, %dma_start3A_48] : memref<10240x64xf32, #tpu.memory_space<vmem_shared>> -> memref<10240x64xf32, #tpu.memory_space<vmem_shared>>
      tpu.enqueue_indirect_dma source(%arg12 : memref<128x64xf32, #tpu.memory_space<vmem>>) target(%dma_start3A_49 : memref<10240x64xf32, #tpu.memory_space<vmem_shared>>) offsets(%dma_start3A_46 : memref<128xi32, #tpu.memory_space<vmem>>) semaphore(%run_scoped3A_43 : memref<!tpu.dma_semaphore, #tpu.memory_space<semaphore_mem>>)
      %dma_wait3A_50 = arith.constant 0 : i32
      %dma_wait3A_51 = tpu.memref_slice %arg14[%run_scoped3A_13, %dma_wait3A_50] : memref<6x128xi32, #tpu.memory_space<vmem>> -> memref<1x128xi32, #tpu.memory_space<vmem>>
      %dma_wait3A_52 = tpu.memref_squeeze %dma_wait3A_51 : memref<1x128xi32, #tpu.memory_space<vmem>> -> memref<128xi32, #tpu.memory_space<vmem>>
      %dma_wait3A_53 = arith.constant 0 : i32
      %dma_wait3A_54 = arith.constant 0 : i32
      %dma_wait3A_55 = tpu.memref_slice %arg9[%dma_wait3A_53, %dma_wait3A_54] : memref<10240x64xf32, #tpu.memory_space<vmem_shared>> -> memref<10240x64xf32, #tpu.memory_space<vmem_shared>>
      tpu.wait_indirect_dma semaphore(%run_scoped3A_43 : memref<!tpu.dma_semaphore, #tpu.memory_space<semaphore_mem>>) src(%arg12 : memref<128x64xf32, #tpu.memory_space<vmem>>) dst(%dma_wait3A_55 : memref<10240x64xf32, #tpu.memory_space<vmem_shared>>)
      tpu.yield
    }) : () -> ()
    %run_scoped3A_14 = arith.constant 2 : i32
    "tpu.region"() ({
      %run_scoped3A_43 = tpu.sem_alloc : memref<!tpu.dma_semaphore, #tpu.memory_space<semaphore_mem>>
      %dma_start3A_44 = arith.constant 0 : i32
      %dma_start3A_45 = tpu.memref_slice %arg14[%run_scoped3A_14, %dma_start3A_44] : memref<6x128xi32, #tpu.memory_space<vmem>> -> memref<1x128xi32, #tpu.memory_space<vmem>>
      %dma_start3A_46 = tpu.memref_squeeze %dma_start3A_45 : memref<1x128xi32, #tpu.memory_space<vmem>> -> memref<128xi32, #tpu.memory_space<vmem>>
      %dma_start3A_47 = arith.constant 0 : i32
      %dma_start3A_48 = arith.constant 0 : i32
      %dma_start3A_49 = tpu.memref_slice %arg9[%dma_start3A_47, %dma_start3A_48] : memref<10240x64xf32, #tpu.memory_space<vmem_shared>> -> memref<10240x64xf32, #tpu.memory_space<vmem_shared>>
      tpu.enqueue_indirect_dma source(%arg12 : memref<128x64xf32, #tpu.memory_space<vmem>>) target(%dma_start3A_49 : memref<10240x64xf32, #tpu.memory_space<vmem_shared>>) offsets(%dma_start3A_46 : memref<128xi32, #tpu.memory_space<vmem>>) semaphore(%run_scoped3A_43 : memref<!tpu.dma_semaphore, #tpu.memory_space<semaphore_mem>>)
      %dma_wait3A_50 = arith.constant 0 : i32
      %dma_wait3A_51 = tpu.memref_slice %arg14[%run_scoped3A_14, %dma_wait3A_50] : memref<6x128xi32, #tpu.memory_space<vmem>> -> memref<1x128xi32, #tpu.memory_space<vmem>>
      %dma_wait3A_52 = tpu.memref_squeeze %dma_wait3A_51 : memref<1x128xi32, #tpu.memory_space<vmem>> -> memref<128xi32, #tpu.memory_space<vmem>>
      %dma_wait3A_53 = arith.constant 0 : i32
      %dma_wait3A_54 = arith.constant 0 : i32
      %dma_wait3A_55 = tpu.memref_slice %arg9[%dma_wait3A_53, %dma_wait3A_54] : memref<10240x64xf32, #tpu.memory_space<vmem_shared>> -> memref<10240x64xf32, #tpu.memory_space<vmem_shared>>
      tpu.wait_indirect_dma semaphore(%run_scoped3A_43 : memref<!tpu.dma_semaphore, #tpu.memory_space<semaphore_mem>>) src(%arg12 : memref<128x64xf32, #tpu.memory_space<vmem>>) dst(%dma_wait3A_55 : memref<10240x64xf32, #tpu.memory_space<vmem_shared>>)
      tpu.yield
    }) : () -> ()
    %run_scoped3A_15 = arith.constant 3 : i32
    "tpu.region"() ({
      %run_scoped3A_43 = tpu.sem_alloc : memref<!tpu.dma_semaphore, #tpu.memory_space<semaphore_mem>>
      %dma_start3A_44 = arith.constant 0 : i32
      %dma_start3A_45 = tpu.memref_slice %arg14[%run_scoped3A_15, %dma_start3A_44] : memref<6x128xi32, #tpu.memory_space<vmem>> -> memref<1x128xi32, #tpu.memory_space<vmem>>
      %dma_start3A_46 = tpu.memref_squeeze %dma_start3A_45 : memref<1x128xi32, #tpu.memory_space<vmem>> -> memref<128xi32, #tpu.memory_space<vmem>>
      %dma_start3A_47 = arith.constant 0 : i32
      %dma_start3A_48 = arith.constant 0 : i32
      %dma_start3A_49 = tpu.memref_slice %arg9[%dma_start3A_47, %dma_start3A_48] : memref<10240x64xf32, #tpu.memory_space<vmem_shared>> -> memref<10240x64xf32, #tpu.memory_space<vmem_shared>>
      tpu.enqueue_indirect_dma source(%arg12 : memref<128x64xf32, #tpu.memory_space<vmem>>) target(%dma_start3A_49 : memref<10240x64xf32, #tpu.memory_space<vmem_shared>>) offsets(%dma_start3A_46 : memref<128xi32, #tpu.memory_space<vmem>>) semaphore(%run_scoped3A_43 : memref<!tpu.dma_semaphore, #tpu.memory_space<semaphore_mem>>)
      %dma_wait3A_50 = arith.constant 0 : i32
      %dma_wait3A_51 = tpu.memref_slice %arg14[%run_scoped3A_15, %dma_wait3A_50] : memref<6x128xi32, #tpu.memory_space<vmem>> -> memref<1x128xi32, #tpu.memory_space<vmem>>
      %dma_wait3A_52 = tpu.memref_squeeze %dma_wait3A_51 : memref<1x128xi32, #tpu.memory_space<vmem>> -> memref<128xi32, #tpu.memory_space<vmem>>
      %dma_wait3A_53 = arith.constant 0 : i32
      %dma_wait3A_54 = arith.constant 0 : i32
      %dma_wait3A_55 = tpu.memref_slice %arg9[%dma_wait3A_53, %dma_wait3A_54] : memref<10240x64xf32, #tpu.memory_space<vmem_shared>> -> memref<10240x64xf32, #tpu.memory_space<vmem_shared>>
      tpu.wait_indirect_dma semaphore(%run_scoped3A_43 : memref<!tpu.dma_semaphore, #tpu.memory_space<semaphore_mem>>) src(%arg12 : memref<128x64xf32, #tpu.memory_space<vmem>>) dst(%dma_wait3A_55 : memref<10240x64xf32, #tpu.memory_space<vmem_shared>>)
      tpu.yield
    }) : () -> ()
    %run_scoped3A_16 = arith.constant 4 : i32
    "tpu.region"() ({
      %run_scoped3A_43 = tpu.sem_alloc : memref<!tpu.dma_semaphore, #tpu.memory_space<semaphore_mem>>
      %dma_start3A_44 = arith.constant 0 : i32
      %dma_start3A_45 = tpu.memref_slice %arg14[%run_scoped3A_16, %dma_start3A_44] : memref<6x128xi32, #tpu.memory_space<vmem>> -> memref<1x128xi32, #tpu.memory_space<vmem>>
      %dma_start3A_46 = tpu.memref_squeeze %dma_start3A_45 : memref<1x128xi32, #tpu.memory_space<vmem>> -> memref<128xi32, #tpu.memory_space<vmem>>
      %dma_start3A_47 = arith.constant 0 : i32
      %dma_start3A_48 = arith.constant 0 : i32
      %dma_start3A_49 = tpu.memref_slice %arg9[%dma_start3A_47, %dma_start3A_48] : memref<10240x64xf32, #tpu.memory_space<vmem_shared>> -> memref<10240x64xf32, #tpu.memory_space<vmem_shared>>
      tpu.enqueue_indirect_dma source(%arg12 : memref<128x64xf32, #tpu.memory_space<vmem>>) target(%dma_start3A_49 : memref<10240x64xf32, #tpu.memory_space<vmem_shared>>) offsets(%dma_start3A_46 : memref<128xi32, #tpu.memory_space<vmem>>) semaphore(%run_scoped3A_43 : memref<!tpu.dma_semaphore, #tpu.memory_space<semaphore_mem>>)
      %dma_wait3A_50 = arith.constant 0 : i32
      %dma_wait3A_51 = tpu.memref_slice %arg14[%run_scoped3A_16, %dma_wait3A_50] : memref<6x128xi32, #tpu.memory_space<vmem>> -> memref<1x128xi32, #tpu.memory_space<vmem>>
      %dma_wait3A_52 = tpu.memref_squeeze %dma_wait3A_51 : memref<1x128xi32, #tpu.memory_space<vmem>> -> memref<128xi32, #tpu.memory_space<vmem>>
      %dma_wait3A_53 = arith.constant 0 : i32
      %dma_wait3A_54 = arith.constant 0 : i32
      %dma_wait3A_55 = tpu.memref_slice %arg9[%dma_wait3A_53, %dma_wait3A_54] : memref<10240x64xf32, #tpu.memory_space<vmem_shared>> -> memref<10240x64xf32, #tpu.memory_space<vmem_shared>>
      tpu.wait_indirect_dma semaphore(%run_scoped3A_43 : memref<!tpu.dma_semaphore, #tpu.memory_space<semaphore_mem>>) src(%arg12 : memref<128x64xf32, #tpu.memory_space<vmem>>) dst(%dma_wait3A_55 : memref<10240x64xf32, #tpu.memory_space<vmem_shared>>)
      tpu.yield
    }) : () -> ()
    %barrier3A = arith.constant 0 : index
    tpu.barrier barrier_id(%barrier3A)
    %eq3A = arith.constant 0 : i32
    %eq3A_17 = arith.cmpi eq, %arg0, %eq3A : i32
    %jit3A = arith.constant 7 : i32
    %jit3A_18 = arith.constant 1 : i32
    %select_n3A = arith.select %eq3A_17, %jit3A, %jit3A_18 : i32
    %while3A = arith.constant 0 : i32
    %while3A_19 = arith.constant 0 : i32
    %while3A_20 = arith.subi %select_n3A, %while3A_19 : i32
    %while3A_21 = arith.addi %while3A_19, %while3A_20 : i32
    %while3A_22 = arith.constant 1 : i32
    %while3A_23 = arith.divsi %while3A_20, %while3A_22 : i32
    %while3A_24 = arith.muli %while3A_23, %while3A_22 : i32
    %while3A_25 = arith.addi %while3A_19, %while3A_24 : i32
    %while3A_26 = arith.constant 1 : i32
    scf.for %while3A_43 = %while3A_19 to %while3A_25 step %while3A_26  : i32 {
      %dma_start3A_44 = arith.constant 0 : i32
      %dma_start3A_45 = tpu.memref_slice %arg15[%while3A_43, %dma_start3A_44] : memref<7x20xi32, #tpu.memory_space<vmem>> -> memref<1x20xi32, #tpu.memory_space<vmem>>
      %dma_start3A_46 = tpu.memref_squeeze %dma_start3A_45 : memref<1x20xi32, #tpu.memory_space<vmem>> -> memref<20xi32, #tpu.memory_space<vmem>>
      %dma_start3A_47 = arith.constant 0 : i32
      %dma_start3A_48 = arith.constant 0 : i32
      %dma_start3A_49 = tpu.memref_slice %arg3[%dma_start3A_47, %dma_start3A_48] : memref<2560x128xi32, #tpu.memory_space<hbm>> -> memref<2560x128xi32, #tpu.memory_space<hbm>>
      tpu.enqueue_indirect_dma source(%dma_start3A_49 : memref<2560x128xi32, #tpu.memory_space<hbm>>) target(%arg10 : memref<20x128xi32, #tpu.memory_space<vmem>>) offsets(%dma_start3A_46 : memref<20xi32, #tpu.memory_space<vmem>>) semaphore(%arg16 : memref<!tpu.dma_semaphore, #tpu.memory_space<semaphore_mem>>)
      %dma_start3A_50 = arith.constant 0 : i32
      %dma_start3A_51 = tpu.memref_slice %arg15[%while3A_43, %dma_start3A_50] : memref<7x20xi32, #tpu.memory_space<vmem>> -> memref<1x20xi32, #tpu.memory_space<vmem>>
      %dma_start3A_52 = tpu.memref_squeeze %dma_start3A_51 : memref<1x20xi32, #tpu.memory_space<vmem>> -> memref<20xi32, #tpu.memory_space<vmem>>
      %dma_start3A_53 = arith.constant 0 : i32
      %dma_start3A_54 = arith.constant 0 : i32
      %dma_start3A_55 = tpu.memref_slice %arg4[%dma_start3A_53, %dma_start3A_54] : memref<2560x128xi32, #tpu.memory_space<hbm>> -> memref<2560x128xi32, #tpu.memory_space<hbm>>
      tpu.enqueue_indirect_dma source(%dma_start3A_55 : memref<2560x128xi32, #tpu.memory_space<hbm>>) target(%arg11 : memref<20x128xi32, #tpu.memory_space<vmem>>) offsets(%dma_start3A_52 : memref<20xi32, #tpu.memory_space<vmem>>) semaphore(%arg17 : memref<!tpu.dma_semaphore, #tpu.memory_space<semaphore_mem>>)
      %dma_wait3A_56 = arith.constant 0 : i32
      %dma_wait3A_57 = tpu.memref_slice %arg15[%while3A_43, %dma_wait3A_56] : memref<7x20xi32, #tpu.memory_space<vmem>> -> memref<1x20xi32, #tpu.memory_space<vmem>>
      %dma_wait3A_58 = tpu.memref_squeeze %dma_wait3A_57 : memref<1x20xi32, #tpu.memory_space<vmem>> -> memref<20xi32, #tpu.memory_space<vmem>>
      %dma_wait3A_59 = arith.constant 0 : i32
      %dma_wait3A_60 = arith.constant 0 : i32
      %dma_wait3A_61 = tpu.memref_slice %arg3[%dma_wait3A_59, %dma_wait3A_60] : memref<2560x128xi32, #tpu.memory_space<hbm>> -> memref<2560x128xi32, #tpu.memory_space<hbm>>
      tpu.wait_indirect_dma semaphore(%arg16 : memref<!tpu.dma_semaphore, #tpu.memory_space<semaphore_mem>>) src(%dma_wait3A_61 : memref<2560x128xi32, #tpu.memory_space<hbm>>) dst(%arg10 : memref<20x128xi32, #tpu.memory_space<vmem>>)
      %dma_wait3A_62 = arith.constant 0 : i32
      %dma_wait3A_63 = tpu.memref_slice %arg15[%while3A_43, %dma_wait3A_62] : memref<7x20xi32, #tpu.memory_space<vmem>> -> memref<1x20xi32, #tpu.memory_space<vmem>>
      %dma_wait3A_64 = tpu.memref_squeeze %dma_wait3A_63 : memref<1x20xi32, #tpu.memory_space<vmem>> -> memref<20xi32, #tpu.memory_space<vmem>>
      %dma_wait3A_65 = arith.constant 0 : i32
      %dma_wait3A_66 = arith.constant 0 : i32
      %dma_wait3A_67 = tpu.memref_slice %arg4[%dma_wait3A_65, %dma_wait3A_66] : memref<2560x128xi32, #tpu.memory_space<hbm>> -> memref<2560x128xi32, #tpu.memory_space<hbm>>
      tpu.wait_indirect_dma semaphore(%arg17 : memref<!tpu.dma_semaphore, #tpu.memory_space<semaphore_mem>>) src(%dma_wait3A_67 : memref<2560x128xi32, #tpu.memory_space<hbm>>) dst(%arg11 : memref<20x128xi32, #tpu.memory_space<vmem>>)
      %dma_start3A_68 = arith.constant 0 : i32
      %dma_start3A_69 = arith.constant 0 : i32
      %dma_start3A_70 = tpu.memref_slice %arg10[%dma_start3A_68, %dma_start3A_69] : memref<20x128xi32, #tpu.memory_space<vmem>> -> memref<1x128xi32, #tpu.memory_space<vmem>>
      %dma_start3A_71 = tpu.memref_squeeze %dma_start3A_70 : memref<1x128xi32, #tpu.memory_space<vmem>> -> memref<128xi32, #tpu.memory_space<vmem>>
      %dma_start3A_72 = arith.constant 0 : i32
      %dma_start3A_73 = arith.constant 0 : i32
      %dma_start3A_74 = tpu.memref_slice %arg2[%dma_start3A_72, %dma_start3A_73] : memref<10000x64xf32, #tpu.memory_space<hbm>> -> memref<10000x64xf32, #tpu.memory_space<hbm>>
      tpu.enqueue_indirect_dma source(%dma_start3A_74 : memref<10000x64xf32, #tpu.memory_space<hbm>>) target(%arg12 : memref<128x64xf32, #tpu.memory_space<vmem>>) offsets(%dma_start3A_71 : memref<128xi32, #tpu.memory_space<vmem>>) semaphore(%arg16 : memref<!tpu.dma_semaphore, #tpu.memory_space<semaphore_mem>>)
      %scan3A = arith.constant 0 : i32
      %scan3A_75 = arith.constant 0 : i32
      %scan3A_76 = arith.constant 10 : i32
      %scan3A_77 = arith.addi %scan3A_75, %scan3A_76 : i32
      %scan3A_78 = arith.constant 1 : i32
      scf.for %scan3A_80 = %scan3A_75 to %scan3A_77 step %scan3A_78  : i32 {
        %mul3A_81 = arith.constant 2 : i32
        %mul3A_82 = arith.muli %mul3A_81, %scan3A_80 : i32
        %add3A_83 = arith.constant 1 : i32
        %add3A_84 = arith.addi %mul3A_82, %add3A_83 : i32
        %dma_start3A_85 = arith.constant 0 : i32
        %dma_start3A_86 = tpu.memref_slice %arg10[%add3A_84, %dma_start3A_85] : memref<20x128xi32, #tpu.memory_space<vmem>> -> memref<1x128xi32, #tpu.memory_space<vmem>>
        %dma_start3A_87 = tpu.memref_squeeze %dma_start3A_86 : memref<1x128xi32, #tpu.memory_space<vmem>> -> memref<128xi32, #tpu.memory_space<vmem>>
        %dma_start3A_88 = arith.constant 0 : i32
        %dma_start3A_89 = arith.constant 0 : i32
        %dma_start3A_90 = tpu.memref_slice %arg2[%dma_start3A_88, %dma_start3A_89] : memref<10000x64xf32, #tpu.memory_space<hbm>> -> memref<10000x64xf32, #tpu.memory_space<hbm>>
        tpu.enqueue_indirect_dma source(%dma_start3A_90 : memref<10000x64xf32, #tpu.memory_space<hbm>>) target(%arg13 : memref<128x64xf32, #tpu.memory_space<vmem>>) offsets(%dma_start3A_87 : memref<128xi32, #tpu.memory_space<vmem>>) semaphore(%arg17 : memref<!tpu.dma_semaphore, #tpu.memory_space<semaphore_mem>>)
        %dma_wait3A_91 = arith.constant 0 : i32
        %dma_wait3A_92 = tpu.memref_slice %arg10[%mul3A_82, %dma_wait3A_91] : memref<20x128xi32, #tpu.memory_space<vmem>> -> memref<1x128xi32, #tpu.memory_space<vmem>>
        %dma_wait3A_93 = tpu.memref_squeeze %dma_wait3A_92 : memref<1x128xi32, #tpu.memory_space<vmem>> -> memref<128xi32, #tpu.memory_space<vmem>>
        %dma_wait3A_94 = arith.constant 0 : i32
        %dma_wait3A_95 = arith.constant 0 : i32
        %dma_wait3A_96 = tpu.memref_slice %arg2[%dma_wait3A_94, %dma_wait3A_95] : memref<10000x64xf32, #tpu.memory_space<hbm>> -> memref<10000x64xf32, #tpu.memory_space<hbm>>
        tpu.wait_indirect_dma semaphore(%arg16 : memref<!tpu.dma_semaphore, #tpu.memory_space<semaphore_mem>>) src(%dma_wait3A_96 : memref<10000x64xf32, #tpu.memory_space<hbm>>) dst(%arg12 : memref<128x64xf32, #tpu.memory_space<vmem>>)
        "tpu.region"() ({
          %run_scoped3A_109 = tpu.sem_alloc : memref<!tpu.dma_semaphore, #tpu.memory_space<semaphore_mem>>
          %dma_start3A_110 = arith.constant 0 : i32
          %dma_start3A_111 = tpu.memref_slice %arg11[%mul3A_82, %dma_start3A_110] : memref<20x128xi32, #tpu.memory_space<vmem>> -> memref<1x128xi32, #tpu.memory_space<vmem>>
          %dma_start3A_112 = tpu.memref_squeeze %dma_start3A_111 : memref<1x128xi32, #tpu.memory_space<vmem>> -> memref<128xi32, #tpu.memory_space<vmem>>
          %dma_start3A_113 = arith.constant 0 : i32
          %dma_start3A_114 = arith.constant 0 : i32
          %dma_start3A_115 = tpu.memref_slice %arg9[%dma_start3A_113, %dma_start3A_114] : memref<10240x64xf32, #tpu.memory_space<vmem_shared>> -> memref<10240x64xf32, #tpu.memory_space<vmem_shared>>
          tpu.enqueue_indirect_dma source(%arg12 : memref<128x64xf32, #tpu.memory_space<vmem>>) target(%dma_start3A_115 : memref<10240x64xf32, #tpu.memory_space<vmem_shared>>) offsets(%dma_start3A_112 : memref<128xi32, #tpu.memory_space<vmem>>) semaphore(%run_scoped3A_109 : memref<!tpu.dma_semaphore, #tpu.memory_space<semaphore_mem>>) {add = true}
          %dma_wait3A_116 = arith.constant 0 : i32
          %dma_wait3A_117 = tpu.memref_slice %arg11[%mul3A_82, %dma_wait3A_116] : memref<20x128xi32, #tpu.memory_space<vmem>> -> memref<1x128xi32, #tpu.memory_space<vmem>>
          %dma_wait3A_118 = tpu.memref_squeeze %dma_wait3A_117 : memref<1x128xi32, #tpu.memory_space<vmem>> -> memref<128xi32, #tpu.memory_space<vmem>>
          %dma_wait3A_119 = arith.constant 0 : i32
          %dma_wait3A_120 = arith.constant 0 : i32
          %dma_wait3A_121 = tpu.memref_slice %arg9[%dma_wait3A_119, %dma_wait3A_120] : memref<10240x64xf32, #tpu.memory_space<vmem_shared>> -> memref<10240x64xf32, #tpu.memory_space<vmem_shared>>
          tpu.wait_indirect_dma semaphore(%run_scoped3A_109 : memref<!tpu.dma_semaphore, #tpu.memory_space<semaphore_mem>>) src(%arg12 : memref<128x64xf32, #tpu.memory_space<vmem>>) dst(%dma_wait3A_121 : memref<10240x64xf32, #tpu.memory_space<vmem_shared>>)
          tpu.yield
        }) : () -> ()
        %lt3A = arith.constant 9 : i32
        %lt3A_97 = arith.cmpi slt, %scan3A_80, %lt3A : i32
        %convert_element_type3A = arith.extui %lt3A_97 : i1 to i32
        %cond3A = arith.constant 0 : i32
        %cond3A_98 = arith.cmpi ne, %convert_element_type3A, %cond3A : i32
        scf.if %cond3A_98 {
          %add3A_109 = arith.constant 2 : i32
          %add3A_110 = arith.addi %mul3A_82, %add3A_109 : i32
          %dma_start3A_111 = arith.constant 0 : i32
          %dma_start3A_112 = tpu.memref_slice %arg10[%add3A_110, %dma_start3A_111] : memref<20x128xi32, #tpu.memory_space<vmem>> -> memref<1x128xi32, #tpu.memory_space<vmem>>
          %dma_start3A_113 = tpu.memref_squeeze %dma_start3A_112 : memref<1x128xi32, #tpu.memory_space<vmem>> -> memref<128xi32, #tpu.memory_space<vmem>>
          %dma_start3A_114 = arith.constant 0 : i32
          %dma_start3A_115 = arith.constant 0 : i32
          %dma_start3A_116 = tpu.memref_slice %arg2[%dma_start3A_114, %dma_start3A_115] : memref<10000x64xf32, #tpu.memory_space<hbm>> -> memref<10000x64xf32, #tpu.memory_space<hbm>>
          tpu.enqueue_indirect_dma source(%dma_start3A_116 : memref<10000x64xf32, #tpu.memory_space<hbm>>) target(%arg12 : memref<128x64xf32, #tpu.memory_space<vmem>>) offsets(%dma_start3A_113 : memref<128xi32, #tpu.memory_space<vmem>>) semaphore(%arg16 : memref<!tpu.dma_semaphore, #tpu.memory_space<semaphore_mem>>)
        } else {
        }
        %add3A_99 = arith.constant 1 : i32
        %add3A_100 = arith.addi %mul3A_82, %add3A_99 : i32
        %dma_wait3A_101 = arith.constant 0 : i32
        %dma_wait3A_102 = tpu.memref_slice %arg10[%add3A_100, %dma_wait3A_101] : memref<20x128xi32, #tpu.memory_space<vmem>> -> memref<1x128xi32, #tpu.memory_space<vmem>>
        %dma_wait3A_103 = tpu.memref_squeeze %dma_wait3A_102 : memref<1x128xi32, #tpu.memory_space<vmem>> -> memref<128xi32, #tpu.memory_space<vmem>>
        %dma_wait3A_104 = arith.constant 0 : i32
        %dma_wait3A_105 = arith.constant 0 : i32
        %dma_wait3A_106 = tpu.memref_slice %arg2[%dma_wait3A_104, %dma_wait3A_105] : memref<10000x64xf32, #tpu.memory_space<hbm>> -> memref<10000x64xf32, #tpu.memory_space<hbm>>
        tpu.wait_indirect_dma semaphore(%arg17 : memref<!tpu.dma_semaphore, #tpu.memory_space<semaphore_mem>>) src(%dma_wait3A_106 : memref<10000x64xf32, #tpu.memory_space<hbm>>) dst(%arg13 : memref<128x64xf32, #tpu.memory_space<vmem>>)
        %add3A_107 = arith.constant 1 : i32
        %add3A_108 = arith.addi %mul3A_82, %add3A_107 : i32
        "tpu.region"() ({
          %run_scoped3A_109 = tpu.sem_alloc : memref<!tpu.dma_semaphore, #tpu.memory_space<semaphore_mem>>
          %dma_start3A_110 = arith.constant 0 : i32
          %dma_start3A_111 = tpu.memref_slice %arg11[%add3A_108, %dma_start3A_110] : memref<20x128xi32, #tpu.memory_space<vmem>> -> memref<1x128xi32, #tpu.memory_space<vmem>>
          %dma_start3A_112 = tpu.memref_squeeze %dma_start3A_111 : memref<1x128xi32, #tpu.memory_space<vmem>> -> memref<128xi32, #tpu.memory_space<vmem>>
          %dma_start3A_113 = arith.constant 0 : i32
          %dma_start3A_114 = arith.constant 0 : i32
          %dma_start3A_115 = tpu.memref_slice %arg9[%dma_start3A_113, %dma_start3A_114] : memref<10240x64xf32, #tpu.memory_space<vmem_shared>> -> memref<10240x64xf32, #tpu.memory_space<vmem_shared>>
          tpu.enqueue_indirect_dma source(%arg13 : memref<128x64xf32, #tpu.memory_space<vmem>>) target(%dma_start3A_115 : memref<10240x64xf32, #tpu.memory_space<vmem_shared>>) offsets(%dma_start3A_112 : memref<128xi32, #tpu.memory_space<vmem>>) semaphore(%run_scoped3A_109 : memref<!tpu.dma_semaphore, #tpu.memory_space<semaphore_mem>>) {add = true}
          %dma_wait3A_116 = arith.constant 0 : i32
          %dma_wait3A_117 = tpu.memref_slice %arg11[%add3A_108, %dma_wait3A_116] : memref<20x128xi32, #tpu.memory_space<vmem>> -> memref<1x128xi32, #tpu.memory_space<vmem>>
          %dma_wait3A_118 = tpu.memref_squeeze %dma_wait3A_117 : memref<1x128xi32, #tpu.memory_space<vmem>> -> memref<128xi32, #tpu.memory_space<vmem>>
          %dma_wait3A_119 = arith.constant 0 : i32
          %dma_wait3A_120 = arith.constant 0 : i32
          %dma_wait3A_121 = tpu.memref_slice %arg9[%dma_wait3A_119, %dma_wait3A_120] : memref<10240x64xf32, #tpu.memory_space<vmem_shared>> -> memref<10240x64xf32, #tpu.memory_space<vmem_shared>>
          tpu.wait_indirect_dma semaphore(%run_scoped3A_109 : memref<!tpu.dma_semaphore, #tpu.memory_space<semaphore_mem>>) src(%arg13 : memref<128x64xf32, #tpu.memory_space<vmem>>) dst(%dma_wait3A_121 : memref<10240x64xf32, #tpu.memory_space<vmem_shared>>)
          tpu.yield
        }) : () -> ()
      }
      %scan3A_79 = arith.constant 10 : i32
    }
    %while3A_27 = arith.constant 1 : i32
    scf.for %while3A_43 = %while3A_25 to %while3A_21 step %while3A_27  : i32 {
      %dma_start3A_44 = arith.constant 0 : i32
      %dma_start3A_45 = tpu.memref_slice %arg15[%while3A_43, %dma_start3A_44] : memref<7x20xi32, #tpu.memory_space<vmem>> -> memref<1x20xi32, #tpu.memory_space<vmem>>
      %dma_start3A_46 = tpu.memref_squeeze %dma_start3A_45 : memref<1x20xi32, #tpu.memory_space<vmem>> -> memref<20xi32, #tpu.memory_space<vmem>>
      %dma_start3A_47 = arith.constant 0 : i32
      %dma_start3A_48 = arith.constant 0 : i32
      %dma_start3A_49 = tpu.memref_slice %arg3[%dma_start3A_47, %dma_start3A_48] : memref<2560x128xi32, #tpu.memory_space<hbm>> -> memref<2560x128xi32, #tpu.memory_space<hbm>>
      tpu.enqueue_indirect_dma source(%dma_start3A_49 : memref<2560x128xi32, #tpu.memory_space<hbm>>) target(%arg10 : memref<20x128xi32, #tpu.memory_space<vmem>>) offsets(%dma_start3A_46 : memref<20xi32, #tpu.memory_space<vmem>>) semaphore(%arg16 : memref<!tpu.dma_semaphore, #tpu.memory_space<semaphore_mem>>)
      %dma_start3A_50 = arith.constant 0 : i32
      %dma_start3A_51 = tpu.memref_slice %arg15[%while3A_43, %dma_start3A_50] : memref<7x20xi32, #tpu.memory_space<vmem>> -> memref<1x20xi32, #tpu.memory_space<vmem>>
      %dma_start3A_52 = tpu.memref_squeeze %dma_start3A_51 : memref<1x20xi32, #tpu.memory_space<vmem>> -> memref<20xi32, #tpu.memory_space<vmem>>
      %dma_start3A_53 = arith.constant 0 : i32
      %dma_start3A_54 = arith.constant 0 : i32
      %dma_start3A_55 = tpu.memref_slice %arg4[%dma_start3A_53, %dma_start3A_54] : memref<2560x128xi32, #tpu.memory_space<hbm>> -> memref<2560x128xi32, #tpu.memory_space<hbm>>
      tpu.enqueue_indirect_dma source(%dma_start3A_55 : memref<2560x128xi32, #tpu.memory_space<hbm>>) target(%arg11 : memref<20x128xi32, #tpu.memory_space<vmem>>) offsets(%dma_start3A_52 : memref<20xi32, #tpu.memory_space<vmem>>) semaphore(%arg17 : memref<!tpu.dma_semaphore, #tpu.memory_space<semaphore_mem>>)
      %dma_wait3A_56 = arith.constant 0 : i32
      %dma_wait3A_57 = tpu.memref_slice %arg15[%while3A_43, %dma_wait3A_56] : memref<7x20xi32, #tpu.memory_space<vmem>> -> memref<1x20xi32, #tpu.memory_space<vmem>>
      %dma_wait3A_58 = tpu.memref_squeeze %dma_wait3A_57 : memref<1x20xi32, #tpu.memory_space<vmem>> -> memref<20xi32, #tpu.memory_space<vmem>>
      %dma_wait3A_59 = arith.constant 0 : i32
      %dma_wait3A_60 = arith.constant 0 : i32
      %dma_wait3A_61 = tpu.memref_slice %arg3[%dma_wait3A_59, %dma_wait3A_60] : memref<2560x128xi32, #tpu.memory_space<hbm>> -> memref<2560x128xi32, #tpu.memory_space<hbm>>
      tpu.wait_indirect_dma semaphore(%arg16 : memref<!tpu.dma_semaphore, #tpu.memory_space<semaphore_mem>>) src(%dma_wait3A_61 : memref<2560x128xi32, #tpu.memory_space<hbm>>) dst(%arg10 : memref<20x128xi32, #tpu.memory_space<vmem>>)
      %dma_wait3A_62 = arith.constant 0 : i32
      %dma_wait3A_63 = tpu.memref_slice %arg15[%while3A_43, %dma_wait3A_62] : memref<7x20xi32, #tpu.memory_space<vmem>> -> memref<1x20xi32, #tpu.memory_space<vmem>>
      %dma_wait3A_64 = tpu.memref_squeeze %dma_wait3A_63 : memref<1x20xi32, #tpu.memory_space<vmem>> -> memref<20xi32, #tpu.memory_space<vmem>>
      %dma_wait3A_65 = arith.constant 0 : i32
      %dma_wait3A_66 = arith.constant 0 : i32
      %dma_wait3A_67 = tpu.memref_slice %arg4[%dma_wait3A_65, %dma_wait3A_66] : memref<2560x128xi32, #tpu.memory_space<hbm>> -> memref<2560x128xi32, #tpu.memory_space<hbm>>
      tpu.wait_indirect_dma semaphore(%arg17 : memref<!tpu.dma_semaphore, #tpu.memory_space<semaphore_mem>>) src(%dma_wait3A_67 : memref<2560x128xi32, #tpu.memory_space<hbm>>) dst(%arg11 : memref<20x128xi32, #tpu.memory_space<vmem>>)
      %dma_start3A_68 = arith.constant 0 : i32
      %dma_start3A_69 = arith.constant 0 : i32
      %dma_start3A_70 = tpu.memref_slice %arg10[%dma_start3A_68, %dma_start3A_69] : memref<20x128xi32, #tpu.memory_space<vmem>> -> memref<1x128xi32, #tpu.memory_space<vmem>>
      %dma_start3A_71 = tpu.memref_squeeze %dma_start3A_70 : memref<1x128xi32, #tpu.memory_space<vmem>> -> memref<128xi32, #tpu.memory_space<vmem>>
      %dma_start3A_72 = arith.constant 0 : i32
      %dma_start3A_73 = arith.constant 0 : i32
      %dma_start3A_74 = tpu.memref_slice %arg2[%dma_start3A_72, %dma_start3A_73] : memref<10000x64xf32, #tpu.memory_space<hbm>> -> memref<10000x64xf32, #tpu.memory_space<hbm>>
      tpu.enqueue_indirect_dma source(%dma_start3A_74 : memref<10000x64xf32, #tpu.memory_space<hbm>>) target(%arg12 : memref<128x64xf32, #tpu.memory_space<vmem>>) offsets(%dma_start3A_71 : memref<128xi32, #tpu.memory_space<vmem>>) semaphore(%arg16 : memref<!tpu.dma_semaphore, #tpu.memory_space<semaphore_mem>>)
      %scan3A = arith.constant 0 : i32
      %scan3A_75 = arith.constant 0 : i32
      %scan3A_76 = arith.constant 10 : i32
      %scan3A_77 = arith.addi %scan3A_75, %scan3A_76 : i32
      %scan3A_78 = arith.constant 1 : i32
      scf.for %scan3A_80 = %scan3A_75 to %scan3A_77 step %scan3A_78  : i32 {
        %mul3A_81 = arith.constant 2 : i32
        %mul3A_82 = arith.muli %mul3A_81, %scan3A_80 : i32
        %add3A_83 = arith.constant 1 : i32
        %add3A_84 = arith.addi %mul3A_82, %add3A_83 : i32
        %dma_start3A_85 = arith.constant 0 : i32
        %dma_start3A_86 = tpu.memref_slice %arg10[%add3A_84, %dma_start3A_85] : memref<20x128xi32, #tpu.memory_space<vmem>> -> memref<1x128xi32, #tpu.memory_space<vmem>>
        %dma_start3A_87 = tpu.memref_squeeze %dma_start3A_86 : memref<1x128xi32, #tpu.memory_space<vmem>> -> memref<128xi32, #tpu.memory_space<vmem>>
        %dma_start3A_88 = arith.constant 0 : i32
        %dma_start3A_89 = arith.constant 0 : i32
        %dma_start3A_90 = tpu.memref_slice %arg2[%dma_start3A_88, %dma_start3A_89] : memref<10000x64xf32, #tpu.memory_space<hbm>> -> memref<10000x64xf32, #tpu.memory_space<hbm>>
        tpu.enqueue_indirect_dma source(%dma_start3A_90 : memref<10000x64xf32, #tpu.memory_space<hbm>>) target(%arg13 : memref<128x64xf32, #tpu.memory_space<vmem>>) offsets(%dma_start3A_87 : memref<128xi32, #tpu.memory_space<vmem>>) semaphore(%arg17 : memref<!tpu.dma_semaphore, #tpu.memory_space<semaphore_mem>>)
        %dma_wait3A_91 = arith.constant 0 : i32
        %dma_wait3A_92 = tpu.memref_slice %arg10[%mul3A_82, %dma_wait3A_91] : memref<20x128xi32, #tpu.memory_space<vmem>> -> memref<1x128xi32, #tpu.memory_space<vmem>>
        %dma_wait3A_93 = tpu.memref_squeeze %dma_wait3A_92 : memref<1x128xi32, #tpu.memory_space<vmem>> -> memref<128xi32, #tpu.memory_space<vmem>>
        %dma_wait3A_94 = arith.constant 0 : i32
        %dma_wait3A_95 = arith.constant 0 : i32
        %dma_wait3A_96 = tpu.memref_slice %arg2[%dma_wait3A_94, %dma_wait3A_95] : memref<10000x64xf32, #tpu.memory_space<hbm>> -> memref<10000x64xf32, #tpu.memory_space<hbm>>
        tpu.wait_indirect_dma semaphore(%arg16 : memref<!tpu.dma_semaphore, #tpu.memory_space<semaphore_mem>>) src(%dma_wait3A_96 : memref<10000x64xf32, #tpu.memory_space<hbm>>) dst(%arg12 : memref<128x64xf32, #tpu.memory_space<vmem>>)
        "tpu.region"() ({
          %run_scoped3A_109 = tpu.sem_alloc : memref<!tpu.dma_semaphore, #tpu.memory_space<semaphore_mem>>
          %dma_start3A_110 = arith.constant 0 : i32
          %dma_start3A_111 = tpu.memref_slice %arg11[%mul3A_82, %dma_start3A_110] : memref<20x128xi32, #tpu.memory_space<vmem>> -> memref<1x128xi32, #tpu.memory_space<vmem>>
          %dma_start3A_112 = tpu.memref_squeeze %dma_start3A_111 : memref<1x128xi32, #tpu.memory_space<vmem>> -> memref<128xi32, #tpu.memory_space<vmem>>
          %dma_start3A_113 = arith.constant 0 : i32
          %dma_start3A_114 = arith.constant 0 : i32
          %dma_start3A_115 = tpu.memref_slice %arg9[%dma_start3A_113, %dma_start3A_114] : memref<10240x64xf32, #tpu.memory_space<vmem_shared>> -> memref<10240x64xf32, #tpu.memory_space<vmem_shared>>
          tpu.enqueue_indirect_dma source(%arg12 : memref<128x64xf32, #tpu.memory_space<vmem>>) target(%dma_start3A_115 : memref<10240x64xf32, #tpu.memory_space<vmem_shared>>) offsets(%dma_start3A_112 : memref<128xi32, #tpu.memory_space<vmem>>) semaphore(%run_scoped3A_109 : memref<!tpu.dma_semaphore, #tpu.memory_space<semaphore_mem>>) {add = true}
          %dma_wait3A_116 = arith.constant 0 : i32
          %dma_wait3A_117 = tpu.memref_slice %arg11[%mul3A_82, %dma_wait3A_116] : memref<20x128xi32, #tpu.memory_space<vmem>> -> memref<1x128xi32, #tpu.memory_space<vmem>>
          %dma_wait3A_118 = tpu.memref_squeeze %dma_wait3A_117 : memref<1x128xi32, #tpu.memory_space<vmem>> -> memref<128xi32, #tpu.memory_space<vmem>>
          %dma_wait3A_119 = arith.constant 0 : i32
          %dma_wait3A_120 = arith.constant 0 : i32
          %dma_wait3A_121 = tpu.memref_slice %arg9[%dma_wait3A_119, %dma_wait3A_120] : memref<10240x64xf32, #tpu.memory_space<vmem_shared>> -> memref<10240x64xf32, #tpu.memory_space<vmem_shared>>
          tpu.wait_indirect_dma semaphore(%run_scoped3A_109 : memref<!tpu.dma_semaphore, #tpu.memory_space<semaphore_mem>>) src(%arg12 : memref<128x64xf32, #tpu.memory_space<vmem>>) dst(%dma_wait3A_121 : memref<10240x64xf32, #tpu.memory_space<vmem_shared>>)
          tpu.yield
        }) : () -> ()
        %lt3A = arith.constant 9 : i32
        %lt3A_97 = arith.cmpi slt, %scan3A_80, %lt3A : i32
        %convert_element_type3A = arith.extui %lt3A_97 : i1 to i32
        %cond3A = arith.constant 0 : i32
        %cond3A_98 = arith.cmpi ne, %convert_element_type3A, %cond3A : i32
        scf.if %cond3A_98 {
          %add3A_109 = arith.constant 2 : i32
          %add3A_110 = arith.addi %mul3A_82, %add3A_109 : i32
          %dma_start3A_111 = arith.constant 0 : i32
          %dma_start3A_112 = tpu.memref_slice %arg10[%add3A_110, %dma_start3A_111] : memref<20x128xi32, #tpu.memory_space<vmem>> -> memref<1x128xi32, #tpu.memory_space<vmem>>
          %dma_start3A_113 = tpu.memref_squeeze %dma_start3A_112 : memref<1x128xi32, #tpu.memory_space<vmem>> -> memref<128xi32, #tpu.memory_space<vmem>>
          %dma_start3A_114 = arith.constant 0 : i32
          %dma_start3A_115 = arith.constant 0 : i32
          %dma_start3A_116 = tpu.memref_slice %arg2[%dma_start3A_114, %dma_start3A_115] : memref<10000x64xf32, #tpu.memory_space<hbm>> -> memref<10000x64xf32, #tpu.memory_space<hbm>>
          tpu.enqueue_indirect_dma source(%dma_start3A_116 : memref<10000x64xf32, #tpu.memory_space<hbm>>) target(%arg12 : memref<128x64xf32, #tpu.memory_space<vmem>>) offsets(%dma_start3A_113 : memref<128xi32, #tpu.memory_space<vmem>>) semaphore(%arg16 : memref<!tpu.dma_semaphore, #tpu.memory_space<semaphore_mem>>)
        } else {
        }
        %add3A_99 = arith.constant 1 : i32
        %add3A_100 = arith.addi %mul3A_82, %add3A_99 : i32
        %dma_wait3A_101 = arith.constant 0 : i32
        %dma_wait3A_102 = tpu.memref_slice %arg10[%add3A_100, %dma_wait3A_101] : memref<20x128xi32, #tpu.memory_space<vmem>> -> memref<1x128xi32, #tpu.memory_space<vmem>>
        %dma_wait3A_103 = tpu.memref_squeeze %dma_wait3A_102 : memref<1x128xi32, #tpu.memory_space<vmem>> -> memref<128xi32, #tpu.memory_space<vmem>>
        %dma_wait3A_104 = arith.constant 0 : i32
        %dma_wait3A_105 = arith.constant 0 : i32
        %dma_wait3A_106 = tpu.memref_slice %arg2[%dma_wait3A_104, %dma_wait3A_105] : memref<10000x64xf32, #tpu.memory_space<hbm>> -> memref<10000x64xf32, #tpu.memory_space<hbm>>
        tpu.wait_indirect_dma semaphore(%arg17 : memref<!tpu.dma_semaphore, #tpu.memory_space<semaphore_mem>>) src(%dma_wait3A_106 : memref<10000x64xf32, #tpu.memory_space<hbm>>) dst(%arg13 : memref<128x64xf32, #tpu.memory_space<vmem>>)
        %add3A_107 = arith.constant 1 : i32
        %add3A_108 = arith.addi %mul3A_82, %add3A_107 : i32
        "tpu.region"() ({
          %run_scoped3A_109 = tpu.sem_alloc : memref<!tpu.dma_semaphore, #tpu.memory_space<semaphore_mem>>
          %dma_start3A_110 = arith.constant 0 : i32
          %dma_start3A_111 = tpu.memref_slice %arg11[%add3A_108, %dma_start3A_110] : memref<20x128xi32, #tpu.memory_space<vmem>> -> memref<1x128xi32, #tpu.memory_space<vmem>>
          %dma_start3A_112 = tpu.memref_squeeze %dma_start3A_111 : memref<1x128xi32, #tpu.memory_space<vmem>> -> memref<128xi32, #tpu.memory_space<vmem>>
          %dma_start3A_113 = arith.constant 0 : i32
          %dma_start3A_114 = arith.constant 0 : i32
          %dma_start3A_115 = tpu.memref_slice %arg9[%dma_start3A_113, %dma_start3A_114] : memref<10240x64xf32, #tpu.memory_space<vmem_shared>> -> memref<10240x64xf32, #tpu.memory_space<vmem_shared>>
          tpu.enqueue_indirect_dma source(%arg13 : memref<128x64xf32, #tpu.memory_space<vmem>>) target(%dma_start3A_115 : memref<10240x64xf32, #tpu.memory_space<vmem_shared>>) offsets(%dma_start3A_112 : memref<128xi32, #tpu.memory_space<vmem>>) semaphore(%run_scoped3A_109 : memref<!tpu.dma_semaphore, #tpu.memory_space<semaphore_mem>>) {add = true}
          %dma_wait3A_116 = arith.constant 0 : i32
          %dma_wait3A_117 = tpu.memref_slice %arg11[%add3A_108, %dma_wait3A_116] : memref<20x128xi32, #tpu.memory_space<vmem>> -> memref<1x128xi32, #tpu.memory_space<vmem>>
          %dma_wait3A_118 = tpu.memref_squeeze %dma_wait3A_117 : memref<1x128xi32, #tpu.memory_space<vmem>> -> memref<128xi32, #tpu.memory_space<vmem>>
          %dma_wait3A_119 = arith.constant 0 : i32
          %dma_wait3A_120 = arith.constant 0 : i32
          %dma_wait3A_121 = tpu.memref_slice %arg9[%dma_wait3A_119, %dma_wait3A_120] : memref<10240x64xf32, #tpu.memory_space<vmem_shared>> -> memref<10240x64xf32, #tpu.memory_space<vmem_shared>>
          tpu.wait_indirect_dma semaphore(%run_scoped3A_109 : memref<!tpu.dma_semaphore, #tpu.memory_space<semaphore_mem>>) src(%arg13 : memref<128x64xf32, #tpu.memory_space<vmem>>) dst(%dma_wait3A_121 : memref<10240x64xf32, #tpu.memory_space<vmem_shared>>)
          tpu.yield
        }) : () -> ()
      }
      %scan3A_79 = arith.constant 10 : i32
    }
    %barrier3A_28 = arith.constant 0 : index
    tpu.barrier barrier_id(%barrier3A_28)
    %add3A = arith.constant 0 : i32
    %add3A_29 = arith.addi %mul3A_0, %add3A : i32
    "tpu.region"() ({
      %run_scoped3A_43 = tpu.sem_alloc : memref<!tpu.dma_semaphore, #tpu.memory_space<semaphore_mem>>
      %dma_start3A_44 = arith.constant 0 : i32
      %dma_start3A_45 = tpu.memref_slice %arg9[%add3A_29, %dma_start3A_44] : memref<10240x64xf32, #tpu.memory_space<vmem_shared>> -> memref<128x64xf32, #tpu.memory_space<vmem_shared>>
      %dma_start3A_46 = arith.constant 0 : i32
      %dma_start3A_47 = tpu.memref_slice %arg9[%add3A_29, %dma_start3A_46] : memref<10240x64xf32, #tpu.memory_space<vmem_shared>> -> memref<128x64xf32, #tpu.memory_space<vmem_shared>>
      tpu.enqueue_dma source(%dma_start3A_47 : memref<128x64xf32, #tpu.memory_space<vmem_shared>>) target(%arg12 : memref<128x64xf32, #tpu.memory_space<vmem>>) target_semaphore(%run_scoped3A_43 : memref<!tpu.dma_semaphore, #tpu.memory_space<semaphore_mem>>)
      %dma_wait3A_48 = arith.constant 0 : i32
      %dma_wait3A_49 = tpu.memref_slice %arg9[%add3A_29, %dma_wait3A_48] : memref<10240x64xf32, #tpu.memory_space<vmem_shared>> -> memref<128x64xf32, #tpu.memory_space<vmem_shared>>
      %dma_wait3A_50 = arith.constant 0 : i32
      %dma_wait3A_51 = tpu.memref_slice %arg9[%add3A_29, %dma_wait3A_50] : memref<10240x64xf32, #tpu.memory_space<vmem_shared>> -> memref<128x64xf32, #tpu.memory_space<vmem_shared>>
      tpu.wait_dma2 semaphore(%run_scoped3A_43 : memref<!tpu.dma_semaphore, #tpu.memory_space<semaphore_mem>>) src(%dma_wait3A_51 : memref<128x64xf32, #tpu.memory_space<vmem_shared>>) dst(%arg12 : memref<128x64xf32, #tpu.memory_space<vmem>>)
      tpu.yield
    }) : () -> ()
    %run_scoped3A_30 = arith.constant 0 : i32
    "tpu.region"() ({
      %run_scoped3A_43 = tpu.sem_alloc : memref<!tpu.dma_semaphore, #tpu.memory_space<semaphore_mem>>
      %dma_start3A_44 = arith.constant 0 : i32
      %dma_start3A_45 = tpu.memref_slice %arg14[%run_scoped3A_30, %dma_start3A_44] : memref<6x128xi32, #tpu.memory_space<vmem>> -> memref<1x128xi32, #tpu.memory_space<vmem>>
      %dma_start3A_46 = tpu.memref_squeeze %dma_start3A_45 : memref<1x128xi32, #tpu.memory_space<vmem>> -> memref<128xi32, #tpu.memory_space<vmem>>
      %dma_start3A_47 = arith.constant 0 : i32
      %dma_start3A_48 = arith.constant 0 : i32
      %dma_start3A_49 = tpu.memref_slice %arg8[%arg0, %dma_start3A_47, %dma_start3A_48] : memref<2x10240x64xf32, #tpu.memory_space<hbm>> -> memref<1x10240x64xf32, #tpu.memory_space<hbm>>
      %dma_start3A_50 = tpu.memref_squeeze %dma_start3A_49 : memref<1x10240x64xf32, #tpu.memory_space<hbm>> -> memref<10240x64xf32, #tpu.memory_space<hbm>>
      %dma_start3A_51 = arith.constant 0 : i32
      %dma_start3A_52 = arith.constant 0 : i32
      %dma_start3A_53 = tpu.memref_slice %dma_start3A_50[%dma_start3A_51, %dma_start3A_52] : memref<10240x64xf32, #tpu.memory_space<hbm>> -> memref<10240x64xf32, #tpu.memory_space<hbm>>
      tpu.enqueue_indirect_dma source(%arg12 : memref<128x64xf32, #tpu.memory_space<vmem>>) target(%dma_start3A_53 : memref<10240x64xf32, #tpu.memory_space<hbm>>) offsets(%dma_start3A_46 : memref<128xi32, #tpu.memory_space<vmem>>) semaphore(%run_scoped3A_43 : memref<!tpu.dma_semaphore, #tpu.memory_space<semaphore_mem>>)
      %dma_wait3A_54 = arith.constant 0 : i32
      %dma_wait3A_55 = tpu.memref_slice %arg14[%run_scoped3A_30, %dma_wait3A_54] : memref<6x128xi32, #tpu.memory_space<vmem>> -> memref<1x128xi32, #tpu.memory_space<vmem>>
      %dma_wait3A_56 = tpu.memref_squeeze %dma_wait3A_55 : memref<1x128xi32, #tpu.memory_space<vmem>> -> memref<128xi32, #tpu.memory_space<vmem>>
      %dma_wait3A_57 = arith.constant 0 : i32
      %dma_wait3A_58 = arith.constant 0 : i32
      %dma_wait3A_59 = tpu.memref_slice %arg8[%arg0, %dma_wait3A_57, %dma_wait3A_58] : memref<2x10240x64xf32, #tpu.memory_space<hbm>> -> memref<1x10240x64xf32, #tpu.memory_space<hbm>>
      %dma_wait3A_60 = tpu.memref_squeeze %dma_wait3A_59 : memref<1x10240x64xf32, #tpu.memory_space<hbm>> -> memref<10240x64xf32, #tpu.memory_space<hbm>>
      %dma_wait3A_61 = arith.constant 0 : i32
      %dma_wait3A_62 = arith.constant 0 : i32
      %dma_wait3A_63 = tpu.memref_slice %dma_wait3A_60[%dma_wait3A_61, %dma_wait3A_62] : memref<10240x64xf32, #tpu.memory_space<hbm>> -> memref<10240x64xf32, #tpu.memory_space<hbm>>
      tpu.wait_indirect_dma semaphore(%run_scoped3A_43 : memref<!tpu.dma_semaphore, #tpu.memory_space<semaphore_mem>>) src(%arg12 : memref<128x64xf32, #tpu.memory_space<vmem>>) dst(%dma_wait3A_63 : memref<10240x64xf32, #tpu.memory_space<hbm>>)
      tpu.yield
    }) : () -> ()
    %add3A_31 = arith.constant 128 : i32
    %add3A_32 = arith.addi %mul3A_0, %add3A_31 : i32
    "tpu.region"() ({
      %run_scoped3A_43 = tpu.sem_alloc : memref<!tpu.dma_semaphore, #tpu.memory_space<semaphore_mem>>
      %dma_start3A_44 = arith.constant 0 : i32
      %dma_start3A_45 = tpu.memref_slice %arg9[%add3A_32, %dma_start3A_44] : memref<10240x64xf32, #tpu.memory_space<vmem_shared>> -> memref<128x64xf32, #tpu.memory_space<vmem_shared>>
      %dma_start3A_46 = arith.constant 0 : i32
      %dma_start3A_47 = tpu.memref_slice %arg9[%add3A_32, %dma_start3A_46] : memref<10240x64xf32, #tpu.memory_space<vmem_shared>> -> memref<128x64xf32, #tpu.memory_space<vmem_shared>>
      tpu.enqueue_dma source(%dma_start3A_47 : memref<128x64xf32, #tpu.memory_space<vmem_shared>>) target(%arg12 : memref<128x64xf32, #tpu.memory_space<vmem>>) target_semaphore(%run_scoped3A_43 : memref<!tpu.dma_semaphore, #tpu.memory_space<semaphore_mem>>)
      %dma_wait3A_48 = arith.constant 0 : i32
      %dma_wait3A_49 = tpu.memref_slice %arg9[%add3A_32, %dma_wait3A_48] : memref<10240x64xf32, #tpu.memory_space<vmem_shared>> -> memref<128x64xf32, #tpu.memory_space<vmem_shared>>
      %dma_wait3A_50 = arith.constant 0 : i32
      %dma_wait3A_51 = tpu.memref_slice %arg9[%add3A_32, %dma_wait3A_50] : memref<10240x64xf32, #tpu.memory_space<vmem_shared>> -> memref<128x64xf32, #tpu.memory_space<vmem_shared>>
      tpu.wait_dma2 semaphore(%run_scoped3A_43 : memref<!tpu.dma_semaphore, #tpu.memory_space<semaphore_mem>>) src(%dma_wait3A_51 : memref<128x64xf32, #tpu.memory_space<vmem_shared>>) dst(%arg12 : memref<128x64xf32, #tpu.memory_space<vmem>>)
      tpu.yield
    }) : () -> ()
    %run_scoped3A_33 = arith.constant 1 : i32
    "tpu.region"() ({
      %run_scoped3A_43 = tpu.sem_alloc : memref<!tpu.dma_semaphore, #tpu.memory_space<semaphore_mem>>
      %dma_start3A_44 = arith.constant 0 : i32
      %dma_start3A_45 = tpu.memref_slice %arg14[%run_scoped3A_33, %dma_start3A_44] : memref<6x128xi32, #tpu.memory_space<vmem>> -> memref<1x128xi32, #tpu.memory_space<vmem>>
      %dma_start3A_46 = tpu.memref_squeeze %dma_start3A_45 : memref<1x128xi32, #tpu.memory_space<vmem>> -> memref<128xi32, #tpu.memory_space<vmem>>
      %dma_start3A_47 = arith.constant 0 : i32
      %dma_start3A_48 = arith.constant 0 : i32
      %dma_start3A_49 = tpu.memref_slice %arg8[%arg0, %dma_start3A_47, %dma_start3A_48] : memref<2x10240x64xf32, #tpu.memory_space<hbm>> -> memref<1x10240x64xf32, #tpu.memory_space<hbm>>
      %dma_start3A_50 = tpu.memref_squeeze %dma_start3A_49 : memref<1x10240x64xf32, #tpu.memory_space<hbm>> -> memref<10240x64xf32, #tpu.memory_space<hbm>>
      %dma_start3A_51 = arith.constant 0 : i32
      %dma_start3A_52 = arith.constant 0 : i32
      %dma_start3A_53 = tpu.memref_slice %dma_start3A_50[%dma_start3A_51, %dma_start3A_52] : memref<10240x64xf32, #tpu.memory_space<hbm>> -> memref<10240x64xf32, #tpu.memory_space<hbm>>
      tpu.enqueue_indirect_dma source(%arg12 : memref<128x64xf32, #tpu.memory_space<vmem>>) target(%dma_start3A_53 : memref<10240x64xf32, #tpu.memory_space<hbm>>) offsets(%dma_start3A_46 : memref<128xi32, #tpu.memory_space<vmem>>) semaphore(%run_scoped3A_43 : memref<!tpu.dma_semaphore, #tpu.memory_space<semaphore_mem>>)
      %dma_wait3A_54 = arith.constant 0 : i32
      %dma_wait3A_55 = tpu.memref_slice %arg14[%run_scoped3A_33, %dma_wait3A_54] : memref<6x128xi32, #tpu.memory_space<vmem>> -> memref<1x128xi32, #tpu.memory_space<vmem>>
      %dma_wait3A_56 = tpu.memref_squeeze %dma_wait3A_55 : memref<1x128xi32, #tpu.memory_space<vmem>> -> memref<128xi32, #tpu.memory_space<vmem>>
      %dma_wait3A_57 = arith.constant 0 : i32
      %dma_wait3A_58 = arith.constant 0 : i32
      %dma_wait3A_59 = tpu.memref_slice %arg8[%arg0, %dma_wait3A_57, %dma_wait3A_58] : memref<2x10240x64xf32, #tpu.memory_space<hbm>> -> memref<1x10240x64xf32, #tpu.memory_space<hbm>>
      %dma_wait3A_60 = tpu.memref_squeeze %dma_wait3A_59 : memref<1x10240x64xf32, #tpu.memory_space<hbm>> -> memref<10240x64xf32, #tpu.memory_space<hbm>>
      %dma_wait3A_61 = arith.constant 0 : i32
      %dma_wait3A_62 = arith.constant 0 : i32
      %dma_wait3A_63 = tpu.memref_slice %dma_wait3A_60[%dma_wait3A_61, %dma_wait3A_62] : memref<10240x64xf32, #tpu.memory_space<hbm>> -> memref<10240x64xf32, #tpu.memory_space<hbm>>
      tpu.wait_indirect_dma semaphore(%run_scoped3A_43 : memref<!tpu.dma_semaphore, #tpu.memory_space<semaphore_mem>>) src(%arg12 : memref<128x64xf32, #tpu.memory_space<vmem>>) dst(%dma_wait3A_63 : memref<10240x64xf32, #tpu.memory_space<hbm>>)
      tpu.yield
    }) : () -> ()
    %add3A_34 = arith.constant 256 : i32
    %add3A_35 = arith.addi %mul3A_0, %add3A_34 : i32
    "tpu.region"() ({
      %run_scoped3A_43 = tpu.sem_alloc : memref<!tpu.dma_semaphore, #tpu.memory_space<semaphore_mem>>
      %dma_start3A_44 = arith.constant 0 : i32
      %dma_start3A_45 = tpu.memref_slice %arg9[%add3A_35, %dma_start3A_44] : memref<10240x64xf32, #tpu.memory_space<vmem_shared>> -> memref<128x64xf32, #tpu.memory_space<vmem_shared>>
      %dma_start3A_46 = arith.constant 0 : i32
      %dma_start3A_47 = tpu.memref_slice %arg9[%add3A_35, %dma_start3A_46] : memref<10240x64xf32, #tpu.memory_space<vmem_shared>> -> memref<128x64xf32, #tpu.memory_space<vmem_shared>>
      tpu.enqueue_dma source(%dma_start3A_47 : memref<128x64xf32, #tpu.memory_space<vmem_shared>>) target(%arg12 : memref<128x64xf32, #tpu.memory_space<vmem>>) target_semaphore(%run_scoped3A_43 : memref<!tpu.dma_semaphore, #tpu.memory_space<semaphore_mem>>)
      %dma_wait3A_48 = arith.constant 0 : i32
      %dma_wait3A_49 = tpu.memref_slice %arg9[%add3A_35, %dma_wait3A_48] : memref<10240x64xf32, #tpu.memory_space<vmem_shared>> -> memref<128x64xf32, #tpu.memory_space<vmem_shared>>
      %dma_wait3A_50 = arith.constant 0 : i32
      %dma_wait3A_51 = tpu.memref_slice %arg9[%add3A_35, %dma_wait3A_50] : memref<10240x64xf32, #tpu.memory_space<vmem_shared>> -> memref<128x64xf32, #tpu.memory_space<vmem_shared>>
      tpu.wait_dma2 semaphore(%run_scoped3A_43 : memref<!tpu.dma_semaphore, #tpu.memory_space<semaphore_mem>>) src(%dma_wait3A_51 : memref<128x64xf32, #tpu.memory_space<vmem_shared>>) dst(%arg12 : memref<128x64xf32, #tpu.memory_space<vmem>>)
      tpu.yield
    }) : () -> ()
    %run_scoped3A_36 = arith.constant 2 : i32
    "tpu.region"() ({
      %run_scoped3A_43 = tpu.sem_alloc : memref<!tpu.dma_semaphore, #tpu.memory_space<semaphore_mem>>
      %dma_start3A_44 = arith.constant 0 : i32
      %dma_start3A_45 = tpu.memref_slice %arg14[%run_scoped3A_36, %dma_start3A_44] : memref<6x128xi32, #tpu.memory_space<vmem>> -> memref<1x128xi32, #tpu.memory_space<vmem>>
      %dma_start3A_46 = tpu.memref_squeeze %dma_start3A_45 : memref<1x128xi32, #tpu.memory_space<vmem>> -> memref<128xi32, #tpu.memory_space<vmem>>
      %dma_start3A_47 = arith.constant 0 : i32
      %dma_start3A_48 = arith.constant 0 : i32
      %dma_start3A_49 = tpu.memref_slice %arg8[%arg0, %dma_start3A_47, %dma_start3A_48] : memref<2x10240x64xf32, #tpu.memory_space<hbm>> -> memref<1x10240x64xf32, #tpu.memory_space<hbm>>
      %dma_start3A_50 = tpu.memref_squeeze %dma_start3A_49 : memref<1x10240x64xf32, #tpu.memory_space<hbm>> -> memref<10240x64xf32, #tpu.memory_space<hbm>>
      %dma_start3A_51 = arith.constant 0 : i32
      %dma_start3A_52 = arith.constant 0 : i32
      %dma_start3A_53 = tpu.memref_slice %dma_start3A_50[%dma_start3A_51, %dma_start3A_52] : memref<10240x64xf32, #tpu.memory_space<hbm>> -> memref<10240x64xf32, #tpu.memory_space<hbm>>
      tpu.enqueue_indirect_dma source(%arg12 : memref<128x64xf32, #tpu.memory_space<vmem>>) target(%dma_start3A_53 : memref<10240x64xf32, #tpu.memory_space<hbm>>) offsets(%dma_start3A_46 : memref<128xi32, #tpu.memory_space<vmem>>) semaphore(%run_scoped3A_43 : memref<!tpu.dma_semaphore, #tpu.memory_space<semaphore_mem>>)
      %dma_wait3A_54 = arith.constant 0 : i32
      %dma_wait3A_55 = tpu.memref_slice %arg14[%run_scoped3A_36, %dma_wait3A_54] : memref<6x128xi32, #tpu.memory_space<vmem>> -> memref<1x128xi32, #tpu.memory_space<vmem>>
      %dma_wait3A_56 = tpu.memref_squeeze %dma_wait3A_55 : memref<1x128xi32, #tpu.memory_space<vmem>> -> memref<128xi32, #tpu.memory_space<vmem>>
      %dma_wait3A_57 = arith.constant 0 : i32
      %dma_wait3A_58 = arith.constant 0 : i32
      %dma_wait3A_59 = tpu.memref_slice %arg8[%arg0, %dma_wait3A_57, %dma_wait3A_58] : memref<2x10240x64xf32, #tpu.memory_space<hbm>> -> memref<1x10240x64xf32, #tpu.memory_space<hbm>>
      %dma_wait3A_60 = tpu.memref_squeeze %dma_wait3A_59 : memref<1x10240x64xf32, #tpu.memory_space<hbm>> -> memref<10240x64xf32, #tpu.memory_space<hbm>>
      %dma_wait3A_61 = arith.constant 0 : i32
      %dma_wait3A_62 = arith.constant 0 : i32
      %dma_wait3A_63 = tpu.memref_slice %dma_wait3A_60[%dma_wait3A_61, %dma_wait3A_62] : memref<10240x64xf32, #tpu.memory_space<hbm>> -> memref<10240x64xf32, #tpu.memory_space<hbm>>
      tpu.wait_indirect_dma semaphore(%run_scoped3A_43 : memref<!tpu.dma_semaphore, #tpu.memory_space<semaphore_mem>>) src(%arg12 : memref<128x64xf32, #tpu.memory_space<vmem>>) dst(%dma_wait3A_63 : memref<10240x64xf32, #tpu.memory_space<hbm>>)
      tpu.yield
    }) : () -> ()
    %add3A_37 = arith.constant 384 : i32
    %add3A_38 = arith.addi %mul3A_0, %add3A_37 : i32
    "tpu.region"() ({
      %run_scoped3A_43 = tpu.sem_alloc : memref<!tpu.dma_semaphore, #tpu.memory_space<semaphore_mem>>
      %dma_start3A_44 = arith.constant 0 : i32
      %dma_start3A_45 = tpu.memref_slice %arg9[%add3A_38, %dma_start3A_44] : memref<10240x64xf32, #tpu.memory_space<vmem_shared>> -> memref<128x64xf32, #tpu.memory_space<vmem_shared>>
      %dma_start3A_46 = arith.constant 0 : i32
      %dma_start3A_47 = tpu.memref_slice %arg9[%add3A_38, %dma_start3A_46] : memref<10240x64xf32, #tpu.memory_space<vmem_shared>> -> memref<128x64xf32, #tpu.memory_space<vmem_shared>>
      tpu.enqueue_dma source(%dma_start3A_47 : memref<128x64xf32, #tpu.memory_space<vmem_shared>>) target(%arg12 : memref<128x64xf32, #tpu.memory_space<vmem>>) target_semaphore(%run_scoped3A_43 : memref<!tpu.dma_semaphore, #tpu.memory_space<semaphore_mem>>)
      %dma_wait3A_48 = arith.constant 0 : i32
      %dma_wait3A_49 = tpu.memref_slice %arg9[%add3A_38, %dma_wait3A_48] : memref<10240x64xf32, #tpu.memory_space<vmem_shared>> -> memref<128x64xf32, #tpu.memory_space<vmem_shared>>
      %dma_wait3A_50 = arith.constant 0 : i32
      %dma_wait3A_51 = tpu.memref_slice %arg9[%add3A_38, %dma_wait3A_50] : memref<10240x64xf32, #tpu.memory_space<vmem_shared>> -> memref<128x64xf32, #tpu.memory_space<vmem_shared>>
      tpu.wait_dma2 semaphore(%run_scoped3A_43 : memref<!tpu.dma_semaphore, #tpu.memory_space<semaphore_mem>>) src(%dma_wait3A_51 : memref<128x64xf32, #tpu.memory_space<vmem_shared>>) dst(%arg12 : memref<128x64xf32, #tpu.memory_space<vmem>>)
      tpu.yield
    }) : () -> ()
    %run_scoped3A_39 = arith.constant 3 : i32
    "tpu.region"() ({
      %run_scoped3A_43 = tpu.sem_alloc : memref<!tpu.dma_semaphore, #tpu.memory_space<semaphore_mem>>
      %dma_start3A_44 = arith.constant 0 : i32
      %dma_start3A_45 = tpu.memref_slice %arg14[%run_scoped3A_39, %dma_start3A_44] : memref<6x128xi32, #tpu.memory_space<vmem>> -> memref<1x128xi32, #tpu.memory_space<vmem>>
      %dma_start3A_46 = tpu.memref_squeeze %dma_start3A_45 : memref<1x128xi32, #tpu.memory_space<vmem>> -> memref<128xi32, #tpu.memory_space<vmem>>
      %dma_start3A_47 = arith.constant 0 : i32
      %dma_start3A_48 = arith.constant 0 : i32
      %dma_start3A_49 = tpu.memref_slice %arg8[%arg0, %dma_start3A_47, %dma_start3A_48] : memref<2x10240x64xf32, #tpu.memory_space<hbm>> -> memref<1x10240x64xf32, #tpu.memory_space<hbm>>
      %dma_start3A_50 = tpu.memref_squeeze %dma_start3A_49 : memref<1x10240x64xf32, #tpu.memory_space<hbm>> -> memref<10240x64xf32, #tpu.memory_space<hbm>>
      %dma_start3A_51 = arith.constant 0 : i32
      %dma_start3A_52 = arith.constant 0 : i32
      %dma_start3A_53 = tpu.memref_slice %dma_start3A_50[%dma_start3A_51, %dma_start3A_52] : memref<10240x64xf32, #tpu.memory_space<hbm>> -> memref<10240x64xf32, #tpu.memory_space<hbm>>
      tpu.enqueue_indirect_dma source(%arg12 : memref<128x64xf32, #tpu.memory_space<vmem>>) target(%dma_start3A_53 : memref<10240x64xf32, #tpu.memory_space<hbm>>) offsets(%dma_start3A_46 : memref<128xi32, #tpu.memory_space<vmem>>) semaphore(%run_scoped3A_43 : memref<!tpu.dma_semaphore, #tpu.memory_space<semaphore_mem>>)
      %dma_wait3A_54 = arith.constant 0 : i32
      %dma_wait3A_55 = tpu.memref_slice %arg14[%run_scoped3A_39, %dma_wait3A_54] : memref<6x128xi32, #tpu.memory_space<vmem>> -> memref<1x128xi32, #tpu.memory_space<vmem>>
      %dma_wait3A_56 = tpu.memref_squeeze %dma_wait3A_55 : memref<1x128xi32, #tpu.memory_space<vmem>> -> memref<128xi32, #tpu.memory_space<vmem>>
      %dma_wait3A_57 = arith.constant 0 : i32
      %dma_wait3A_58 = arith.constant 0 : i32
      %dma_wait3A_59 = tpu.memref_slice %arg8[%arg0, %dma_wait3A_57, %dma_wait3A_58] : memref<2x10240x64xf32, #tpu.memory_space<hbm>> -> memref<1x10240x64xf32, #tpu.memory_space<hbm>>
      %dma_wait3A_60 = tpu.memref_squeeze %dma_wait3A_59 : memref<1x10240x64xf32, #tpu.memory_space<hbm>> -> memref<10240x64xf32, #tpu.memory_space<hbm>>
      %dma_wait3A_61 = arith.constant 0 : i32
      %dma_wait3A_62 = arith.constant 0 : i32
      %dma_wait3A_63 = tpu.memref_slice %dma_wait3A_60[%dma_wait3A_61, %dma_wait3A_62] : memref<10240x64xf32, #tpu.memory_space<hbm>> -> memref<10240x64xf32, #tpu.memory_space<hbm>>
      tpu.wait_indirect_dma semaphore(%run_scoped3A_43 : memref<!tpu.dma_semaphore, #tpu.memory_space<semaphore_mem>>) src(%arg12 : memref<128x64xf32, #tpu.memory_space<vmem>>) dst(%dma_wait3A_63 : memref<10240x64xf32, #tpu.memory_space<hbm>>)
      tpu.yield
    }) : () -> ()
    %add3A_40 = arith.constant 512 : i32
    %add3A_41 = arith.addi %mul3A_0, %add3A_40 : i32
    "tpu.region"() ({
      %run_scoped3A_43 = tpu.sem_alloc : memref<!tpu.dma_semaphore, #tpu.memory_space<semaphore_mem>>
      %dma_start3A_44 = arith.constant 0 : i32
      %dma_start3A_45 = tpu.memref_slice %arg9[%add3A_41, %dma_start3A_44] : memref<10240x64xf32, #tpu.memory_space<vmem_shared>> -> memref<128x64xf32, #tpu.memory_space<vmem_shared>>
      %dma_start3A_46 = arith.constant 0 : i32
      %dma_start3A_47 = tpu.memref_slice %arg9[%add3A_41, %dma_start3A_46] : memref<10240x64xf32, #tpu.memory_space<vmem_shared>> -> memref<128x64xf32, #tpu.memory_space<vmem_shared>>
      tpu.enqueue_dma source(%dma_start3A_47 : memref<128x64xf32, #tpu.memory_space<vmem_shared>>) target(%arg12 : memref<128x64xf32, #tpu.memory_space<vmem>>) target_semaphore(%run_scoped3A_43 : memref<!tpu.dma_semaphore, #tpu.memory_space<semaphore_mem>>)
      %dma_wait3A_48 = arith.constant 0 : i32
      %dma_wait3A_49 = tpu.memref_slice %arg9[%add3A_41, %dma_wait3A_48] : memref<10240x64xf32, #tpu.memory_space<vmem_shared>> -> memref<128x64xf32, #tpu.memory_space<vmem_shared>>
      %dma_wait3A_50 = arith.constant 0 : i32
      %dma_wait3A_51 = tpu.memref_slice %arg9[%add3A_41, %dma_wait3A_50] : memref<10240x64xf32, #tpu.memory_space<vmem_shared>> -> memref<128x64xf32, #tpu.memory_space<vmem_shared>>
      tpu.wait_dma2 semaphore(%run_scoped3A_43 : memref<!tpu.dma_semaphore, #tpu.memory_space<semaphore_mem>>) src(%dma_wait3A_51 : memref<128x64xf32, #tpu.memory_space<vmem_shared>>) dst(%arg12 : memref<128x64xf32, #tpu.memory_space<vmem>>)
      tpu.yield
    }) : () -> ()
    %run_scoped3A_42 = arith.constant 4 : i32
    "tpu.region"() ({
      %run_scoped3A_43 = tpu.sem_alloc : memref<!tpu.dma_semaphore, #tpu.memory_space<semaphore_mem>>
      %dma_start3A_44 = arith.constant 0 : i32
      %dma_start3A_45 = tpu.memref_slice %arg14[%run_scoped3A_42, %dma_start3A_44] : memref<6x128xi32, #tpu.memory_space<vmem>> -> memref<1x128xi32, #tpu.memory_space<vmem>>
      %dma_start3A_46 = tpu.memref_squeeze %dma_start3A_45 : memref<1x128xi32, #tpu.memory_space<vmem>> -> memref<128xi32, #tpu.memory_space<vmem>>
      %dma_start3A_47 = arith.constant 0 : i32
      %dma_start3A_48 = arith.constant 0 : i32
      %dma_start3A_49 = tpu.memref_slice %arg8[%arg0, %dma_start3A_47, %dma_start3A_48] : memref<2x10240x64xf32, #tpu.memory_space<hbm>> -> memref<1x10240x64xf32, #tpu.memory_space<hbm>>
      %dma_start3A_50 = tpu.memref_squeeze %dma_start3A_49 : memref<1x10240x64xf32, #tpu.memory_space<hbm>> -> memref<10240x64xf32, #tpu.memory_space<hbm>>
      %dma_start3A_51 = arith.constant 0 : i32
      %dma_start3A_52 = arith.constant 0 : i32
      %dma_start3A_53 = tpu.memref_slice %dma_start3A_50[%dma_start3A_51, %dma_start3A_52] : memref<10240x64xf32, #tpu.memory_space<hbm>> -> memref<10240x64xf32, #tpu.memory_space<hbm>>
      tpu.enqueue_indirect_dma source(%arg12 : memref<128x64xf32, #tpu.memory_space<vmem>>) target(%dma_start3A_53 : memref<10240x64xf32, #tpu.memory_space<hbm>>) offsets(%dma_start3A_46 : memref<128xi32, #tpu.memory_space<vmem>>) semaphore(%run_scoped3A_43 : memref<!tpu.dma_semaphore, #tpu.memory_space<semaphore_mem>>)
      %dma_wait3A_54 = arith.constant 0 : i32
      %dma_wait3A_55 = tpu.memref_slice %arg14[%run_scoped3A_42, %dma_wait3A_54] : memref<6x128xi32, #tpu.memory_space<vmem>> -> memref<1x128xi32, #tpu.memory_space<vmem>>
      %dma_wait3A_56 = tpu.memref_squeeze %dma_wait3A_55 : memref<1x128xi32, #tpu.memory_space<vmem>> -> memref<128xi32, #tpu.memory_space<vmem>>
      %dma_wait3A_57 = arith.constant 0 : i32
      %dma_wait3A_58 = arith.constant 0 : i32
      %dma_wait3A_59 = tpu.memref_slice %arg8[%arg0, %dma_wait3A_57, %dma_wait3A_58] : memref<2x10240x64xf32, #tpu.memory_space<hbm>> -> memref<1x10240x64xf32, #tpu.memory_space<hbm>>
      %dma_wait3A_60 = tpu.memref_squeeze %dma_wait3A_59 : memref<1x10240x64xf32, #tpu.memory_space<hbm>> -> memref<10240x64xf32, #tpu.memory_space<hbm>>
      %dma_wait3A_61 = arith.constant 0 : i32
      %dma_wait3A_62 = arith.constant 0 : i32
      %dma_wait3A_63 = tpu.memref_slice %dma_wait3A_60[%dma_wait3A_61, %dma_wait3A_62] : memref<10240x64xf32, #tpu.memory_space<hbm>> -> memref<10240x64xf32, #tpu.memory_space<hbm>>
      tpu.wait_indirect_dma semaphore(%run_scoped3A_43 : memref<!tpu.dma_semaphore, #tpu.memory_space<semaphore_mem>>) src(%arg12 : memref<128x64xf32, #tpu.memory_space<vmem>>) dst(%dma_wait3A_63 : memref<10240x64xf32, #tpu.memory_space<hbm>>)
      tpu.yield
    }) : () -> ()
    return
  }
}

#map = affine_map<(d0, d1) -> (0, 0)>
#map1 = affine_map<(d0, d1) -> (0, 0, 0)>
#map2 = affine_map<(d0, d1) -> (0, 0, 0, 0)>
module attributes {stable_mosaic.version = 14 : i64} {
  func.func @seg_sum(%arg0: i32, %arg1: i32, %arg2: memref<10000x136xf32, #tpu.memory_space<hbm>>, %arg3: memref<2560x128xi32, #tpu.memory_space<hbm>>, %arg4: memref<2560x128xi32, #tpu.memory_space<hbm>>, %arg5: memref<128x136xf32, #tpu.memory_space<hbm>>, %arg6: memref<16x6x128xi32, #tpu.memory_space<hbm>>, %arg7: memref<2x16x6x20xi32, #tpu.memory_space<hbm>>, %arg8: memref<2x10240x136xf32, #tpu.memory_space<hbm>>, %arg9: memref<10240x136xf32, #tpu.memory_space<vmem_shared>>, %arg10: memref<20x128xi32, #tpu.memory_space<vmem>>, %arg11: memref<20x128xi32, #tpu.memory_space<vmem>>, %arg12: memref<128x136xf32, #tpu.memory_space<vmem>>, %arg13: memref<128x136xf32, #tpu.memory_space<vmem>>, %arg14: memref<6x128xi32, #tpu.memory_space<vmem>>, %arg15: memref<6x20xi32, #tpu.memory_space<vmem>>, %arg16: memref<!tpu.dma_semaphore, #tpu.memory_space<semaphore_mem>>, %arg17: memref<!tpu.dma_semaphore, #tpu.memory_space<semaphore_mem>>) attributes {dimension_semantics = [#tpu.dimension_semantics<core_parallel>, #tpu.dimension_semantics<subcore_parallel>], iteration_bounds = array<i64: 2, 16>, scalar_prefetch = 0 : i64, scratch_operands = 9 : i64, tpu.core_type = #tpu.core_type<sc_vector_subcore>, window_params = [{transform_indices = #map}, {transform_indices = #map}, {transform_indices = #map}, {transform_indices = #map}, {transform_indices = #map1}, {transform_indices = #map2}, {transform_indices = #map1}]} {
    %mul3A = arith.constant 640 : i32
    %mul3A_0 = arith.muli %arg1, %mul3A : i32
    "tpu.region"() ({
      %run_scoped3A_43 = tpu.sem_alloc : memref<!tpu.dma_semaphore, #tpu.memory_space<semaphore_mem>>
      %dma_start3A_44 = arith.constant 0 : i32
      %dma_start3A_45 = arith.constant 0 : i32
      %dma_start3A_46 = tpu.memref_slice %arg6[%arg1, %dma_start3A_44, %dma_start3A_45] : memref<16x6x128xi32, #tpu.memory_space<hbm>> -> memref<1x6x128xi32, #tpu.memory_space<hbm>>
      %dma_start3A_47 = tpu.memref_squeeze %dma_start3A_46 : memref<1x6x128xi32, #tpu.memory_space<hbm>> -> memref<6x128xi32, #tpu.memory_space<hbm>>
      %dma_start3A_48 = arith.constant 0 : i32
      %dma_start3A_49 = arith.constant 0 : i32
      %dma_start3A_50 = tpu.memref_slice %arg6[%arg1, %dma_start3A_48, %dma_start3A_49] : memref<16x6x128xi32, #tpu.memory_space<hbm>> -> memref<1x6x128xi32, #tpu.memory_space<hbm>>
      %dma_start3A_51 = tpu.memref_squeeze %dma_start3A_50 : memref<1x6x128xi32, #tpu.memory_space<hbm>> -> memref<6x128xi32, #tpu.memory_space<hbm>>
      tpu.enqueue_dma source(%dma_start3A_51 : memref<6x128xi32, #tpu.memory_space<hbm>>) target(%arg14 : memref<6x128xi32, #tpu.memory_space<vmem>>) target_semaphore(%run_scoped3A_43 : memref<!tpu.dma_semaphore, #tpu.memory_space<semaphore_mem>>)
      %dma_wait3A_52 = arith.constant 0 : i32
      %dma_wait3A_53 = arith.constant 0 : i32
      %dma_wait3A_54 = tpu.memref_slice %arg6[%arg1, %dma_wait3A_52, %dma_wait3A_53] : memref<16x6x128xi32, #tpu.memory_space<hbm>> -> memref<1x6x128xi32, #tpu.memory_space<hbm>>
      %dma_wait3A_55 = tpu.memref_squeeze %dma_wait3A_54 : memref<1x6x128xi32, #tpu.memory_space<hbm>> -> memref<6x128xi32, #tpu.memory_space<hbm>>
      %dma_wait3A_56 = arith.constant 0 : i32
      %dma_wait3A_57 = arith.constant 0 : i32
      %dma_wait3A_58 = tpu.memref_slice %arg6[%arg1, %dma_wait3A_56, %dma_wait3A_57] : memref<16x6x128xi32, #tpu.memory_space<hbm>> -> memref<1x6x128xi32, #tpu.memory_space<hbm>>
      %dma_wait3A_59 = tpu.memref_squeeze %dma_wait3A_58 : memref<1x6x128xi32, #tpu.memory_space<hbm>> -> memref<6x128xi32, #tpu.memory_space<hbm>>
      tpu.wait_dma2 semaphore(%run_scoped3A_43 : memref<!tpu.dma_semaphore, #tpu.memory_space<semaphore_mem>>) src(%dma_wait3A_59 : memref<6x128xi32, #tpu.memory_space<hbm>>) dst(%arg14 : memref<6x128xi32, #tpu.memory_space<vmem>>)
      tpu.yield
    }) : () -> ()
    "tpu.region"() ({
      %run_scoped3A_43 = tpu.sem_alloc : memref<!tpu.dma_semaphore, #tpu.memory_space<semaphore_mem>>
      %dma_start3A_44 = arith.constant 0 : i32
      %dma_start3A_45 = arith.constant 0 : i32
      %dma_start3A_46 = tpu.memref_slice %arg7[%arg0, %arg1, %dma_start3A_44, %dma_start3A_45] : memref<2x16x6x20xi32, #tpu.memory_space<hbm>> -> memref<1x1x6x20xi32, #tpu.memory_space<hbm>>
      %dma_start3A_47 = tpu.memref_squeeze %dma_start3A_46 : memref<1x1x6x20xi32, #tpu.memory_space<hbm>> -> memref<6x20xi32, #tpu.memory_space<hbm>>
      %dma_start3A_48 = arith.constant 0 : i32
      %dma_start3A_49 = arith.constant 0 : i32
      %dma_start3A_50 = tpu.memref_slice %arg7[%arg0, %arg1, %dma_start3A_48, %dma_start3A_49] : memref<2x16x6x20xi32, #tpu.memory_space<hbm>> -> memref<1x1x6x20xi32, #tpu.memory_space<hbm>>
      %dma_start3A_51 = tpu.memref_squeeze %dma_start3A_50 : memref<1x1x6x20xi32, #tpu.memory_space<hbm>> -> memref<6x20xi32, #tpu.memory_space<hbm>>
      tpu.enqueue_dma source(%dma_start3A_51 : memref<6x20xi32, #tpu.memory_space<hbm>>) target(%arg15 : memref<6x20xi32, #tpu.memory_space<vmem>>) target_semaphore(%run_scoped3A_43 : memref<!tpu.dma_semaphore, #tpu.memory_space<semaphore_mem>>)
      %dma_wait3A_52 = arith.constant 0 : i32
      %dma_wait3A_53 = arith.constant 0 : i32
      %dma_wait3A_54 = tpu.memref_slice %arg7[%arg0, %arg1, %dma_wait3A_52, %dma_wait3A_53] : memref<2x16x6x20xi32, #tpu.memory_space<hbm>> -> memref<1x1x6x20xi32, #tpu.memory_space<hbm>>
      %dma_wait3A_55 = tpu.memref_squeeze %dma_wait3A_54 : memref<1x1x6x20xi32, #tpu.memory_space<hbm>> -> memref<6x20xi32, #tpu.memory_space<hbm>>
      %dma_wait3A_56 = arith.constant 0 : i32
      %dma_wait3A_57 = arith.constant 0 : i32
      %dma_wait3A_58 = tpu.memref_slice %arg7[%arg0, %arg1, %dma_wait3A_56, %dma_wait3A_57] : memref<2x16x6x20xi32, #tpu.memory_space<hbm>> -> memref<1x1x6x20xi32, #tpu.memory_space<hbm>>
      %dma_wait3A_59 = tpu.memref_squeeze %dma_wait3A_58 : memref<1x1x6x20xi32, #tpu.memory_space<hbm>> -> memref<6x20xi32, #tpu.memory_space<hbm>>
      tpu.wait_dma2 semaphore(%run_scoped3A_43 : memref<!tpu.dma_semaphore, #tpu.memory_space<semaphore_mem>>) src(%dma_wait3A_59 : memref<6x20xi32, #tpu.memory_space<hbm>>) dst(%arg15 : memref<6x20xi32, #tpu.memory_space<vmem>>)
      tpu.yield
    }) : () -> ()
    %dma_start3A = arith.constant 5 : i32
    %dma_start3A_1 = arith.constant 0 : i32
    %dma_start3A_2 = tpu.memref_slice %arg14[%dma_start3A, %dma_start3A_1] : memref<6x128xi32, #tpu.memory_space<vmem>> -> memref<1x128xi32, #tpu.memory_space<vmem>>
    %dma_start3A_3 = tpu.memref_squeeze %dma_start3A_2 : memref<1x128xi32, #tpu.memory_space<vmem>> -> memref<128xi32, #tpu.memory_space<vmem>>
    %dma_start3A_4 = arith.constant 0 : i32
    %dma_start3A_5 = arith.constant 0 : i32
    %dma_start3A_6 = tpu.memref_slice %arg5[%dma_start3A_4, %dma_start3A_5] : memref<128x136xf32, #tpu.memory_space<hbm>> -> memref<128x136xf32, #tpu.memory_space<hbm>>
    tpu.enqueue_indirect_dma source(%dma_start3A_6 : memref<128x136xf32, #tpu.memory_space<hbm>>) target(%arg12 : memref<128x136xf32, #tpu.memory_space<vmem>>) offsets(%dma_start3A_3 : memref<128xi32, #tpu.memory_space<vmem>>) semaphore(%arg16 : memref<!tpu.dma_semaphore, #tpu.memory_space<semaphore_mem>>)
    %dma_wait3A = arith.constant 5 : i32
    %dma_wait3A_7 = arith.constant 0 : i32
    %dma_wait3A_8 = tpu.memref_slice %arg14[%dma_wait3A, %dma_wait3A_7] : memref<6x128xi32, #tpu.memory_space<vmem>> -> memref<1x128xi32, #tpu.memory_space<vmem>>
    %dma_wait3A_9 = tpu.memref_squeeze %dma_wait3A_8 : memref<1x128xi32, #tpu.memory_space<vmem>> -> memref<128xi32, #tpu.memory_space<vmem>>
    %dma_wait3A_10 = arith.constant 0 : i32
    %dma_wait3A_11 = arith.constant 0 : i32
    %dma_wait3A_12 = tpu.memref_slice %arg5[%dma_wait3A_10, %dma_wait3A_11] : memref<128x136xf32, #tpu.memory_space<hbm>> -> memref<128x136xf32, #tpu.memory_space<hbm>>
    tpu.wait_indirect_dma semaphore(%arg16 : memref<!tpu.dma_semaphore, #tpu.memory_space<semaphore_mem>>) src(%dma_wait3A_12 : memref<128x136xf32, #tpu.memory_space<hbm>>) dst(%arg12 : memref<128x136xf32, #tpu.memory_space<vmem>>)
    %run_scoped3A = arith.constant 0 : i32
    "tpu.region"() ({
      %run_scoped3A_43 = tpu.sem_alloc : memref<!tpu.dma_semaphore, #tpu.memory_space<semaphore_mem>>
      %dma_start3A_44 = arith.constant 0 : i32
      %dma_start3A_45 = tpu.memref_slice %arg14[%run_scoped3A, %dma_start3A_44] : memref<6x128xi32, #tpu.memory_space<vmem>> -> memref<1x128xi32, #tpu.memory_space<vmem>>
      %dma_start3A_46 = tpu.memref_squeeze %dma_start3A_45 : memref<1x128xi32, #tpu.memory_space<vmem>> -> memref<128xi32, #tpu.memory_space<vmem>>
      %dma_start3A_47 = arith.constant 0 : i32
      %dma_start3A_48 = arith.constant 0 : i32
      %dma_start3A_49 = tpu.memref_slice %arg9[%dma_start3A_47, %dma_start3A_48] : memref<10240x136xf32, #tpu.memory_space<vmem_shared>> -> memref<10240x136xf32, #tpu.memory_space<vmem_shared>>
      tpu.enqueue_indirect_dma source(%arg12 : memref<128x136xf32, #tpu.memory_space<vmem>>) target(%dma_start3A_49 : memref<10240x136xf32, #tpu.memory_space<vmem_shared>>) offsets(%dma_start3A_46 : memref<128xi32, #tpu.memory_space<vmem>>) semaphore(%run_scoped3A_43 : memref<!tpu.dma_semaphore, #tpu.memory_space<semaphore_mem>>)
      %dma_wait3A_50 = arith.constant 0 : i32
      %dma_wait3A_51 = tpu.memref_slice %arg14[%run_scoped3A, %dma_wait3A_50] : memref<6x128xi32, #tpu.memory_space<vmem>> -> memref<1x128xi32, #tpu.memory_space<vmem>>
      %dma_wait3A_52 = tpu.memref_squeeze %dma_wait3A_51 : memref<1x128xi32, #tpu.memory_space<vmem>> -> memref<128xi32, #tpu.memory_space<vmem>>
      %dma_wait3A_53 = arith.constant 0 : i32
      %dma_wait3A_54 = arith.constant 0 : i32
      %dma_wait3A_55 = tpu.memref_slice %arg9[%dma_wait3A_53, %dma_wait3A_54] : memref<10240x136xf32, #tpu.memory_space<vmem_shared>> -> memref<10240x136xf32, #tpu.memory_space<vmem_shared>>
      tpu.wait_indirect_dma semaphore(%run_scoped3A_43 : memref<!tpu.dma_semaphore, #tpu.memory_space<semaphore_mem>>) src(%arg12 : memref<128x136xf32, #tpu.memory_space<vmem>>) dst(%dma_wait3A_55 : memref<10240x136xf32, #tpu.memory_space<vmem_shared>>)
      tpu.yield
    }) : () -> ()
    %run_scoped3A_13 = arith.constant 1 : i32
    "tpu.region"() ({
      %run_scoped3A_43 = tpu.sem_alloc : memref<!tpu.dma_semaphore, #tpu.memory_space<semaphore_mem>>
      %dma_start3A_44 = arith.constant 0 : i32
      %dma_start3A_45 = tpu.memref_slice %arg14[%run_scoped3A_13, %dma_start3A_44] : memref<6x128xi32, #tpu.memory_space<vmem>> -> memref<1x128xi32, #tpu.memory_space<vmem>>
      %dma_start3A_46 = tpu.memref_squeeze %dma_start3A_45 : memref<1x128xi32, #tpu.memory_space<vmem>> -> memref<128xi32, #tpu.memory_space<vmem>>
      %dma_start3A_47 = arith.constant 0 : i32
      %dma_start3A_48 = arith.constant 0 : i32
      %dma_start3A_49 = tpu.memref_slice %arg9[%dma_start3A_47, %dma_start3A_48] : memref<10240x136xf32, #tpu.memory_space<vmem_shared>> -> memref<10240x136xf32, #tpu.memory_space<vmem_shared>>
      tpu.enqueue_indirect_dma source(%arg12 : memref<128x136xf32, #tpu.memory_space<vmem>>) target(%dma_start3A_49 : memref<10240x136xf32, #tpu.memory_space<vmem_shared>>) offsets(%dma_start3A_46 : memref<128xi32, #tpu.memory_space<vmem>>) semaphore(%run_scoped3A_43 : memref<!tpu.dma_semaphore, #tpu.memory_space<semaphore_mem>>)
      %dma_wait3A_50 = arith.constant 0 : i32
      %dma_wait3A_51 = tpu.memref_slice %arg14[%run_scoped3A_13, %dma_wait3A_50] : memref<6x128xi32, #tpu.memory_space<vmem>> -> memref<1x128xi32, #tpu.memory_space<vmem>>
      %dma_wait3A_52 = tpu.memref_squeeze %dma_wait3A_51 : memref<1x128xi32, #tpu.memory_space<vmem>> -> memref<128xi32, #tpu.memory_space<vmem>>
      %dma_wait3A_53 = arith.constant 0 : i32
      %dma_wait3A_54 = arith.constant 0 : i32
      %dma_wait3A_55 = tpu.memref_slice %arg9[%dma_wait3A_53, %dma_wait3A_54] : memref<10240x136xf32, #tpu.memory_space<vmem_shared>> -> memref<10240x136xf32, #tpu.memory_space<vmem_shared>>
      tpu.wait_indirect_dma semaphore(%run_scoped3A_43 : memref<!tpu.dma_semaphore, #tpu.memory_space<semaphore_mem>>) src(%arg12 : memref<128x136xf32, #tpu.memory_space<vmem>>) dst(%dma_wait3A_55 : memref<10240x136xf32, #tpu.memory_space<vmem_shared>>)
      tpu.yield
    }) : () -> ()
    %run_scoped3A_14 = arith.constant 2 : i32
    "tpu.region"() ({
      %run_scoped3A_43 = tpu.sem_alloc : memref<!tpu.dma_semaphore, #tpu.memory_space<semaphore_mem>>
      %dma_start3A_44 = arith.constant 0 : i32
      %dma_start3A_45 = tpu.memref_slice %arg14[%run_scoped3A_14, %dma_start3A_44] : memref<6x128xi32, #tpu.memory_space<vmem>> -> memref<1x128xi32, #tpu.memory_space<vmem>>
      %dma_start3A_46 = tpu.memref_squeeze %dma_start3A_45 : memref<1x128xi32, #tpu.memory_space<vmem>> -> memref<128xi32, #tpu.memory_space<vmem>>
      %dma_start3A_47 = arith.constant 0 : i32
      %dma_start3A_48 = arith.constant 0 : i32
      %dma_start3A_49 = tpu.memref_slice %arg9[%dma_start3A_47, %dma_start3A_48] : memref<10240x136xf32, #tpu.memory_space<vmem_shared>> -> memref<10240x136xf32, #tpu.memory_space<vmem_shared>>
      tpu.enqueue_indirect_dma source(%arg12 : memref<128x136xf32, #tpu.memory_space<vmem>>) target(%dma_start3A_49 : memref<10240x136xf32, #tpu.memory_space<vmem_shared>>) offsets(%dma_start3A_46 : memref<128xi32, #tpu.memory_space<vmem>>) semaphore(%run_scoped3A_43 : memref<!tpu.dma_semaphore, #tpu.memory_space<semaphore_mem>>)
      %dma_wait3A_50 = arith.constant 0 : i32
      %dma_wait3A_51 = tpu.memref_slice %arg14[%run_scoped3A_14, %dma_wait3A_50] : memref<6x128xi32, #tpu.memory_space<vmem>> -> memref<1x128xi32, #tpu.memory_space<vmem>>
      %dma_wait3A_52 = tpu.memref_squeeze %dma_wait3A_51 : memref<1x128xi32, #tpu.memory_space<vmem>> -> memref<128xi32, #tpu.memory_space<vmem>>
      %dma_wait3A_53 = arith.constant 0 : i32
      %dma_wait3A_54 = arith.constant 0 : i32
      %dma_wait3A_55 = tpu.memref_slice %arg9[%dma_wait3A_53, %dma_wait3A_54] : memref<10240x136xf32, #tpu.memory_space<vmem_shared>> -> memref<10240x136xf32, #tpu.memory_space<vmem_shared>>
      tpu.wait_indirect_dma semaphore(%run_scoped3A_43 : memref<!tpu.dma_semaphore, #tpu.memory_space<semaphore_mem>>) src(%arg12 : memref<128x136xf32, #tpu.memory_space<vmem>>) dst(%dma_wait3A_55 : memref<10240x136xf32, #tpu.memory_space<vmem_shared>>)
      tpu.yield
    }) : () -> ()
    %run_scoped3A_15 = arith.constant 3 : i32
    "tpu.region"() ({
      %run_scoped3A_43 = tpu.sem_alloc : memref<!tpu.dma_semaphore, #tpu.memory_space<semaphore_mem>>
      %dma_start3A_44 = arith.constant 0 : i32
      %dma_start3A_45 = tpu.memref_slice %arg14[%run_scoped3A_15, %dma_start3A_44] : memref<6x128xi32, #tpu.memory_space<vmem>> -> memref<1x128xi32, #tpu.memory_space<vmem>>
      %dma_start3A_46 = tpu.memref_squeeze %dma_start3A_45 : memref<1x128xi32, #tpu.memory_space<vmem>> -> memref<128xi32, #tpu.memory_space<vmem>>
      %dma_start3A_47 = arith.constant 0 : i32
      %dma_start3A_48 = arith.constant 0 : i32
      %dma_start3A_49 = tpu.memref_slice %arg9[%dma_start3A_47, %dma_start3A_48] : memref<10240x136xf32, #tpu.memory_space<vmem_shared>> -> memref<10240x136xf32, #tpu.memory_space<vmem_shared>>
      tpu.enqueue_indirect_dma source(%arg12 : memref<128x136xf32, #tpu.memory_space<vmem>>) target(%dma_start3A_49 : memref<10240x136xf32, #tpu.memory_space<vmem_shared>>) offsets(%dma_start3A_46 : memref<128xi32, #tpu.memory_space<vmem>>) semaphore(%run_scoped3A_43 : memref<!tpu.dma_semaphore, #tpu.memory_space<semaphore_mem>>)
      %dma_wait3A_50 = arith.constant 0 : i32
      %dma_wait3A_51 = tpu.memref_slice %arg14[%run_scoped3A_15, %dma_wait3A_50] : memref<6x128xi32, #tpu.memory_space<vmem>> -> memref<1x128xi32, #tpu.memory_space<vmem>>
      %dma_wait3A_52 = tpu.memref_squeeze %dma_wait3A_51 : memref<1x128xi32, #tpu.memory_space<vmem>> -> memref<128xi32, #tpu.memory_space<vmem>>
      %dma_wait3A_53 = arith.constant 0 : i32
      %dma_wait3A_54 = arith.constant 0 : i32
      %dma_wait3A_55 = tpu.memref_slice %arg9[%dma_wait3A_53, %dma_wait3A_54] : memref<10240x136xf32, #tpu.memory_space<vmem_shared>> -> memref<10240x136xf32, #tpu.memory_space<vmem_shared>>
      tpu.wait_indirect_dma semaphore(%run_scoped3A_43 : memref<!tpu.dma_semaphore, #tpu.memory_space<semaphore_mem>>) src(%arg12 : memref<128x136xf32, #tpu.memory_space<vmem>>) dst(%dma_wait3A_55 : memref<10240x136xf32, #tpu.memory_space<vmem_shared>>)
      tpu.yield
    }) : () -> ()
    %run_scoped3A_16 = arith.constant 4 : i32
    "tpu.region"() ({
      %run_scoped3A_43 = tpu.sem_alloc : memref<!tpu.dma_semaphore, #tpu.memory_space<semaphore_mem>>
      %dma_start3A_44 = arith.constant 0 : i32
      %dma_start3A_45 = tpu.memref_slice %arg14[%run_scoped3A_16, %dma_start3A_44] : memref<6x128xi32, #tpu.memory_space<vmem>> -> memref<1x128xi32, #tpu.memory_space<vmem>>
      %dma_start3A_46 = tpu.memref_squeeze %dma_start3A_45 : memref<1x128xi32, #tpu.memory_space<vmem>> -> memref<128xi32, #tpu.memory_space<vmem>>
      %dma_start3A_47 = arith.constant 0 : i32
      %dma_start3A_48 = arith.constant 0 : i32
      %dma_start3A_49 = tpu.memref_slice %arg9[%dma_start3A_47, %dma_start3A_48] : memref<10240x136xf32, #tpu.memory_space<vmem_shared>> -> memref<10240x136xf32, #tpu.memory_space<vmem_shared>>
      tpu.enqueue_indirect_dma source(%arg12 : memref<128x136xf32, #tpu.memory_space<vmem>>) target(%dma_start3A_49 : memref<10240x136xf32, #tpu.memory_space<vmem_shared>>) offsets(%dma_start3A_46 : memref<128xi32, #tpu.memory_space<vmem>>) semaphore(%run_scoped3A_43 : memref<!tpu.dma_semaphore, #tpu.memory_space<semaphore_mem>>)
      %dma_wait3A_50 = arith.constant 0 : i32
      %dma_wait3A_51 = tpu.memref_slice %arg14[%run_scoped3A_16, %dma_wait3A_50] : memref<6x128xi32, #tpu.memory_space<vmem>> -> memref<1x128xi32, #tpu.memory_space<vmem>>
      %dma_wait3A_52 = tpu.memref_squeeze %dma_wait3A_51 : memref<1x128xi32, #tpu.memory_space<vmem>> -> memref<128xi32, #tpu.memory_space<vmem>>
      %dma_wait3A_53 = arith.constant 0 : i32
      %dma_wait3A_54 = arith.constant 0 : i32
      %dma_wait3A_55 = tpu.memref_slice %arg9[%dma_wait3A_53, %dma_wait3A_54] : memref<10240x136xf32, #tpu.memory_space<vmem_shared>> -> memref<10240x136xf32, #tpu.memory_space<vmem_shared>>
      tpu.wait_indirect_dma semaphore(%run_scoped3A_43 : memref<!tpu.dma_semaphore, #tpu.memory_space<semaphore_mem>>) src(%arg12 : memref<128x136xf32, #tpu.memory_space<vmem>>) dst(%dma_wait3A_55 : memref<10240x136xf32, #tpu.memory_space<vmem_shared>>)
      tpu.yield
    }) : () -> ()
    %barrier3A = arith.constant 0 : index
    tpu.barrier barrier_id(%barrier3A)
    %eq3A = arith.constant 0 : i32
    %eq3A_17 = arith.cmpi eq, %arg0, %eq3A : i32
    %jit3A = arith.constant 6 : i32
    %jit3A_18 = arith.constant 2 : i32
    %select_n3A = arith.select %eq3A_17, %jit3A, %jit3A_18 : i32
    %while3A = arith.constant 0 : i32
    %while3A_19 = arith.constant 0 : i32
    %while3A_20 = arith.subi %select_n3A, %while3A_19 : i32
    %while3A_21 = arith.addi %while3A_19, %while3A_20 : i32
    %while3A_22 = arith.constant 1 : i32
    %while3A_23 = arith.divsi %while3A_20, %while3A_22 : i32
    %while3A_24 = arith.muli %while3A_23, %while3A_22 : i32
    %while3A_25 = arith.addi %while3A_19, %while3A_24 : i32
    %while3A_26 = arith.constant 1 : i32
    scf.for %while3A_43 = %while3A_19 to %while3A_25 step %while3A_26  : i32 {
      %dma_start3A_44 = arith.constant 0 : i32
      %dma_start3A_45 = tpu.memref_slice %arg15[%while3A_43, %dma_start3A_44] : memref<6x20xi32, #tpu.memory_space<vmem>> -> memref<1x20xi32, #tpu.memory_space<vmem>>
      %dma_start3A_46 = tpu.memref_squeeze %dma_start3A_45 : memref<1x20xi32, #tpu.memory_space<vmem>> -> memref<20xi32, #tpu.memory_space<vmem>>
      %dma_start3A_47 = arith.constant 0 : i32
      %dma_start3A_48 = arith.constant 0 : i32
      %dma_start3A_49 = tpu.memref_slice %arg3[%dma_start3A_47, %dma_start3A_48] : memref<2560x128xi32, #tpu.memory_space<hbm>> -> memref<2560x128xi32, #tpu.memory_space<hbm>>
      tpu.enqueue_indirect_dma source(%dma_start3A_49 : memref<2560x128xi32, #tpu.memory_space<hbm>>) target(%arg10 : memref<20x128xi32, #tpu.memory_space<vmem>>) offsets(%dma_start3A_46 : memref<20xi32, #tpu.memory_space<vmem>>) semaphore(%arg16 : memref<!tpu.dma_semaphore, #tpu.memory_space<semaphore_mem>>)
      %dma_start3A_50 = arith.constant 0 : i32
      %dma_start3A_51 = tpu.memref_slice %arg15[%while3A_43, %dma_start3A_50] : memref<6x20xi32, #tpu.memory_space<vmem>> -> memref<1x20xi32, #tpu.memory_space<vmem>>
      %dma_start3A_52 = tpu.memref_squeeze %dma_start3A_51 : memref<1x20xi32, #tpu.memory_space<vmem>> -> memref<20xi32, #tpu.memory_space<vmem>>
      %dma_start3A_53 = arith.constant 0 : i32
      %dma_start3A_54 = arith.constant 0 : i32
      %dma_start3A_55 = tpu.memref_slice %arg4[%dma_start3A_53, %dma_start3A_54] : memref<2560x128xi32, #tpu.memory_space<hbm>> -> memref<2560x128xi32, #tpu.memory_space<hbm>>
      tpu.enqueue_indirect_dma source(%dma_start3A_55 : memref<2560x128xi32, #tpu.memory_space<hbm>>) target(%arg11 : memref<20x128xi32, #tpu.memory_space<vmem>>) offsets(%dma_start3A_52 : memref<20xi32, #tpu.memory_space<vmem>>) semaphore(%arg17 : memref<!tpu.dma_semaphore, #tpu.memory_space<semaphore_mem>>)
      %dma_wait3A_56 = arith.constant 0 : i32
      %dma_wait3A_57 = tpu.memref_slice %arg15[%while3A_43, %dma_wait3A_56] : memref<6x20xi32, #tpu.memory_space<vmem>> -> memref<1x20xi32, #tpu.memory_space<vmem>>
      %dma_wait3A_58 = tpu.memref_squeeze %dma_wait3A_57 : memref<1x20xi32, #tpu.memory_space<vmem>> -> memref<20xi32, #tpu.memory_space<vmem>>
      %dma_wait3A_59 = arith.constant 0 : i32
      %dma_wait3A_60 = arith.constant 0 : i32
      %dma_wait3A_61 = tpu.memref_slice %arg3[%dma_wait3A_59, %dma_wait3A_60] : memref<2560x128xi32, #tpu.memory_space<hbm>> -> memref<2560x128xi32, #tpu.memory_space<hbm>>
      tpu.wait_indirect_dma semaphore(%arg16 : memref<!tpu.dma_semaphore, #tpu.memory_space<semaphore_mem>>) src(%dma_wait3A_61 : memref<2560x128xi32, #tpu.memory_space<hbm>>) dst(%arg10 : memref<20x128xi32, #tpu.memory_space<vmem>>)
      %dma_wait3A_62 = arith.constant 0 : i32
      %dma_wait3A_63 = tpu.memref_slice %arg15[%while3A_43, %dma_wait3A_62] : memref<6x20xi32, #tpu.memory_space<vmem>> -> memref<1x20xi32, #tpu.memory_space<vmem>>
      %dma_wait3A_64 = tpu.memref_squeeze %dma_wait3A_63 : memref<1x20xi32, #tpu.memory_space<vmem>> -> memref<20xi32, #tpu.memory_space<vmem>>
      %dma_wait3A_65 = arith.constant 0 : i32
      %dma_wait3A_66 = arith.constant 0 : i32
      %dma_wait3A_67 = tpu.memref_slice %arg4[%dma_wait3A_65, %dma_wait3A_66] : memref<2560x128xi32, #tpu.memory_space<hbm>> -> memref<2560x128xi32, #tpu.memory_space<hbm>>
      tpu.wait_indirect_dma semaphore(%arg17 : memref<!tpu.dma_semaphore, #tpu.memory_space<semaphore_mem>>) src(%dma_wait3A_67 : memref<2560x128xi32, #tpu.memory_space<hbm>>) dst(%arg11 : memref<20x128xi32, #tpu.memory_space<vmem>>)
      %dma_start3A_68 = arith.constant 0 : i32
      %dma_start3A_69 = arith.constant 0 : i32
      %dma_start3A_70 = tpu.memref_slice %arg10[%dma_start3A_68, %dma_start3A_69] : memref<20x128xi32, #tpu.memory_space<vmem>> -> memref<1x128xi32, #tpu.memory_space<vmem>>
      %dma_start3A_71 = tpu.memref_squeeze %dma_start3A_70 : memref<1x128xi32, #tpu.memory_space<vmem>> -> memref<128xi32, #tpu.memory_space<vmem>>
      %dma_start3A_72 = arith.constant 0 : i32
      %dma_start3A_73 = arith.constant 0 : i32
      %dma_start3A_74 = tpu.memref_slice %arg2[%dma_start3A_72, %dma_start3A_73] : memref<10000x136xf32, #tpu.memory_space<hbm>> -> memref<10000x136xf32, #tpu.memory_space<hbm>>
      tpu.enqueue_indirect_dma source(%dma_start3A_74 : memref<10000x136xf32, #tpu.memory_space<hbm>>) target(%arg12 : memref<128x136xf32, #tpu.memory_space<vmem>>) offsets(%dma_start3A_71 : memref<128xi32, #tpu.memory_space<vmem>>) semaphore(%arg16 : memref<!tpu.dma_semaphore, #tpu.memory_space<semaphore_mem>>)
      %scan3A = arith.constant 0 : i32
      %scan3A_75 = arith.constant 0 : i32
      %scan3A_76 = arith.constant 10 : i32
      %scan3A_77 = arith.addi %scan3A_75, %scan3A_76 : i32
      %scan3A_78 = arith.constant 1 : i32
      scf.for %scan3A_80 = %scan3A_75 to %scan3A_77 step %scan3A_78  : i32 {
        %mul3A_81 = arith.constant 2 : i32
        %mul3A_82 = arith.muli %mul3A_81, %scan3A_80 : i32
        %add3A_83 = arith.constant 1 : i32
        %add3A_84 = arith.addi %mul3A_82, %add3A_83 : i32
        %dma_start3A_85 = arith.constant 0 : i32
        %dma_start3A_86 = tpu.memref_slice %arg10[%add3A_84, %dma_start3A_85] : memref<20x128xi32, #tpu.memory_space<vmem>> -> memref<1x128xi32, #tpu.memory_space<vmem>>
        %dma_start3A_87 = tpu.memref_squeeze %dma_start3A_86 : memref<1x128xi32, #tpu.memory_space<vmem>> -> memref<128xi32, #tpu.memory_space<vmem>>
        %dma_start3A_88 = arith.constant 0 : i32
        %dma_start3A_89 = arith.constant 0 : i32
        %dma_start3A_90 = tpu.memref_slice %arg2[%dma_start3A_88, %dma_start3A_89] : memref<10000x136xf32, #tpu.memory_space<hbm>> -> memref<10000x136xf32, #tpu.memory_space<hbm>>
        tpu.enqueue_indirect_dma source(%dma_start3A_90 : memref<10000x136xf32, #tpu.memory_space<hbm>>) target(%arg13 : memref<128x136xf32, #tpu.memory_space<vmem>>) offsets(%dma_start3A_87 : memref<128xi32, #tpu.memory_space<vmem>>) semaphore(%arg17 : memref<!tpu.dma_semaphore, #tpu.memory_space<semaphore_mem>>)
        %dma_wait3A_91 = arith.constant 0 : i32
        %dma_wait3A_92 = tpu.memref_slice %arg10[%mul3A_82, %dma_wait3A_91] : memref<20x128xi32, #tpu.memory_space<vmem>> -> memref<1x128xi32, #tpu.memory_space<vmem>>
        %dma_wait3A_93 = tpu.memref_squeeze %dma_wait3A_92 : memref<1x128xi32, #tpu.memory_space<vmem>> -> memref<128xi32, #tpu.memory_space<vmem>>
        %dma_wait3A_94 = arith.constant 0 : i32
        %dma_wait3A_95 = arith.constant 0 : i32
        %dma_wait3A_96 = tpu.memref_slice %arg2[%dma_wait3A_94, %dma_wait3A_95] : memref<10000x136xf32, #tpu.memory_space<hbm>> -> memref<10000x136xf32, #tpu.memory_space<hbm>>
        tpu.wait_indirect_dma semaphore(%arg16 : memref<!tpu.dma_semaphore, #tpu.memory_space<semaphore_mem>>) src(%dma_wait3A_96 : memref<10000x136xf32, #tpu.memory_space<hbm>>) dst(%arg12 : memref<128x136xf32, #tpu.memory_space<vmem>>)
        "tpu.region"() ({
          %run_scoped3A_109 = tpu.sem_alloc : memref<!tpu.dma_semaphore, #tpu.memory_space<semaphore_mem>>
          %dma_start3A_110 = arith.constant 0 : i32
          %dma_start3A_111 = tpu.memref_slice %arg11[%mul3A_82, %dma_start3A_110] : memref<20x128xi32, #tpu.memory_space<vmem>> -> memref<1x128xi32, #tpu.memory_space<vmem>>
          %dma_start3A_112 = tpu.memref_squeeze %dma_start3A_111 : memref<1x128xi32, #tpu.memory_space<vmem>> -> memref<128xi32, #tpu.memory_space<vmem>>
          %dma_start3A_113 = arith.constant 0 : i32
          %dma_start3A_114 = arith.constant 0 : i32
          %dma_start3A_115 = tpu.memref_slice %arg9[%dma_start3A_113, %dma_start3A_114] : memref<10240x136xf32, #tpu.memory_space<vmem_shared>> -> memref<10240x136xf32, #tpu.memory_space<vmem_shared>>
          tpu.enqueue_indirect_dma source(%arg12 : memref<128x136xf32, #tpu.memory_space<vmem>>) target(%dma_start3A_115 : memref<10240x136xf32, #tpu.memory_space<vmem_shared>>) offsets(%dma_start3A_112 : memref<128xi32, #tpu.memory_space<vmem>>) semaphore(%run_scoped3A_109 : memref<!tpu.dma_semaphore, #tpu.memory_space<semaphore_mem>>) {add = true}
          %dma_wait3A_116 = arith.constant 0 : i32
          %dma_wait3A_117 = tpu.memref_slice %arg11[%mul3A_82, %dma_wait3A_116] : memref<20x128xi32, #tpu.memory_space<vmem>> -> memref<1x128xi32, #tpu.memory_space<vmem>>
          %dma_wait3A_118 = tpu.memref_squeeze %dma_wait3A_117 : memref<1x128xi32, #tpu.memory_space<vmem>> -> memref<128xi32, #tpu.memory_space<vmem>>
          %dma_wait3A_119 = arith.constant 0 : i32
          %dma_wait3A_120 = arith.constant 0 : i32
          %dma_wait3A_121 = tpu.memref_slice %arg9[%dma_wait3A_119, %dma_wait3A_120] : memref<10240x136xf32, #tpu.memory_space<vmem_shared>> -> memref<10240x136xf32, #tpu.memory_space<vmem_shared>>
          tpu.wait_indirect_dma semaphore(%run_scoped3A_109 : memref<!tpu.dma_semaphore, #tpu.memory_space<semaphore_mem>>) src(%arg12 : memref<128x136xf32, #tpu.memory_space<vmem>>) dst(%dma_wait3A_121 : memref<10240x136xf32, #tpu.memory_space<vmem_shared>>)
          tpu.yield
        }) : () -> ()
        %lt3A = arith.constant 9 : i32
        %lt3A_97 = arith.cmpi slt, %scan3A_80, %lt3A : i32
        %convert_element_type3A = arith.extui %lt3A_97 : i1 to i32
        %cond3A = arith.constant 0 : i32
        %cond3A_98 = arith.cmpi ne, %convert_element_type3A, %cond3A : i32
        scf.if %cond3A_98 {
          %add3A_109 = arith.constant 2 : i32
          %add3A_110 = arith.addi %mul3A_82, %add3A_109 : i32
          %dma_start3A_111 = arith.constant 0 : i32
          %dma_start3A_112 = tpu.memref_slice %arg10[%add3A_110, %dma_start3A_111] : memref<20x128xi32, #tpu.memory_space<vmem>> -> memref<1x128xi32, #tpu.memory_space<vmem>>
          %dma_start3A_113 = tpu.memref_squeeze %dma_start3A_112 : memref<1x128xi32, #tpu.memory_space<vmem>> -> memref<128xi32, #tpu.memory_space<vmem>>
          %dma_start3A_114 = arith.constant 0 : i32
          %dma_start3A_115 = arith.constant 0 : i32
          %dma_start3A_116 = tpu.memref_slice %arg2[%dma_start3A_114, %dma_start3A_115] : memref<10000x136xf32, #tpu.memory_space<hbm>> -> memref<10000x136xf32, #tpu.memory_space<hbm>>
          tpu.enqueue_indirect_dma source(%dma_start3A_116 : memref<10000x136xf32, #tpu.memory_space<hbm>>) target(%arg12 : memref<128x136xf32, #tpu.memory_space<vmem>>) offsets(%dma_start3A_113 : memref<128xi32, #tpu.memory_space<vmem>>) semaphore(%arg16 : memref<!tpu.dma_semaphore, #tpu.memory_space<semaphore_mem>>)
        } else {
        }
        %add3A_99 = arith.constant 1 : i32
        %add3A_100 = arith.addi %mul3A_82, %add3A_99 : i32
        %dma_wait3A_101 = arith.constant 0 : i32
        %dma_wait3A_102 = tpu.memref_slice %arg10[%add3A_100, %dma_wait3A_101] : memref<20x128xi32, #tpu.memory_space<vmem>> -> memref<1x128xi32, #tpu.memory_space<vmem>>
        %dma_wait3A_103 = tpu.memref_squeeze %dma_wait3A_102 : memref<1x128xi32, #tpu.memory_space<vmem>> -> memref<128xi32, #tpu.memory_space<vmem>>
        %dma_wait3A_104 = arith.constant 0 : i32
        %dma_wait3A_105 = arith.constant 0 : i32
        %dma_wait3A_106 = tpu.memref_slice %arg2[%dma_wait3A_104, %dma_wait3A_105] : memref<10000x136xf32, #tpu.memory_space<hbm>> -> memref<10000x136xf32, #tpu.memory_space<hbm>>
        tpu.wait_indirect_dma semaphore(%arg17 : memref<!tpu.dma_semaphore, #tpu.memory_space<semaphore_mem>>) src(%dma_wait3A_106 : memref<10000x136xf32, #tpu.memory_space<hbm>>) dst(%arg13 : memref<128x136xf32, #tpu.memory_space<vmem>>)
        %add3A_107 = arith.constant 1 : i32
        %add3A_108 = arith.addi %mul3A_82, %add3A_107 : i32
        "tpu.region"() ({
          %run_scoped3A_109 = tpu.sem_alloc : memref<!tpu.dma_semaphore, #tpu.memory_space<semaphore_mem>>
          %dma_start3A_110 = arith.constant 0 : i32
          %dma_start3A_111 = tpu.memref_slice %arg11[%add3A_108, %dma_start3A_110] : memref<20x128xi32, #tpu.memory_space<vmem>> -> memref<1x128xi32, #tpu.memory_space<vmem>>
          %dma_start3A_112 = tpu.memref_squeeze %dma_start3A_111 : memref<1x128xi32, #tpu.memory_space<vmem>> -> memref<128xi32, #tpu.memory_space<vmem>>
          %dma_start3A_113 = arith.constant 0 : i32
          %dma_start3A_114 = arith.constant 0 : i32
          %dma_start3A_115 = tpu.memref_slice %arg9[%dma_start3A_113, %dma_start3A_114] : memref<10240x136xf32, #tpu.memory_space<vmem_shared>> -> memref<10240x136xf32, #tpu.memory_space<vmem_shared>>
          tpu.enqueue_indirect_dma source(%arg13 : memref<128x136xf32, #tpu.memory_space<vmem>>) target(%dma_start3A_115 : memref<10240x136xf32, #tpu.memory_space<vmem_shared>>) offsets(%dma_start3A_112 : memref<128xi32, #tpu.memory_space<vmem>>) semaphore(%run_scoped3A_109 : memref<!tpu.dma_semaphore, #tpu.memory_space<semaphore_mem>>) {add = true}
          %dma_wait3A_116 = arith.constant 0 : i32
          %dma_wait3A_117 = tpu.memref_slice %arg11[%add3A_108, %dma_wait3A_116] : memref<20x128xi32, #tpu.memory_space<vmem>> -> memref<1x128xi32, #tpu.memory_space<vmem>>
          %dma_wait3A_118 = tpu.memref_squeeze %dma_wait3A_117 : memref<1x128xi32, #tpu.memory_space<vmem>> -> memref<128xi32, #tpu.memory_space<vmem>>
          %dma_wait3A_119 = arith.constant 0 : i32
          %dma_wait3A_120 = arith.constant 0 : i32
          %dma_wait3A_121 = tpu.memref_slice %arg9[%dma_wait3A_119, %dma_wait3A_120] : memref<10240x136xf32, #tpu.memory_space<vmem_shared>> -> memref<10240x136xf32, #tpu.memory_space<vmem_shared>>
          tpu.wait_indirect_dma semaphore(%run_scoped3A_109 : memref<!tpu.dma_semaphore, #tpu.memory_space<semaphore_mem>>) src(%arg13 : memref<128x136xf32, #tpu.memory_space<vmem>>) dst(%dma_wait3A_121 : memref<10240x136xf32, #tpu.memory_space<vmem_shared>>)
          tpu.yield
        }) : () -> ()
      }
      %scan3A_79 = arith.constant 10 : i32
    }
    %while3A_27 = arith.constant 1 : i32
    scf.for %while3A_43 = %while3A_25 to %while3A_21 step %while3A_27  : i32 {
      %dma_start3A_44 = arith.constant 0 : i32
      %dma_start3A_45 = tpu.memref_slice %arg15[%while3A_43, %dma_start3A_44] : memref<6x20xi32, #tpu.memory_space<vmem>> -> memref<1x20xi32, #tpu.memory_space<vmem>>
      %dma_start3A_46 = tpu.memref_squeeze %dma_start3A_45 : memref<1x20xi32, #tpu.memory_space<vmem>> -> memref<20xi32, #tpu.memory_space<vmem>>
      %dma_start3A_47 = arith.constant 0 : i32
      %dma_start3A_48 = arith.constant 0 : i32
      %dma_start3A_49 = tpu.memref_slice %arg3[%dma_start3A_47, %dma_start3A_48] : memref<2560x128xi32, #tpu.memory_space<hbm>> -> memref<2560x128xi32, #tpu.memory_space<hbm>>
      tpu.enqueue_indirect_dma source(%dma_start3A_49 : memref<2560x128xi32, #tpu.memory_space<hbm>>) target(%arg10 : memref<20x128xi32, #tpu.memory_space<vmem>>) offsets(%dma_start3A_46 : memref<20xi32, #tpu.memory_space<vmem>>) semaphore(%arg16 : memref<!tpu.dma_semaphore, #tpu.memory_space<semaphore_mem>>)
      %dma_start3A_50 = arith.constant 0 : i32
      %dma_start3A_51 = tpu.memref_slice %arg15[%while3A_43, %dma_start3A_50] : memref<6x20xi32, #tpu.memory_space<vmem>> -> memref<1x20xi32, #tpu.memory_space<vmem>>
      %dma_start3A_52 = tpu.memref_squeeze %dma_start3A_51 : memref<1x20xi32, #tpu.memory_space<vmem>> -> memref<20xi32, #tpu.memory_space<vmem>>
      %dma_start3A_53 = arith.constant 0 : i32
      %dma_start3A_54 = arith.constant 0 : i32
      %dma_start3A_55 = tpu.memref_slice %arg4[%dma_start3A_53, %dma_start3A_54] : memref<2560x128xi32, #tpu.memory_space<hbm>> -> memref<2560x128xi32, #tpu.memory_space<hbm>>
      tpu.enqueue_indirect_dma source(%dma_start3A_55 : memref<2560x128xi32, #tpu.memory_space<hbm>>) target(%arg11 : memref<20x128xi32, #tpu.memory_space<vmem>>) offsets(%dma_start3A_52 : memref<20xi32, #tpu.memory_space<vmem>>) semaphore(%arg17 : memref<!tpu.dma_semaphore, #tpu.memory_space<semaphore_mem>>)
      %dma_wait3A_56 = arith.constant 0 : i32
      %dma_wait3A_57 = tpu.memref_slice %arg15[%while3A_43, %dma_wait3A_56] : memref<6x20xi32, #tpu.memory_space<vmem>> -> memref<1x20xi32, #tpu.memory_space<vmem>>
      %dma_wait3A_58 = tpu.memref_squeeze %dma_wait3A_57 : memref<1x20xi32, #tpu.memory_space<vmem>> -> memref<20xi32, #tpu.memory_space<vmem>>
      %dma_wait3A_59 = arith.constant 0 : i32
      %dma_wait3A_60 = arith.constant 0 : i32
      %dma_wait3A_61 = tpu.memref_slice %arg3[%dma_wait3A_59, %dma_wait3A_60] : memref<2560x128xi32, #tpu.memory_space<hbm>> -> memref<2560x128xi32, #tpu.memory_space<hbm>>
      tpu.wait_indirect_dma semaphore(%arg16 : memref<!tpu.dma_semaphore, #tpu.memory_space<semaphore_mem>>) src(%dma_wait3A_61 : memref<2560x128xi32, #tpu.memory_space<hbm>>) dst(%arg10 : memref<20x128xi32, #tpu.memory_space<vmem>>)
      %dma_wait3A_62 = arith.constant 0 : i32
      %dma_wait3A_63 = tpu.memref_slice %arg15[%while3A_43, %dma_wait3A_62] : memref<6x20xi32, #tpu.memory_space<vmem>> -> memref<1x20xi32, #tpu.memory_space<vmem>>
      %dma_wait3A_64 = tpu.memref_squeeze %dma_wait3A_63 : memref<1x20xi32, #tpu.memory_space<vmem>> -> memref<20xi32, #tpu.memory_space<vmem>>
      %dma_wait3A_65 = arith.constant 0 : i32
      %dma_wait3A_66 = arith.constant 0 : i32
      %dma_wait3A_67 = tpu.memref_slice %arg4[%dma_wait3A_65, %dma_wait3A_66] : memref<2560x128xi32, #tpu.memory_space<hbm>> -> memref<2560x128xi32, #tpu.memory_space<hbm>>
      tpu.wait_indirect_dma semaphore(%arg17 : memref<!tpu.dma_semaphore, #tpu.memory_space<semaphore_mem>>) src(%dma_wait3A_67 : memref<2560x128xi32, #tpu.memory_space<hbm>>) dst(%arg11 : memref<20x128xi32, #tpu.memory_space<vmem>>)
      %dma_start3A_68 = arith.constant 0 : i32
      %dma_start3A_69 = arith.constant 0 : i32
      %dma_start3A_70 = tpu.memref_slice %arg10[%dma_start3A_68, %dma_start3A_69] : memref<20x128xi32, #tpu.memory_space<vmem>> -> memref<1x128xi32, #tpu.memory_space<vmem>>
      %dma_start3A_71 = tpu.memref_squeeze %dma_start3A_70 : memref<1x128xi32, #tpu.memory_space<vmem>> -> memref<128xi32, #tpu.memory_space<vmem>>
      %dma_start3A_72 = arith.constant 0 : i32
      %dma_start3A_73 = arith.constant 0 : i32
      %dma_start3A_74 = tpu.memref_slice %arg2[%dma_start3A_72, %dma_start3A_73] : memref<10000x136xf32, #tpu.memory_space<hbm>> -> memref<10000x136xf32, #tpu.memory_space<hbm>>
      tpu.enqueue_indirect_dma source(%dma_start3A_74 : memref<10000x136xf32, #tpu.memory_space<hbm>>) target(%arg12 : memref<128x136xf32, #tpu.memory_space<vmem>>) offsets(%dma_start3A_71 : memref<128xi32, #tpu.memory_space<vmem>>) semaphore(%arg16 : memref<!tpu.dma_semaphore, #tpu.memory_space<semaphore_mem>>)
      %scan3A = arith.constant 0 : i32
      %scan3A_75 = arith.constant 0 : i32
      %scan3A_76 = arith.constant 10 : i32
      %scan3A_77 = arith.addi %scan3A_75, %scan3A_76 : i32
      %scan3A_78 = arith.constant 1 : i32
      scf.for %scan3A_80 = %scan3A_75 to %scan3A_77 step %scan3A_78  : i32 {
        %mul3A_81 = arith.constant 2 : i32
        %mul3A_82 = arith.muli %mul3A_81, %scan3A_80 : i32
        %add3A_83 = arith.constant 1 : i32
        %add3A_84 = arith.addi %mul3A_82, %add3A_83 : i32
        %dma_start3A_85 = arith.constant 0 : i32
        %dma_start3A_86 = tpu.memref_slice %arg10[%add3A_84, %dma_start3A_85] : memref<20x128xi32, #tpu.memory_space<vmem>> -> memref<1x128xi32, #tpu.memory_space<vmem>>
        %dma_start3A_87 = tpu.memref_squeeze %dma_start3A_86 : memref<1x128xi32, #tpu.memory_space<vmem>> -> memref<128xi32, #tpu.memory_space<vmem>>
        %dma_start3A_88 = arith.constant 0 : i32
        %dma_start3A_89 = arith.constant 0 : i32
        %dma_start3A_90 = tpu.memref_slice %arg2[%dma_start3A_88, %dma_start3A_89] : memref<10000x136xf32, #tpu.memory_space<hbm>> -> memref<10000x136xf32, #tpu.memory_space<hbm>>
        tpu.enqueue_indirect_dma source(%dma_start3A_90 : memref<10000x136xf32, #tpu.memory_space<hbm>>) target(%arg13 : memref<128x136xf32, #tpu.memory_space<vmem>>) offsets(%dma_start3A_87 : memref<128xi32, #tpu.memory_space<vmem>>) semaphore(%arg17 : memref<!tpu.dma_semaphore, #tpu.memory_space<semaphore_mem>>)
        %dma_wait3A_91 = arith.constant 0 : i32
        %dma_wait3A_92 = tpu.memref_slice %arg10[%mul3A_82, %dma_wait3A_91] : memref<20x128xi32, #tpu.memory_space<vmem>> -> memref<1x128xi32, #tpu.memory_space<vmem>>
        %dma_wait3A_93 = tpu.memref_squeeze %dma_wait3A_92 : memref<1x128xi32, #tpu.memory_space<vmem>> -> memref<128xi32, #tpu.memory_space<vmem>>
        %dma_wait3A_94 = arith.constant 0 : i32
        %dma_wait3A_95 = arith.constant 0 : i32
        %dma_wait3A_96 = tpu.memref_slice %arg2[%dma_wait3A_94, %dma_wait3A_95] : memref<10000x136xf32, #tpu.memory_space<hbm>> -> memref<10000x136xf32, #tpu.memory_space<hbm>>
        tpu.wait_indirect_dma semaphore(%arg16 : memref<!tpu.dma_semaphore, #tpu.memory_space<semaphore_mem>>) src(%dma_wait3A_96 : memref<10000x136xf32, #tpu.memory_space<hbm>>) dst(%arg12 : memref<128x136xf32, #tpu.memory_space<vmem>>)
        "tpu.region"() ({
          %run_scoped3A_109 = tpu.sem_alloc : memref<!tpu.dma_semaphore, #tpu.memory_space<semaphore_mem>>
          %dma_start3A_110 = arith.constant 0 : i32
          %dma_start3A_111 = tpu.memref_slice %arg11[%mul3A_82, %dma_start3A_110] : memref<20x128xi32, #tpu.memory_space<vmem>> -> memref<1x128xi32, #tpu.memory_space<vmem>>
          %dma_start3A_112 = tpu.memref_squeeze %dma_start3A_111 : memref<1x128xi32, #tpu.memory_space<vmem>> -> memref<128xi32, #tpu.memory_space<vmem>>
          %dma_start3A_113 = arith.constant 0 : i32
          %dma_start3A_114 = arith.constant 0 : i32
          %dma_start3A_115 = tpu.memref_slice %arg9[%dma_start3A_113, %dma_start3A_114] : memref<10240x136xf32, #tpu.memory_space<vmem_shared>> -> memref<10240x136xf32, #tpu.memory_space<vmem_shared>>
          tpu.enqueue_indirect_dma source(%arg12 : memref<128x136xf32, #tpu.memory_space<vmem>>) target(%dma_start3A_115 : memref<10240x136xf32, #tpu.memory_space<vmem_shared>>) offsets(%dma_start3A_112 : memref<128xi32, #tpu.memory_space<vmem>>) semaphore(%run_scoped3A_109 : memref<!tpu.dma_semaphore, #tpu.memory_space<semaphore_mem>>) {add = true}
          %dma_wait3A_116 = arith.constant 0 : i32
          %dma_wait3A_117 = tpu.memref_slice %arg11[%mul3A_82, %dma_wait3A_116] : memref<20x128xi32, #tpu.memory_space<vmem>> -> memref<1x128xi32, #tpu.memory_space<vmem>>
          %dma_wait3A_118 = tpu.memref_squeeze %dma_wait3A_117 : memref<1x128xi32, #tpu.memory_space<vmem>> -> memref<128xi32, #tpu.memory_space<vmem>>
          %dma_wait3A_119 = arith.constant 0 : i32
          %dma_wait3A_120 = arith.constant 0 : i32
          %dma_wait3A_121 = tpu.memref_slice %arg9[%dma_wait3A_119, %dma_wait3A_120] : memref<10240x136xf32, #tpu.memory_space<vmem_shared>> -> memref<10240x136xf32, #tpu.memory_space<vmem_shared>>
          tpu.wait_indirect_dma semaphore(%run_scoped3A_109 : memref<!tpu.dma_semaphore, #tpu.memory_space<semaphore_mem>>) src(%arg12 : memref<128x136xf32, #tpu.memory_space<vmem>>) dst(%dma_wait3A_121 : memref<10240x136xf32, #tpu.memory_space<vmem_shared>>)
          tpu.yield
        }) : () -> ()
        %lt3A = arith.constant 9 : i32
        %lt3A_97 = arith.cmpi slt, %scan3A_80, %lt3A : i32
        %convert_element_type3A = arith.extui %lt3A_97 : i1 to i32
        %cond3A = arith.constant 0 : i32
        %cond3A_98 = arith.cmpi ne, %convert_element_type3A, %cond3A : i32
        scf.if %cond3A_98 {
          %add3A_109 = arith.constant 2 : i32
          %add3A_110 = arith.addi %mul3A_82, %add3A_109 : i32
          %dma_start3A_111 = arith.constant 0 : i32
          %dma_start3A_112 = tpu.memref_slice %arg10[%add3A_110, %dma_start3A_111] : memref<20x128xi32, #tpu.memory_space<vmem>> -> memref<1x128xi32, #tpu.memory_space<vmem>>
          %dma_start3A_113 = tpu.memref_squeeze %dma_start3A_112 : memref<1x128xi32, #tpu.memory_space<vmem>> -> memref<128xi32, #tpu.memory_space<vmem>>
          %dma_start3A_114 = arith.constant 0 : i32
          %dma_start3A_115 = arith.constant 0 : i32
          %dma_start3A_116 = tpu.memref_slice %arg2[%dma_start3A_114, %dma_start3A_115] : memref<10000x136xf32, #tpu.memory_space<hbm>> -> memref<10000x136xf32, #tpu.memory_space<hbm>>
          tpu.enqueue_indirect_dma source(%dma_start3A_116 : memref<10000x136xf32, #tpu.memory_space<hbm>>) target(%arg12 : memref<128x136xf32, #tpu.memory_space<vmem>>) offsets(%dma_start3A_113 : memref<128xi32, #tpu.memory_space<vmem>>) semaphore(%arg16 : memref<!tpu.dma_semaphore, #tpu.memory_space<semaphore_mem>>)
        } else {
        }
        %add3A_99 = arith.constant 1 : i32
        %add3A_100 = arith.addi %mul3A_82, %add3A_99 : i32
        %dma_wait3A_101 = arith.constant 0 : i32
        %dma_wait3A_102 = tpu.memref_slice %arg10[%add3A_100, %dma_wait3A_101] : memref<20x128xi32, #tpu.memory_space<vmem>> -> memref<1x128xi32, #tpu.memory_space<vmem>>
        %dma_wait3A_103 = tpu.memref_squeeze %dma_wait3A_102 : memref<1x128xi32, #tpu.memory_space<vmem>> -> memref<128xi32, #tpu.memory_space<vmem>>
        %dma_wait3A_104 = arith.constant 0 : i32
        %dma_wait3A_105 = arith.constant 0 : i32
        %dma_wait3A_106 = tpu.memref_slice %arg2[%dma_wait3A_104, %dma_wait3A_105] : memref<10000x136xf32, #tpu.memory_space<hbm>> -> memref<10000x136xf32, #tpu.memory_space<hbm>>
        tpu.wait_indirect_dma semaphore(%arg17 : memref<!tpu.dma_semaphore, #tpu.memory_space<semaphore_mem>>) src(%dma_wait3A_106 : memref<10000x136xf32, #tpu.memory_space<hbm>>) dst(%arg13 : memref<128x136xf32, #tpu.memory_space<vmem>>)
        %add3A_107 = arith.constant 1 : i32
        %add3A_108 = arith.addi %mul3A_82, %add3A_107 : i32
        "tpu.region"() ({
          %run_scoped3A_109 = tpu.sem_alloc : memref<!tpu.dma_semaphore, #tpu.memory_space<semaphore_mem>>
          %dma_start3A_110 = arith.constant 0 : i32
          %dma_start3A_111 = tpu.memref_slice %arg11[%add3A_108, %dma_start3A_110] : memref<20x128xi32, #tpu.memory_space<vmem>> -> memref<1x128xi32, #tpu.memory_space<vmem>>
          %dma_start3A_112 = tpu.memref_squeeze %dma_start3A_111 : memref<1x128xi32, #tpu.memory_space<vmem>> -> memref<128xi32, #tpu.memory_space<vmem>>
          %dma_start3A_113 = arith.constant 0 : i32
          %dma_start3A_114 = arith.constant 0 : i32
          %dma_start3A_115 = tpu.memref_slice %arg9[%dma_start3A_113, %dma_start3A_114] : memref<10240x136xf32, #tpu.memory_space<vmem_shared>> -> memref<10240x136xf32, #tpu.memory_space<vmem_shared>>
          tpu.enqueue_indirect_dma source(%arg13 : memref<128x136xf32, #tpu.memory_space<vmem>>) target(%dma_start3A_115 : memref<10240x136xf32, #tpu.memory_space<vmem_shared>>) offsets(%dma_start3A_112 : memref<128xi32, #tpu.memory_space<vmem>>) semaphore(%run_scoped3A_109 : memref<!tpu.dma_semaphore, #tpu.memory_space<semaphore_mem>>) {add = true}
          %dma_wait3A_116 = arith.constant 0 : i32
          %dma_wait3A_117 = tpu.memref_slice %arg11[%add3A_108, %dma_wait3A_116] : memref<20x128xi32, #tpu.memory_space<vmem>> -> memref<1x128xi32, #tpu.memory_space<vmem>>
          %dma_wait3A_118 = tpu.memref_squeeze %dma_wait3A_117 : memref<1x128xi32, #tpu.memory_space<vmem>> -> memref<128xi32, #tpu.memory_space<vmem>>
          %dma_wait3A_119 = arith.constant 0 : i32
          %dma_wait3A_120 = arith.constant 0 : i32
          %dma_wait3A_121 = tpu.memref_slice %arg9[%dma_wait3A_119, %dma_wait3A_120] : memref<10240x136xf32, #tpu.memory_space<vmem_shared>> -> memref<10240x136xf32, #tpu.memory_space<vmem_shared>>
          tpu.wait_indirect_dma semaphore(%run_scoped3A_109 : memref<!tpu.dma_semaphore, #tpu.memory_space<semaphore_mem>>) src(%arg13 : memref<128x136xf32, #tpu.memory_space<vmem>>) dst(%dma_wait3A_121 : memref<10240x136xf32, #tpu.memory_space<vmem_shared>>)
          tpu.yield
        }) : () -> ()
      }
      %scan3A_79 = arith.constant 10 : i32
    }
    %barrier3A_28 = arith.constant 0 : index
    tpu.barrier barrier_id(%barrier3A_28)
    %add3A = arith.constant 0 : i32
    %add3A_29 = arith.addi %mul3A_0, %add3A : i32
    "tpu.region"() ({
      %run_scoped3A_43 = tpu.sem_alloc : memref<!tpu.dma_semaphore, #tpu.memory_space<semaphore_mem>>
      %dma_start3A_44 = arith.constant 0 : i32
      %dma_start3A_45 = tpu.memref_slice %arg9[%add3A_29, %dma_start3A_44] : memref<10240x136xf32, #tpu.memory_space<vmem_shared>> -> memref<128x136xf32, #tpu.memory_space<vmem_shared>>
      %dma_start3A_46 = arith.constant 0 : i32
      %dma_start3A_47 = tpu.memref_slice %arg9[%add3A_29, %dma_start3A_46] : memref<10240x136xf32, #tpu.memory_space<vmem_shared>> -> memref<128x136xf32, #tpu.memory_space<vmem_shared>>
      tpu.enqueue_dma source(%dma_start3A_47 : memref<128x136xf32, #tpu.memory_space<vmem_shared>>) target(%arg12 : memref<128x136xf32, #tpu.memory_space<vmem>>) target_semaphore(%run_scoped3A_43 : memref<!tpu.dma_semaphore, #tpu.memory_space<semaphore_mem>>)
      %dma_wait3A_48 = arith.constant 0 : i32
      %dma_wait3A_49 = tpu.memref_slice %arg9[%add3A_29, %dma_wait3A_48] : memref<10240x136xf32, #tpu.memory_space<vmem_shared>> -> memref<128x136xf32, #tpu.memory_space<vmem_shared>>
      %dma_wait3A_50 = arith.constant 0 : i32
      %dma_wait3A_51 = tpu.memref_slice %arg9[%add3A_29, %dma_wait3A_50] : memref<10240x136xf32, #tpu.memory_space<vmem_shared>> -> memref<128x136xf32, #tpu.memory_space<vmem_shared>>
      tpu.wait_dma2 semaphore(%run_scoped3A_43 : memref<!tpu.dma_semaphore, #tpu.memory_space<semaphore_mem>>) src(%dma_wait3A_51 : memref<128x136xf32, #tpu.memory_space<vmem_shared>>) dst(%arg12 : memref<128x136xf32, #tpu.memory_space<vmem>>)
      tpu.yield
    }) : () -> ()
    %run_scoped3A_30 = arith.constant 0 : i32
    "tpu.region"() ({
      %run_scoped3A_43 = tpu.sem_alloc : memref<!tpu.dma_semaphore, #tpu.memory_space<semaphore_mem>>
      %dma_start3A_44 = arith.constant 0 : i32
      %dma_start3A_45 = tpu.memref_slice %arg14[%run_scoped3A_30, %dma_start3A_44] : memref<6x128xi32, #tpu.memory_space<vmem>> -> memref<1x128xi32, #tpu.memory_space<vmem>>
      %dma_start3A_46 = tpu.memref_squeeze %dma_start3A_45 : memref<1x128xi32, #tpu.memory_space<vmem>> -> memref<128xi32, #tpu.memory_space<vmem>>
      %dma_start3A_47 = arith.constant 0 : i32
      %dma_start3A_48 = arith.constant 0 : i32
      %dma_start3A_49 = tpu.memref_slice %arg8[%arg0, %dma_start3A_47, %dma_start3A_48] : memref<2x10240x136xf32, #tpu.memory_space<hbm>> -> memref<1x10240x136xf32, #tpu.memory_space<hbm>>
      %dma_start3A_50 = tpu.memref_squeeze %dma_start3A_49 : memref<1x10240x136xf32, #tpu.memory_space<hbm>> -> memref<10240x136xf32, #tpu.memory_space<hbm>>
      %dma_start3A_51 = arith.constant 0 : i32
      %dma_start3A_52 = arith.constant 0 : i32
      %dma_start3A_53 = tpu.memref_slice %dma_start3A_50[%dma_start3A_51, %dma_start3A_52] : memref<10240x136xf32, #tpu.memory_space<hbm>> -> memref<10240x136xf32, #tpu.memory_space<hbm>>
      tpu.enqueue_indirect_dma source(%arg12 : memref<128x136xf32, #tpu.memory_space<vmem>>) target(%dma_start3A_53 : memref<10240x136xf32, #tpu.memory_space<hbm>>) offsets(%dma_start3A_46 : memref<128xi32, #tpu.memory_space<vmem>>) semaphore(%run_scoped3A_43 : memref<!tpu.dma_semaphore, #tpu.memory_space<semaphore_mem>>)
      %dma_wait3A_54 = arith.constant 0 : i32
      %dma_wait3A_55 = tpu.memref_slice %arg14[%run_scoped3A_30, %dma_wait3A_54] : memref<6x128xi32, #tpu.memory_space<vmem>> -> memref<1x128xi32, #tpu.memory_space<vmem>>
      %dma_wait3A_56 = tpu.memref_squeeze %dma_wait3A_55 : memref<1x128xi32, #tpu.memory_space<vmem>> -> memref<128xi32, #tpu.memory_space<vmem>>
      %dma_wait3A_57 = arith.constant 0 : i32
      %dma_wait3A_58 = arith.constant 0 : i32
      %dma_wait3A_59 = tpu.memref_slice %arg8[%arg0, %dma_wait3A_57, %dma_wait3A_58] : memref<2x10240x136xf32, #tpu.memory_space<hbm>> -> memref<1x10240x136xf32, #tpu.memory_space<hbm>>
      %dma_wait3A_60 = tpu.memref_squeeze %dma_wait3A_59 : memref<1x10240x136xf32, #tpu.memory_space<hbm>> -> memref<10240x136xf32, #tpu.memory_space<hbm>>
      %dma_wait3A_61 = arith.constant 0 : i32
      %dma_wait3A_62 = arith.constant 0 : i32
      %dma_wait3A_63 = tpu.memref_slice %dma_wait3A_60[%dma_wait3A_61, %dma_wait3A_62] : memref<10240x136xf32, #tpu.memory_space<hbm>> -> memref<10240x136xf32, #tpu.memory_space<hbm>>
      tpu.wait_indirect_dma semaphore(%run_scoped3A_43 : memref<!tpu.dma_semaphore, #tpu.memory_space<semaphore_mem>>) src(%arg12 : memref<128x136xf32, #tpu.memory_space<vmem>>) dst(%dma_wait3A_63 : memref<10240x136xf32, #tpu.memory_space<hbm>>)
      tpu.yield
    }) : () -> ()
    %add3A_31 = arith.constant 128 : i32
    %add3A_32 = arith.addi %mul3A_0, %add3A_31 : i32
    "tpu.region"() ({
      %run_scoped3A_43 = tpu.sem_alloc : memref<!tpu.dma_semaphore, #tpu.memory_space<semaphore_mem>>
      %dma_start3A_44 = arith.constant 0 : i32
      %dma_start3A_45 = tpu.memref_slice %arg9[%add3A_32, %dma_start3A_44] : memref<10240x136xf32, #tpu.memory_space<vmem_shared>> -> memref<128x136xf32, #tpu.memory_space<vmem_shared>>
      %dma_start3A_46 = arith.constant 0 : i32
      %dma_start3A_47 = tpu.memref_slice %arg9[%add3A_32, %dma_start3A_46] : memref<10240x136xf32, #tpu.memory_space<vmem_shared>> -> memref<128x136xf32, #tpu.memory_space<vmem_shared>>
      tpu.enqueue_dma source(%dma_start3A_47 : memref<128x136xf32, #tpu.memory_space<vmem_shared>>) target(%arg12 : memref<128x136xf32, #tpu.memory_space<vmem>>) target_semaphore(%run_scoped3A_43 : memref<!tpu.dma_semaphore, #tpu.memory_space<semaphore_mem>>)
      %dma_wait3A_48 = arith.constant 0 : i32
      %dma_wait3A_49 = tpu.memref_slice %arg9[%add3A_32, %dma_wait3A_48] : memref<10240x136xf32, #tpu.memory_space<vmem_shared>> -> memref<128x136xf32, #tpu.memory_space<vmem_shared>>
      %dma_wait3A_50 = arith.constant 0 : i32
      %dma_wait3A_51 = tpu.memref_slice %arg9[%add3A_32, %dma_wait3A_50] : memref<10240x136xf32, #tpu.memory_space<vmem_shared>> -> memref<128x136xf32, #tpu.memory_space<vmem_shared>>
      tpu.wait_dma2 semaphore(%run_scoped3A_43 : memref<!tpu.dma_semaphore, #tpu.memory_space<semaphore_mem>>) src(%dma_wait3A_51 : memref<128x136xf32, #tpu.memory_space<vmem_shared>>) dst(%arg12 : memref<128x136xf32, #tpu.memory_space<vmem>>)
      tpu.yield
    }) : () -> ()
    %run_scoped3A_33 = arith.constant 1 : i32
    "tpu.region"() ({
      %run_scoped3A_43 = tpu.sem_alloc : memref<!tpu.dma_semaphore, #tpu.memory_space<semaphore_mem>>
      %dma_start3A_44 = arith.constant 0 : i32
      %dma_start3A_45 = tpu.memref_slice %arg14[%run_scoped3A_33, %dma_start3A_44] : memref<6x128xi32, #tpu.memory_space<vmem>> -> memref<1x128xi32, #tpu.memory_space<vmem>>
      %dma_start3A_46 = tpu.memref_squeeze %dma_start3A_45 : memref<1x128xi32, #tpu.memory_space<vmem>> -> memref<128xi32, #tpu.memory_space<vmem>>
      %dma_start3A_47 = arith.constant 0 : i32
      %dma_start3A_48 = arith.constant 0 : i32
      %dma_start3A_49 = tpu.memref_slice %arg8[%arg0, %dma_start3A_47, %dma_start3A_48] : memref<2x10240x136xf32, #tpu.memory_space<hbm>> -> memref<1x10240x136xf32, #tpu.memory_space<hbm>>
      %dma_start3A_50 = tpu.memref_squeeze %dma_start3A_49 : memref<1x10240x136xf32, #tpu.memory_space<hbm>> -> memref<10240x136xf32, #tpu.memory_space<hbm>>
      %dma_start3A_51 = arith.constant 0 : i32
      %dma_start3A_52 = arith.constant 0 : i32
      %dma_start3A_53 = tpu.memref_slice %dma_start3A_50[%dma_start3A_51, %dma_start3A_52] : memref<10240x136xf32, #tpu.memory_space<hbm>> -> memref<10240x136xf32, #tpu.memory_space<hbm>>
      tpu.enqueue_indirect_dma source(%arg12 : memref<128x136xf32, #tpu.memory_space<vmem>>) target(%dma_start3A_53 : memref<10240x136xf32, #tpu.memory_space<hbm>>) offsets(%dma_start3A_46 : memref<128xi32, #tpu.memory_space<vmem>>) semaphore(%run_scoped3A_43 : memref<!tpu.dma_semaphore, #tpu.memory_space<semaphore_mem>>)
      %dma_wait3A_54 = arith.constant 0 : i32
      %dma_wait3A_55 = tpu.memref_slice %arg14[%run_scoped3A_33, %dma_wait3A_54] : memref<6x128xi32, #tpu.memory_space<vmem>> -> memref<1x128xi32, #tpu.memory_space<vmem>>
      %dma_wait3A_56 = tpu.memref_squeeze %dma_wait3A_55 : memref<1x128xi32, #tpu.memory_space<vmem>> -> memref<128xi32, #tpu.memory_space<vmem>>
      %dma_wait3A_57 = arith.constant 0 : i32
      %dma_wait3A_58 = arith.constant 0 : i32
      %dma_wait3A_59 = tpu.memref_slice %arg8[%arg0, %dma_wait3A_57, %dma_wait3A_58] : memref<2x10240x136xf32, #tpu.memory_space<hbm>> -> memref<1x10240x136xf32, #tpu.memory_space<hbm>>
      %dma_wait3A_60 = tpu.memref_squeeze %dma_wait3A_59 : memref<1x10240x136xf32, #tpu.memory_space<hbm>> -> memref<10240x136xf32, #tpu.memory_space<hbm>>
      %dma_wait3A_61 = arith.constant 0 : i32
      %dma_wait3A_62 = arith.constant 0 : i32
      %dma_wait3A_63 = tpu.memref_slice %dma_wait3A_60[%dma_wait3A_61, %dma_wait3A_62] : memref<10240x136xf32, #tpu.memory_space<hbm>> -> memref<10240x136xf32, #tpu.memory_space<hbm>>
      tpu.wait_indirect_dma semaphore(%run_scoped3A_43 : memref<!tpu.dma_semaphore, #tpu.memory_space<semaphore_mem>>) src(%arg12 : memref<128x136xf32, #tpu.memory_space<vmem>>) dst(%dma_wait3A_63 : memref<10240x136xf32, #tpu.memory_space<hbm>>)
      tpu.yield
    }) : () -> ()
    %add3A_34 = arith.constant 256 : i32
    %add3A_35 = arith.addi %mul3A_0, %add3A_34 : i32
    "tpu.region"() ({
      %run_scoped3A_43 = tpu.sem_alloc : memref<!tpu.dma_semaphore, #tpu.memory_space<semaphore_mem>>
      %dma_start3A_44 = arith.constant 0 : i32
      %dma_start3A_45 = tpu.memref_slice %arg9[%add3A_35, %dma_start3A_44] : memref<10240x136xf32, #tpu.memory_space<vmem_shared>> -> memref<128x136xf32, #tpu.memory_space<vmem_shared>>
      %dma_start3A_46 = arith.constant 0 : i32
      %dma_start3A_47 = tpu.memref_slice %arg9[%add3A_35, %dma_start3A_46] : memref<10240x136xf32, #tpu.memory_space<vmem_shared>> -> memref<128x136xf32, #tpu.memory_space<vmem_shared>>
      tpu.enqueue_dma source(%dma_start3A_47 : memref<128x136xf32, #tpu.memory_space<vmem_shared>>) target(%arg12 : memref<128x136xf32, #tpu.memory_space<vmem>>) target_semaphore(%run_scoped3A_43 : memref<!tpu.dma_semaphore, #tpu.memory_space<semaphore_mem>>)
      %dma_wait3A_48 = arith.constant 0 : i32
      %dma_wait3A_49 = tpu.memref_slice %arg9[%add3A_35, %dma_wait3A_48] : memref<10240x136xf32, #tpu.memory_space<vmem_shared>> -> memref<128x136xf32, #tpu.memory_space<vmem_shared>>
      %dma_wait3A_50 = arith.constant 0 : i32
      %dma_wait3A_51 = tpu.memref_slice %arg9[%add3A_35, %dma_wait3A_50] : memref<10240x136xf32, #tpu.memory_space<vmem_shared>> -> memref<128x136xf32, #tpu.memory_space<vmem_shared>>
      tpu.wait_dma2 semaphore(%run_scoped3A_43 : memref<!tpu.dma_semaphore, #tpu.memory_space<semaphore_mem>>) src(%dma_wait3A_51 : memref<128x136xf32, #tpu.memory_space<vmem_shared>>) dst(%arg12 : memref<128x136xf32, #tpu.memory_space<vmem>>)
      tpu.yield
    }) : () -> ()
    %run_scoped3A_36 = arith.constant 2 : i32
    "tpu.region"() ({
      %run_scoped3A_43 = tpu.sem_alloc : memref<!tpu.dma_semaphore, #tpu.memory_space<semaphore_mem>>
      %dma_start3A_44 = arith.constant 0 : i32
      %dma_start3A_45 = tpu.memref_slice %arg14[%run_scoped3A_36, %dma_start3A_44] : memref<6x128xi32, #tpu.memory_space<vmem>> -> memref<1x128xi32, #tpu.memory_space<vmem>>
      %dma_start3A_46 = tpu.memref_squeeze %dma_start3A_45 : memref<1x128xi32, #tpu.memory_space<vmem>> -> memref<128xi32, #tpu.memory_space<vmem>>
      %dma_start3A_47 = arith.constant 0 : i32
      %dma_start3A_48 = arith.constant 0 : i32
      %dma_start3A_49 = tpu.memref_slice %arg8[%arg0, %dma_start3A_47, %dma_start3A_48] : memref<2x10240x136xf32, #tpu.memory_space<hbm>> -> memref<1x10240x136xf32, #tpu.memory_space<hbm>>
      %dma_start3A_50 = tpu.memref_squeeze %dma_start3A_49 : memref<1x10240x136xf32, #tpu.memory_space<hbm>> -> memref<10240x136xf32, #tpu.memory_space<hbm>>
      %dma_start3A_51 = arith.constant 0 : i32
      %dma_start3A_52 = arith.constant 0 : i32
      %dma_start3A_53 = tpu.memref_slice %dma_start3A_50[%dma_start3A_51, %dma_start3A_52] : memref<10240x136xf32, #tpu.memory_space<hbm>> -> memref<10240x136xf32, #tpu.memory_space<hbm>>
      tpu.enqueue_indirect_dma source(%arg12 : memref<128x136xf32, #tpu.memory_space<vmem>>) target(%dma_start3A_53 : memref<10240x136xf32, #tpu.memory_space<hbm>>) offsets(%dma_start3A_46 : memref<128xi32, #tpu.memory_space<vmem>>) semaphore(%run_scoped3A_43 : memref<!tpu.dma_semaphore, #tpu.memory_space<semaphore_mem>>)
      %dma_wait3A_54 = arith.constant 0 : i32
      %dma_wait3A_55 = tpu.memref_slice %arg14[%run_scoped3A_36, %dma_wait3A_54] : memref<6x128xi32, #tpu.memory_space<vmem>> -> memref<1x128xi32, #tpu.memory_space<vmem>>
      %dma_wait3A_56 = tpu.memref_squeeze %dma_wait3A_55 : memref<1x128xi32, #tpu.memory_space<vmem>> -> memref<128xi32, #tpu.memory_space<vmem>>
      %dma_wait3A_57 = arith.constant 0 : i32
      %dma_wait3A_58 = arith.constant 0 : i32
      %dma_wait3A_59 = tpu.memref_slice %arg8[%arg0, %dma_wait3A_57, %dma_wait3A_58] : memref<2x10240x136xf32, #tpu.memory_space<hbm>> -> memref<1x10240x136xf32, #tpu.memory_space<hbm>>
      %dma_wait3A_60 = tpu.memref_squeeze %dma_wait3A_59 : memref<1x10240x136xf32, #tpu.memory_space<hbm>> -> memref<10240x136xf32, #tpu.memory_space<hbm>>
      %dma_wait3A_61 = arith.constant 0 : i32
      %dma_wait3A_62 = arith.constant 0 : i32
      %dma_wait3A_63 = tpu.memref_slice %dma_wait3A_60[%dma_wait3A_61, %dma_wait3A_62] : memref<10240x136xf32, #tpu.memory_space<hbm>> -> memref<10240x136xf32, #tpu.memory_space<hbm>>
      tpu.wait_indirect_dma semaphore(%run_scoped3A_43 : memref<!tpu.dma_semaphore, #tpu.memory_space<semaphore_mem>>) src(%arg12 : memref<128x136xf32, #tpu.memory_space<vmem>>) dst(%dma_wait3A_63 : memref<10240x136xf32, #tpu.memory_space<hbm>>)
      tpu.yield
    }) : () -> ()
    %add3A_37 = arith.constant 384 : i32
    %add3A_38 = arith.addi %mul3A_0, %add3A_37 : i32
    "tpu.region"() ({
      %run_scoped3A_43 = tpu.sem_alloc : memref<!tpu.dma_semaphore, #tpu.memory_space<semaphore_mem>>
      %dma_start3A_44 = arith.constant 0 : i32
      %dma_start3A_45 = tpu.memref_slice %arg9[%add3A_38, %dma_start3A_44] : memref<10240x136xf32, #tpu.memory_space<vmem_shared>> -> memref<128x136xf32, #tpu.memory_space<vmem_shared>>
      %dma_start3A_46 = arith.constant 0 : i32
      %dma_start3A_47 = tpu.memref_slice %arg9[%add3A_38, %dma_start3A_46] : memref<10240x136xf32, #tpu.memory_space<vmem_shared>> -> memref<128x136xf32, #tpu.memory_space<vmem_shared>>
      tpu.enqueue_dma source(%dma_start3A_47 : memref<128x136xf32, #tpu.memory_space<vmem_shared>>) target(%arg12 : memref<128x136xf32, #tpu.memory_space<vmem>>) target_semaphore(%run_scoped3A_43 : memref<!tpu.dma_semaphore, #tpu.memory_space<semaphore_mem>>)
      %dma_wait3A_48 = arith.constant 0 : i32
      %dma_wait3A_49 = tpu.memref_slice %arg9[%add3A_38, %dma_wait3A_48] : memref<10240x136xf32, #tpu.memory_space<vmem_shared>> -> memref<128x136xf32, #tpu.memory_space<vmem_shared>>
      %dma_wait3A_50 = arith.constant 0 : i32
      %dma_wait3A_51 = tpu.memref_slice %arg9[%add3A_38, %dma_wait3A_50] : memref<10240x136xf32, #tpu.memory_space<vmem_shared>> -> memref<128x136xf32, #tpu.memory_space<vmem_shared>>
      tpu.wait_dma2 semaphore(%run_scoped3A_43 : memref<!tpu.dma_semaphore, #tpu.memory_space<semaphore_mem>>) src(%dma_wait3A_51 : memref<128x136xf32, #tpu.memory_space<vmem_shared>>) dst(%arg12 : memref<128x136xf32, #tpu.memory_space<vmem>>)
      tpu.yield
    }) : () -> ()
    %run_scoped3A_39 = arith.constant 3 : i32
    "tpu.region"() ({
      %run_scoped3A_43 = tpu.sem_alloc : memref<!tpu.dma_semaphore, #tpu.memory_space<semaphore_mem>>
      %dma_start3A_44 = arith.constant 0 : i32
      %dma_start3A_45 = tpu.memref_slice %arg14[%run_scoped3A_39, %dma_start3A_44] : memref<6x128xi32, #tpu.memory_space<vmem>> -> memref<1x128xi32, #tpu.memory_space<vmem>>
      %dma_start3A_46 = tpu.memref_squeeze %dma_start3A_45 : memref<1x128xi32, #tpu.memory_space<vmem>> -> memref<128xi32, #tpu.memory_space<vmem>>
      %dma_start3A_47 = arith.constant 0 : i32
      %dma_start3A_48 = arith.constant 0 : i32
      %dma_start3A_49 = tpu.memref_slice %arg8[%arg0, %dma_start3A_47, %dma_start3A_48] : memref<2x10240x136xf32, #tpu.memory_space<hbm>> -> memref<1x10240x136xf32, #tpu.memory_space<hbm>>
      %dma_start3A_50 = tpu.memref_squeeze %dma_start3A_49 : memref<1x10240x136xf32, #tpu.memory_space<hbm>> -> memref<10240x136xf32, #tpu.memory_space<hbm>>
      %dma_start3A_51 = arith.constant 0 : i32
      %dma_start3A_52 = arith.constant 0 : i32
      %dma_start3A_53 = tpu.memref_slice %dma_start3A_50[%dma_start3A_51, %dma_start3A_52] : memref<10240x136xf32, #tpu.memory_space<hbm>> -> memref<10240x136xf32, #tpu.memory_space<hbm>>
      tpu.enqueue_indirect_dma source(%arg12 : memref<128x136xf32, #tpu.memory_space<vmem>>) target(%dma_start3A_53 : memref<10240x136xf32, #tpu.memory_space<hbm>>) offsets(%dma_start3A_46 : memref<128xi32, #tpu.memory_space<vmem>>) semaphore(%run_scoped3A_43 : memref<!tpu.dma_semaphore, #tpu.memory_space<semaphore_mem>>)
      %dma_wait3A_54 = arith.constant 0 : i32
      %dma_wait3A_55 = tpu.memref_slice %arg14[%run_scoped3A_39, %dma_wait3A_54] : memref<6x128xi32, #tpu.memory_space<vmem>> -> memref<1x128xi32, #tpu.memory_space<vmem>>
      %dma_wait3A_56 = tpu.memref_squeeze %dma_wait3A_55 : memref<1x128xi32, #tpu.memory_space<vmem>> -> memref<128xi32, #tpu.memory_space<vmem>>
      %dma_wait3A_57 = arith.constant 0 : i32
      %dma_wait3A_58 = arith.constant 0 : i32
      %dma_wait3A_59 = tpu.memref_slice %arg8[%arg0, %dma_wait3A_57, %dma_wait3A_58] : memref<2x10240x136xf32, #tpu.memory_space<hbm>> -> memref<1x10240x136xf32, #tpu.memory_space<hbm>>
      %dma_wait3A_60 = tpu.memref_squeeze %dma_wait3A_59 : memref<1x10240x136xf32, #tpu.memory_space<hbm>> -> memref<10240x136xf32, #tpu.memory_space<hbm>>
      %dma_wait3A_61 = arith.constant 0 : i32
      %dma_wait3A_62 = arith.constant 0 : i32
      %dma_wait3A_63 = tpu.memref_slice %dma_wait3A_60[%dma_wait3A_61, %dma_wait3A_62] : memref<10240x136xf32, #tpu.memory_space<hbm>> -> memref<10240x136xf32, #tpu.memory_space<hbm>>
      tpu.wait_indirect_dma semaphore(%run_scoped3A_43 : memref<!tpu.dma_semaphore, #tpu.memory_space<semaphore_mem>>) src(%arg12 : memref<128x136xf32, #tpu.memory_space<vmem>>) dst(%dma_wait3A_63 : memref<10240x136xf32, #tpu.memory_space<hbm>>)
      tpu.yield
    }) : () -> ()
    %add3A_40 = arith.constant 512 : i32
    %add3A_41 = arith.addi %mul3A_0, %add3A_40 : i32
    "tpu.region"() ({
      %run_scoped3A_43 = tpu.sem_alloc : memref<!tpu.dma_semaphore, #tpu.memory_space<semaphore_mem>>
      %dma_start3A_44 = arith.constant 0 : i32
      %dma_start3A_45 = tpu.memref_slice %arg9[%add3A_41, %dma_start3A_44] : memref<10240x136xf32, #tpu.memory_space<vmem_shared>> -> memref<128x136xf32, #tpu.memory_space<vmem_shared>>
      %dma_start3A_46 = arith.constant 0 : i32
      %dma_start3A_47 = tpu.memref_slice %arg9[%add3A_41, %dma_start3A_46] : memref<10240x136xf32, #tpu.memory_space<vmem_shared>> -> memref<128x136xf32, #tpu.memory_space<vmem_shared>>
      tpu.enqueue_dma source(%dma_start3A_47 : memref<128x136xf32, #tpu.memory_space<vmem_shared>>) target(%arg12 : memref<128x136xf32, #tpu.memory_space<vmem>>) target_semaphore(%run_scoped3A_43 : memref<!tpu.dma_semaphore, #tpu.memory_space<semaphore_mem>>)
      %dma_wait3A_48 = arith.constant 0 : i32
      %dma_wait3A_49 = tpu.memref_slice %arg9[%add3A_41, %dma_wait3A_48] : memref<10240x136xf32, #tpu.memory_space<vmem_shared>> -> memref<128x136xf32, #tpu.memory_space<vmem_shared>>
      %dma_wait3A_50 = arith.constant 0 : i32
      %dma_wait3A_51 = tpu.memref_slice %arg9[%add3A_41, %dma_wait3A_50] : memref<10240x136xf32, #tpu.memory_space<vmem_shared>> -> memref<128x136xf32, #tpu.memory_space<vmem_shared>>
      tpu.wait_dma2 semaphore(%run_scoped3A_43 : memref<!tpu.dma_semaphore, #tpu.memory_space<semaphore_mem>>) src(%dma_wait3A_51 : memref<128x136xf32, #tpu.memory_space<vmem_shared>>) dst(%arg12 : memref<128x136xf32, #tpu.memory_space<vmem>>)
      tpu.yield
    }) : () -> ()
    %run_scoped3A_42 = arith.constant 4 : i32
    "tpu.region"() ({
      %run_scoped3A_43 = tpu.sem_alloc : memref<!tpu.dma_semaphore, #tpu.memory_space<semaphore_mem>>
      %dma_start3A_44 = arith.constant 0 : i32
      %dma_start3A_45 = tpu.memref_slice %arg14[%run_scoped3A_42, %dma_start3A_44] : memref<6x128xi32, #tpu.memory_space<vmem>> -> memref<1x128xi32, #tpu.memory_space<vmem>>
      %dma_start3A_46 = tpu.memref_squeeze %dma_start3A_45 : memref<1x128xi32, #tpu.memory_space<vmem>> -> memref<128xi32, #tpu.memory_space<vmem>>
      %dma_start3A_47 = arith.constant 0 : i32
      %dma_start3A_48 = arith.constant 0 : i32
      %dma_start3A_49 = tpu.memref_slice %arg8[%arg0, %dma_start3A_47, %dma_start3A_48] : memref<2x10240x136xf32, #tpu.memory_space<hbm>> -> memref<1x10240x136xf32, #tpu.memory_space<hbm>>
      %dma_start3A_50 = tpu.memref_squeeze %dma_start3A_49 : memref<1x10240x136xf32, #tpu.memory_space<hbm>> -> memref<10240x136xf32, #tpu.memory_space<hbm>>
      %dma_start3A_51 = arith.constant 0 : i32
      %dma_start3A_52 = arith.constant 0 : i32
      %dma_start3A_53 = tpu.memref_slice %dma_start3A_50[%dma_start3A_51, %dma_start3A_52] : memref<10240x136xf32, #tpu.memory_space<hbm>> -> memref<10240x136xf32, #tpu.memory_space<hbm>>
      tpu.enqueue_indirect_dma source(%arg12 : memref<128x136xf32, #tpu.memory_space<vmem>>) target(%dma_start3A_53 : memref<10240x136xf32, #tpu.memory_space<hbm>>) offsets(%dma_start3A_46 : memref<128xi32, #tpu.memory_space<vmem>>) semaphore(%run_scoped3A_43 : memref<!tpu.dma_semaphore, #tpu.memory_space<semaphore_mem>>)
      %dma_wait3A_54 = arith.constant 0 : i32
      %dma_wait3A_55 = tpu.memref_slice %arg14[%run_scoped3A_42, %dma_wait3A_54] : memref<6x128xi32, #tpu.memory_space<vmem>> -> memref<1x128xi32, #tpu.memory_space<vmem>>
      %dma_wait3A_56 = tpu.memref_squeeze %dma_wait3A_55 : memref<1x128xi32, #tpu.memory_space<vmem>> -> memref<128xi32, #tpu.memory_space<vmem>>
      %dma_wait3A_57 = arith.constant 0 : i32
      %dma_wait3A_58 = arith.constant 0 : i32
      %dma_wait3A_59 = tpu.memref_slice %arg8[%arg0, %dma_wait3A_57, %dma_wait3A_58] : memref<2x10240x136xf32, #tpu.memory_space<hbm>> -> memref<1x10240x136xf32, #tpu.memory_space<hbm>>
      %dma_wait3A_60 = tpu.memref_squeeze %dma_wait3A_59 : memref<1x10240x136xf32, #tpu.memory_space<hbm>> -> memref<10240x136xf32, #tpu.memory_space<hbm>>
      %dma_wait3A_61 = arith.constant 0 : i32
      %dma_wait3A_62 = arith.constant 0 : i32
      %dma_wait3A_63 = tpu.memref_slice %dma_wait3A_60[%dma_wait3A_61, %dma_wait3A_62] : memref<10240x136xf32, #tpu.memory_space<hbm>> -> memref<10240x136xf32, #tpu.memory_space<hbm>>
      tpu.wait_indirect_dma semaphore(%run_scoped3A_43 : memref<!tpu.dma_semaphore, #tpu.memory_space<semaphore_mem>>) src(%arg12 : memref<128x136xf32, #tpu.memory_space<vmem>>) dst(%dma_wait3A_63 : memref<10240x136xf32, #tpu.memory_space<hbm>>)
      tpu.yield
    }) : () -> ()
    return
  }
}

module attributes {stable_mosaic.version = 14 : i64} {
  func.func @_dense1_body(%arg0: i32, %arg1: memref<2x200x136xf32, #tpu.memory_space<vmem>>, %arg2: memref<200x128xf32, #tpu.memory_space<vmem>>, %arg3: memref<128x256xf32, #tpu.memory_space<vmem>>, %arg4: memref<1x256xf32, #tpu.memory_space<vmem>>, %arg5: memref<128x256xf32, #tpu.memory_space<vmem>>, %arg6: memref<256x64xf32, #tpu.memory_space<vmem>>, %arg7: memref<1x64xf32, #tpu.memory_space<vmem>>, %arg8: memref<256x64xf32, #tpu.memory_space<vmem>>, %arg9: memref<200x64xf32, #tpu.memory_space<vmem>>, %arg10: memref<200x64xf32, #tpu.memory_space<vmem>>, %arg11: memref<200x64xf32, #tpu.memory_space<vmem>>) attributes {dimension_semantics = [#tpu.dimension_semantics<arbitrary>], iteration_bounds = array<i64: 50>, scalar_prefetch = 0 : i64, scratch_operands = 0 : i64, tpu.core_type = #tpu.core_type<tc>, window_params = [{transform_indices = @transform_0, window_bounds = array<i64: 2, 200, 136>}, {transform_indices = @transform_1, window_bounds = array<i64: 200, 128>}, {pipeline_mode = #tpu.pipeline_mode<synchronous>, transform_indices = @transform_2, window_bounds = array<i64: 128, 256>}, {pipeline_mode = #tpu.pipeline_mode<synchronous>, transform_indices = @transform_3, window_bounds = array<i64: 1, 256>}, {pipeline_mode = #tpu.pipeline_mode<synchronous>, transform_indices = @transform_4, window_bounds = array<i64: 128, 256>}, {pipeline_mode = #tpu.pipeline_mode<synchronous>, transform_indices = @transform_5, window_bounds = array<i64: 256, 64>}, {pipeline_mode = #tpu.pipeline_mode<synchronous>, transform_indices = @transform_6, window_bounds = array<i64: 1, 64>}, {pipeline_mode = #tpu.pipeline_mode<synchronous>, transform_indices = @transform_7, window_bounds = array<i64: 256, 64>}, {transform_indices = @transform_8, window_bounds = array<i64: 200, 64>}, {transform_indices = @transform_9, window_bounds = array<i64: 200, 64>}, {transform_indices = @transform_10, window_bounds = array<i64: 200, 64>}]} {
    %get3A = arith.constant 0 : index
    %get3A_0 = arith.constant 0 : index
    %get3A_1 = arith.constant 0 : index
    %get3A_2 = vector.load %arg1[%get3A, %get3A_0, %get3A_1] : memref<2x200x136xf32, #tpu.memory_space<vmem>>, vector<1x200x136xf32>
    %get3A_3 = vector.shape_cast %get3A_2 : vector<1x200x136xf32> to vector<200x136xf32>
    %get3A_4 = arith.constant 1 : index
    %get3A_5 = arith.constant 0 : index
    %get3A_6 = arith.constant 0 : index
    %get3A_7 = vector.load %arg1[%get3A_4, %get3A_5, %get3A_6] : memref<2x200x136xf32, #tpu.memory_space<vmem>>, vector<1x200x136xf32>
    %get3A_8 = vector.shape_cast %get3A_7 : vector<1x200x136xf32> to vector<200x136xf32>
    %add3A = arith.addf %get3A_3, %get3A_8 : vector<200x136xf32>
    %slice3A = vector.extract_strided_slice %add3A {offsets = [0, 128], sizes = [200, 8], strides = [1, 1]} : vector<200x136xf32> to vector<200x8xf32>
    %reduce_sum3A = arith.constant dense<0.000000e+00> : vector<200xf32>
    %reduce_sum3A_9 = vector.multi_reduction <add>, %slice3A, %reduce_sum3A [1] : vector<200x8xf32> to vector<200xf32>
    %broadcast_in_dim3A = vector.shape_cast %reduce_sum3A_9 : vector<200xf32> to vector<200x1xf32>
    %max3A = arith.constant 1.000000e+00 : f32
    %max3A_10 = vector.broadcast %max3A : f32 to vector<200x1xf32>
    %max3A_11 = arith.maximumf %broadcast_in_dim3A, %max3A_10 : vector<200x1xf32>
    %div3A = arith.constant 1.000000e+00 : f32
    %div3A_12 = vector.broadcast %div3A : f32 to vector<200x1xf32>
    %div3A_13 = arith.divf %div3A_12, %max3A_11 : vector<200x1xf32>
    %slice3A_14 = vector.extract_strided_slice %add3A {offsets = [0, 0], sizes = [200, 128], strides = [1, 1]} : vector<200x136xf32> to vector<200x128xf32>
    %mul3A = vector.broadcast %div3A_13 : vector<200x1xf32> to vector<200x128xf32>
    %mul3A_15 = arith.mulf %slice3A_14, %mul3A : vector<200x128xf32>
    %get3A_16 = arith.constant 0 : index
    %get3A_17 = arith.constant 0 : index
    %get3A_18 = vector.load %arg3[%get3A_16, %get3A_17] : memref<128x256xf32, #tpu.memory_space<vmem>>, vector<128x256xf32>
    %dot_general3A = arith.constant dense<0.000000e+00> : vector<200x256xf32>
    %dot_general3A_19 = tpu.matmul %mul3A_15, %get3A_18, %dot_general3A {dimension_numbers = #tpu.dot_dimension_numbers<[1], [0], [0], [1], [0, 0, 1, 1], [], []>, transpose_lhs_hint = false} : vector<200x128xf32>, vector<128x256xf32>, vector<200x256xf32> -> vector<200x256xf32>
    %get3A_20 = arith.constant 0 : index
    %get3A_21 = arith.constant 0 : index
    %get3A_22 = vector.load %arg4[%get3A_20, %get3A_21] : memref<1x256xf32, #tpu.memory_space<vmem>>, vector<1x256xf32>
    %add3A_23 = vector.broadcast %get3A_22 : vector<1x256xf32> to vector<200x256xf32>
    %add3A_24 = arith.addf %dot_general3A_19, %add3A_23 : vector<200x256xf32>
    %get3A_25 = arith.constant 0 : index
    %get3A_26 = arith.constant 0 : index
    %get3A_27 = vector.load %arg2[%get3A_25, %get3A_26] : memref<200x128xf32, #tpu.memory_space<vmem>>, vector<200x128xf32>
    %get3A_28 = arith.constant 0 : index
    %get3A_29 = arith.constant 0 : index
    %get3A_30 = vector.load %arg5[%get3A_28, %get3A_29] : memref<128x256xf32, #tpu.memory_space<vmem>>, vector<128x256xf32>
    %dot_general3A_31 = arith.constant dense<0.000000e+00> : vector<200x256xf32>
    %dot_general3A_32 = tpu.matmul %get3A_27, %get3A_30, %dot_general3A_31 {dimension_numbers = #tpu.dot_dimension_numbers<[1], [0], [0], [1], [0, 0, 1, 1], [], []>, transpose_lhs_hint = false} : vector<200x128xf32>, vector<128x256xf32>, vector<200x256xf32> -> vector<200x256xf32>
    %add3A_33 = arith.addf %add3A_24, %dot_general3A_32 : vector<200x256xf32>
    %max3A_34 = arith.constant 0.000000e+00 : f32
    %max3A_35 = vector.broadcast %max3A_34 : f32 to vector<200x256xf32>
    %max3A_36 = arith.maximumf %add3A_33, %max3A_35 : vector<200x256xf32>
    %get3A_37 = arith.constant 0 : index
    %get3A_38 = arith.constant 0 : index
    %get3A_39 = vector.load %arg6[%get3A_37, %get3A_38] : memref<256x64xf32, #tpu.memory_space<vmem>>, vector<256x64xf32>
    %dot_general3A_40 = arith.constant dense<0.000000e+00> : vector<200x64xf32>
    %dot_general3A_41 = tpu.matmul %max3A_36, %get3A_39, %dot_general3A_40 {dimension_numbers = #tpu.dot_dimension_numbers<[1], [0], [0], [1], [0, 0, 1, 1], [], []>, transpose_lhs_hint = false} : vector<200x256xf32>, vector<256x64xf32>, vector<200x64xf32> -> vector<200x64xf32>
    %swap3A = arith.constant 0 : index
    %swap3A_42 = arith.constant 0 : index
    %swap3A_43 = vector.load %arg9[%swap3A, %swap3A_42] : memref<200x64xf32, #tpu.memory_space<vmem>>, vector<200x64xf32>
    tpu.vector_store %arg9[%swap3A, %swap3A_42], %dot_general3A_41 {strides = array<i32>} : memref<200x64xf32, #tpu.memory_space<vmem>>, vector<200x64xf32>,
    %get3A_44 = arith.constant 0 : index
    %get3A_45 = arith.constant 0 : index
    %get3A_46 = vector.load %arg8[%get3A_44, %get3A_45] : memref<256x64xf32, #tpu.memory_space<vmem>>, vector<256x64xf32>
    %dot_general3A_47 = arith.constant dense<0.000000e+00> : vector<200x64xf32>
    %dot_general3A_48 = tpu.matmul %max3A_36, %get3A_46, %dot_general3A_47 {dimension_numbers = #tpu.dot_dimension_numbers<[1], [0], [0], [1], [0, 0, 1, 1], [], []>, transpose_lhs_hint = false} : vector<200x256xf32>, vector<256x64xf32>, vector<200x64xf32> -> vector<200x64xf32>
    %get3A_49 = arith.constant 0 : index
    %get3A_50 = arith.constant 0 : index
    %get3A_51 = vector.load %arg7[%get3A_49, %get3A_50] : memref<1x64xf32, #tpu.memory_space<vmem>>, vector<1x64xf32>
    %add3A_52 = vector.broadcast %get3A_51 : vector<1x64xf32> to vector<200x64xf32>
    %add3A_53 = arith.addf %dot_general3A_48, %add3A_52 : vector<200x64xf32>
    %swap3A_54 = arith.constant 0 : index
    %swap3A_55 = arith.constant 0 : index
    %swap3A_56 = vector.load %arg10[%swap3A_54, %swap3A_55] : memref<200x64xf32, #tpu.memory_space<vmem>>, vector<200x64xf32>
    tpu.vector_store %arg10[%swap3A_54, %swap3A_55], %add3A_53 {strides = array<i32>} : memref<200x64xf32, #tpu.memory_space<vmem>>, vector<200x64xf32>,
    %broadcast_in_dim3A_57 = vector.shape_cast %div3A_13 : vector<200x1xf32> to vector<200x1xf32>
    %broadcast_in_dim3A_58 = vector.broadcast %broadcast_in_dim3A_57 : vector<200x1xf32> to vector<200x64xf32>
    %swap3A_59 = arith.constant 0 : index
    %swap3A_60 = arith.constant 0 : index
    %swap3A_61 = vector.load %arg11[%swap3A_59, %swap3A_60] : memref<200x64xf32, #tpu.memory_space<vmem>>, vector<200x64xf32>
    tpu.vector_store %arg11[%swap3A_59, %swap3A_60], %broadcast_in_dim3A_58 {strides = array<i32>} : memref<200x64xf32, #tpu.memory_space<vmem>>, vector<200x64xf32>,
    return
  }
  func.func @transform_0(%arg0: i32) -> (i32, i32, i32) {
    %c0_i32 = arith.constant 0 : i32
    %c0_i32_0 = arith.constant 0 : i32
    %c0_i32_1 = arith.constant 0 : i32
    return %c0_i32, %arg0, %c0_i32_0 : i32, i32, i32
  }
  func.func @transform_1(%arg0: i32) -> (i32, i32) {
    %c0_i32 = arith.constant 0 : i32
    %c0_i32_0 = arith.constant 0 : i32
    return %arg0, %c0_i32 : i32, i32
  }
  func.func @transform_2(%arg0: i32) -> (i32, i32) {
    %c0_i32 = arith.constant 0 : i32
    %c0_i32_0 = arith.constant 0 : i32
    %c0_i32_1 = arith.constant 0 : i32
    return %c0_i32, %c0_i32_0 : i32, i32
  }
  func.func @transform_3(%arg0: i32) -> (i32, i32) {
    %c0_i32 = arith.constant 0 : i32
    %c0_i32_0 = arith.constant 0 : i32
    %c0_i32_1 = arith.constant 0 : i32
    return %c0_i32, %c0_i32_0 : i32, i32
  }
  func.func @transform_4(%arg0: i32) -> (i32, i32) {
    %c0_i32 = arith.constant 0 : i32
    %c0_i32_0 = arith.constant 0 : i32
    %c0_i32_1 = arith.constant 0 : i32
    return %c0_i32, %c0_i32_0 : i32, i32
  }
  func.func @transform_5(%arg0: i32) -> (i32, i32) {
    %c0_i32 = arith.constant 0 : i32
    %c0_i32_0 = arith.constant 0 : i32
    %c0_i32_1 = arith.constant 0 : i32
    return %c0_i32, %c0_i32_0 : i32, i32
  }
  func.func @transform_6(%arg0: i32) -> (i32, i32) {
    %c0_i32 = arith.constant 0 : i32
    %c0_i32_0 = arith.constant 0 : i32
    %c0_i32_1 = arith.constant 0 : i32
    return %c0_i32, %c0_i32_0 : i32, i32
  }
  func.func @transform_7(%arg0: i32) -> (i32, i32) {
    %c0_i32 = arith.constant 0 : i32
    %c0_i32_0 = arith.constant 0 : i32
    %c0_i32_1 = arith.constant 0 : i32
    return %c0_i32, %c0_i32_0 : i32, i32
  }
  func.func @transform_8(%arg0: i32) -> (i32, i32) {
    %c0_i32 = arith.constant 0 : i32
    %c0_i32_0 = arith.constant 0 : i32
    return %arg0, %c0_i32 : i32, i32
  }
  func.func @transform_9(%arg0: i32) -> (i32, i32) {
    %c0_i32 = arith.constant 0 : i32
    %c0_i32_0 = arith.constant 0 : i32
    return %arg0, %c0_i32 : i32, i32
  }
  func.func @transform_10(%arg0: i32) -> (i32, i32) {
    %c0_i32 = arith.constant 0 : i32
    %c0_i32_0 = arith.constant 0 : i32
    return %arg0, %c0_i32 : i32, i32
  }
}

module attributes {stable_mosaic.version = 14 : i64} {
  func.func @_dense2_body(%arg0: i32, %arg1: memref<2x200x64xf32, #tpu.memory_space<vmem>>, %arg2: memref<200x64xf32, #tpu.memory_space<vmem>>, %arg3: memref<200x64xf32, #tpu.memory_space<vmem>>, %arg4: memref<200x47xf32, #tpu.memory_space<vmem>>) attributes {dimension_semantics = [#tpu.dimension_semantics<arbitrary>], iteration_bounds = array<i64: 50>, scalar_prefetch = 0 : i64, scratch_operands = 0 : i64, tpu.core_type = #tpu.core_type<tc>, window_params = [{transform_indices = @transform_0, window_bounds = array<i64: 2, 200, 64>}, {transform_indices = @transform_1, window_bounds = array<i64: 200, 64>}, {transform_indices = @transform_2, window_bounds = array<i64: 200, 64>}, {transform_indices = @transform_3, window_bounds = array<i64: 200, 47>}]} {
    %get3A = arith.constant 0 : index
    %get3A_0 = arith.constant 0 : index
    %get3A_1 = arith.constant 0 : index
    %get3A_2 = vector.load %arg1[%get3A, %get3A_0, %get3A_1] : memref<2x200x64xf32, #tpu.memory_space<vmem>>, vector<1x200x64xf32>
    %get3A_3 = vector.shape_cast %get3A_2 : vector<1x200x64xf32> to vector<200x64xf32>
    %get3A_4 = arith.constant 1 : index
    %get3A_5 = arith.constant 0 : index
    %get3A_6 = arith.constant 0 : index
    %get3A_7 = vector.load %arg1[%get3A_4, %get3A_5, %get3A_6] : memref<2x200x64xf32, #tpu.memory_space<vmem>>, vector<1x200x64xf32>
    %get3A_8 = vector.shape_cast %get3A_7 : vector<1x200x64xf32> to vector<200x64xf32>
    %add3A = arith.addf %get3A_3, %get3A_8 : vector<200x64xf32>
    %get3A_9 = arith.constant 0 : index
    %get3A_10 = arith.constant 0 : index
    %get3A_11 = vector.load %arg3[%get3A_9, %get3A_10] : memref<200x64xf32, #tpu.memory_space<vmem>>, vector<200x64xf32>
    %mul3A = arith.mulf %add3A, %get3A_11 : vector<200x64xf32>
    %get3A_12 = arith.constant 0 : index
    %get3A_13 = arith.constant 0 : index
    %get3A_14 = vector.load %arg2[%get3A_12, %get3A_13] : memref<200x64xf32, #tpu.memory_space<vmem>>, vector<200x64xf32>
    %add3A_15 = arith.addf %mul3A, %get3A_14 : vector<200x64xf32>
    %iota3A = tpu.iota {dimensions = array<i32: 1>} : vector<200x64xi32>
    %lt3A = arith.constant 47 : i32
    %lt3A_16 = vector.broadcast %lt3A : i32 to vector<200x64xi32>
    %lt3A_17 = arith.cmpi slt, %iota3A, %lt3A_16 : vector<200x64xi32>
    %jit3A = arith.constant -1.000000e+30 : f32
    %broadcast_in_dim3A = vector.broadcast %jit3A : f32 to vector<200x64xf32>
    %select_n3A = arith.select %lt3A_17, %add3A_15, %broadcast_in_dim3A : vector<200x64xi1>, vector<200x64xf32>
    %reduce_max3A = arith.constant dense<0xFF800000> : vector<200xf32>
    %reduce_max3A_18 = vector.multi_reduction <maximumf>, %select_n3A, %reduce_max3A [1] : vector<200x64xf32> to vector<200xf32>
    %broadcast_in_dim3A_19 = vector.shape_cast %reduce_max3A_18 : vector<200xf32> to vector<200x1xf32>
    %sub3A = vector.broadcast %broadcast_in_dim3A_19 : vector<200x1xf32> to vector<200x64xf32>
    %sub3A_20 = arith.subf %select_n3A, %sub3A : vector<200x64xf32>
    %exp3A = math.exp %sub3A_20 : vector<200x64xf32>
    %reduce_sum3A = arith.constant dense<0.000000e+00> : vector<200xf32>
    %reduce_sum3A_21 = vector.multi_reduction <add>, %exp3A, %reduce_sum3A [1] : vector<200x64xf32> to vector<200xf32>
    %broadcast_in_dim3A_22 = vector.shape_cast %reduce_sum3A_21 : vector<200xf32> to vector<200x1xf32>
    %log3A = math.log %broadcast_in_dim3A_22 : vector<200x1xf32>
    %add3A_23 = arith.addf %broadcast_in_dim3A_19, %log3A : vector<200x1xf32>
    %sub3A_24 = vector.broadcast %add3A_23 : vector<200x1xf32> to vector<200x64xf32>
    %sub3A_25 = arith.subf %add3A_15, %sub3A_24 : vector<200x64xf32>
    %slice3A = vector.extract_strided_slice %sub3A_25 {offsets = [0, 0], sizes = [200, 47], strides = [1, 1]} : vector<200x64xf32> to vector<200x47xf32>
    %swap3A = arith.constant 0 : index
    %swap3A_26 = arith.constant 0 : index
    %swap3A_27 = vector.load %arg4[%swap3A, %swap3A_26] : memref<200x47xf32, #tpu.memory_space<vmem>>, vector<200x47xf32>
    tpu.vector_store %arg4[%swap3A, %swap3A_26], %slice3A {strides = array<i32>} : memref<200x47xf32, #tpu.memory_space<vmem>>, vector<200x47xf32>,
    return
  }
  func.func @transform_0(%arg0: i32) -> (i32, i32, i32) {
    %c0_i32 = arith.constant 0 : i32
    %c0_i32_0 = arith.constant 0 : i32
    %c0_i32_1 = arith.constant 0 : i32
    return %c0_i32, %arg0, %c0_i32_0 : i32, i32, i32
  }
  func.func @transform_1(%arg0: i32) -> (i32, i32) {
    %c0_i32 = arith.constant 0 : i32
    %c0_i32_0 = arith.constant 0 : i32
    return %arg0, %c0_i32 : i32, i32
  }
  func.func @transform_2(%arg0: i32) -> (i32, i32) {
    %c0_i32 = arith.constant 0 : i32
    %c0_i32_0 = arith.constant 0 : i32
    return %arg0, %c0_i32 : i32, i32
  }
  func.func @transform_3(%arg0: i32) -> (i32, i32) {
    %c0_i32 = arith.constant 0 : i32
    %c0_i32_0 = arith.constant 0 : i32
    return %arg0, %c0_i32 : i32, i32
  }
}

</mosaic_0001>

<sc_bundles>
// kernel: kernel.6.cloned.1.call-start
scs
__scs_entry_jumppad:
0x0: {  	(pc) =	sbr.rel $0x88, $3  }
0x1: {  	(tag) =	ssettag $0x0;
	lr =	simm.s32 $0x1  }
0x2: {  	[smem:$0x3F99] =	sst lr;
	_ =	strace $0xD0000000  }
0x3: {  	_ = 	snop  }
0x4: {  	_ = 	snop  }
0x5: {  	_ = 	snop  }
0x6: {  	_ = 	snop  }
0x7: {  	_ = 	snop  }
__scs_overlays_trampoline_lowered:
0x8: {  	[smem:$0x3FA8] =	sst s0  }
0x9: {  	[smem:$0x3FA9] =	sst s1  }
0xa: {  	[smem:$0x3FAA] =	sst s2  }
0xb: {  	[smem:$0x3FAB] =	sst s3  }
0xc: {  	[smem:$0x3FAC] =	sst s4  }
0xd: {  	[smem:$0x3FAD] =	sst s5  }
0xe: {  	[smem:$0x3FAE] =	sst s6  }
0xf: {  	[smem:$0x3FAF] =	sst s7  }
0x10: {  	[smem:$0x3FB0] =	sst s8  }
0x11: {  	[smem:$0x3FB1] =	sst s9;
	s0 =	simm.s32 @!p0 $0x0  }
0x12: {  	s1 =	sld [smem:$0x3F97];
	s0 =	simm.s32 @p0 $0x1  }
0x13: {  	[smem:$0x3FB2] =	sst s0;
	s0 =	simm.s32 @!p1 $0x0  }
0x14: {  	s2 =	sld [smem:$0x3F96];
	s0 =	simm.s32 @p1 $0x1  }
0x15: {  	[smem:$0x3FB3] =	sst s0;
	s0 =	simm.s32 @!p2 $0x0  }
0x16: {  	s3 =	sld [smem:$0x3FDB];
	s0 =	simm.s32 @p2 $0x1  }
0x17: {  	s4 =	simm.s32 $0x1BF5;
	[smem:$0x3FB5] =	sst s0  }
0x18: {  	s0 =	sld [smem:$0x3F98];
	_ =	swait.ge [sflag:s4], $0x0  }
0x19: {  	s7 =	sld [smem:$0x3F99]  }
0x1a: {  	s8 =	sadd.s32 $0xFFFFE003, lr  }
0x1b: {  	s9 =	sadd.s32 $0xFFFFFEF7, lr;
	s5 =	simm.s32 $0xFFFFFFFF;
	p2 =	slt.u32 s8, $0xFFFFF086  }
0x1c: {  	p1 =	slt.u32 s9, $0xF7A;
	s5 =	simm.s32 @!p2 $0x0  }
0x1d: {  	s5 =	simm.s32 @p1 $0x1;
	p0 =	seq.s32 s7, s2  }
0x1e: {  	s7 =	smul.u32 @!p0 $0xF7A, s2;
	p2 =	seq.s32 @!p0 s5, $0x0  }
0x1f: {  	s9 =	smul.u32 $0xF7A, s1;
	s8 =	simm.s32 @!p0 $0x1BF5;
	p2 =	por !p2, p0  }
0x20: {  	[sflag:s8] =	ssyncset.s32 @!p0 $0xFFFFF086;
	s6 =	sadd.s32 @!p0 s3, s7;
	s7 =	simm.s32 @!p0 $0x108  }
0x21: {  	s3 =	sadd.s32 s3, s9;
	s6 =	sadd.s32 @!p0 $0x88, s6;
	s7 =	simm.s32 @p2 $0x1082  }
0x22: {  	[simem:s7], [sflag:s8] =	dma.local @!p0 [hbm:s6], $0xF7A  }
0x23: {  	s9 =	sor.u32 $0xD0000000, s2;
	s6 =	simm.s32 $0x108;
	_ =	swait.ge @!p0 [sflag:s8], $0x0  }
0x24: {  	s3 =	sadd.s32 $0x88, s3;
	s6 =	simm.s32 @!p1 $0x1082;
	[sflag:s4] =	ssyncset.s32 $0xFFFFF086  }
0x25: {  	[simem:s6], [sflag:s4] =	dma.local [hbm:s3], $0xF7A  }
0x26: {  	[smem:$0x3F99] =	sst s1;
	(tag) =	ssettag s2;
	_ =	strace s9  }
0x27: {  	s1 =	sld [smem:$0x3FA9]  }
0x28: {  	s2 =	sld [smem:$0x3FAA]  }
0x29: {  	s4 =	sld [smem:$0x3FAC]  }
0x2a: {  	p0 =	seq.s32 s5, $0x0;
	s5 =	sld [smem:$0x3FAD]  }
0x2b: {  	s6 =	sld [smem:$0x3FAE]  }
0x2c: {  	s7 =	sld [smem:$0x3FAF]  }
0x2d: {  	s3 =	simm.s32 $0x108;
	s8 =	sld [smem:$0x3FB0]  }
0x2e: {  	s3 =	simm.s32 @!p0 $0x1082;
	s9 =	sld [smem:$0x3FB1]  }
0x2f: {  	lr =	sadd.s32 s0, s3;
	s0 =	sld [smem:$0x3FA8]  }
0x30: {  	s3 =	sld [smem:$0x3FAB]  }
0x31: {  	[smem:$0x3FB4] =	sst s10  }
0x32: {  	s10 =	sld [smem:$0x3FB2];
	_ =	sdelay $0x3  }
0x33: {  	p0 =	seq.s32 s10, $0x1;
	s10 =	sld [smem:$0x3FB4];
	_ =	sdelay $0x3  }
0x34: {  	[smem:$0x3FB4] =	sst s10  }
0x35: {  	s10 =	sld [smem:$0x3FB3];
	_ =	sdelay $0x3  }
0x36: {  	p1 =	seq.s32 s10, $0x1;
	s10 =	sld [smem:$0x3FB4];
	_ =	sdelay $0x3  }
0x37: {  	[smem:$0x3FB4] =	sst s10  }
0x38: {  	s10 =	sld [smem:$0x3FB5]  }
0x39: {  	_ = 	snop;
	(pc) =	sbr.ind lr, $3  }
0x3a: {  	_ = 	snop  }
0x3b: {  	_ = 	snop  }
0x3c: {  	p2 =	seq.s32 s10, $0x1;
	s10 =	sld [smem:$0x3FB4]  }
0x3d: {  	_ =	shalt  }
0x3e: {  	_ =	shalt  }
0x3f: {  	_ =	shalt  }
0x40: {  	_ =	shalt  }
0x41: {  	_ =	shalt  }
0x42: {  	_ =	shalt  }
0x43: {  	_ =	shalt  }
0x44: {  	_ =	shalt  }
0x45: {  	_ =	shalt  }
0x46: {  	_ =	shalt  }
0x47: {  	_ =	shalt  }
0x48: {  	_ =	shalt  }
0x49: {  	_ =	shalt  }
0x4a: {  	_ =	shalt  }
0x4b: {  	_ =	shalt  }
0x4c: {  	_ =	shalt  }
0x4d: {  	_ =	shalt  }
0x4e: {  	_ =	shalt  }
0x4f: {  	_ =	shalt  }
0x50: {  	_ =	shalt  }
0x51: {  	_ =	shalt  }
0x52: {  	_ =	shalt  }
0x53: {  	_ =	shalt  }
0x54: {  	_ =	shalt  }
0x55: {  	_ =	shalt  }
0x56: {  	_ =	shalt  }
0x57: {  	_ =	shalt  }
0x58: {  	_ =	shalt  }
0x59: {  	_ =	shalt  }
0x5a: {  	_ =	shalt  }
0x5b: {  	_ =	shalt  }
0x5c: {  	_ =	shalt  }
0x5d: {  	_ =	shalt  }
0x5e: {  	_ =	shalt  }
0x5f: {  	_ =	shalt  }
0x60: {  	_ =	shalt  }
0x61: {  	_ =	shalt  }
0x62: {  	_ =	shalt  }
0x63: {  	_ =	shalt  }
0x64: {  	_ =	shalt  }
0x65: {  	_ =	shalt  }
0x66: {  	_ =	shalt  }
0x67: {  	_ =	shalt  }
0x68: {  	_ =	shalt  }
0x69: {  	_ =	shalt  }
0x6a: {  	_ =	shalt  }
0x6b: {  	_ =	shalt  }
0x6c: {  	_ =	shalt  }
0x6d: {  	_ =	shalt  }
0x6e: {  	_ =	shalt  }
0x6f: {  	_ =	shalt  }
0x70: {  	_ =	shalt  }
0x71: {  	_ =	shalt  }
0x72: {  	_ =	shalt  }
0x73: {  	_ =	shalt  }
0x74: {  	_ =	shalt  }
0x75: {  	_ =	shalt  }
0x76: {  	_ =	shalt  }
0x77: {  	_ =	shalt  }
0x78: {  	_ =	shalt  }
0x79: {  	_ =	shalt  }
0x7a: {  	_ =	shalt  }
0x7b: {  	_ =	shalt  }
0x7c: {  	_ =	shalt  }
0x7d: {  	_ =	shalt  }
0x7e: {  	_ =	shalt  }
0x7f: {  	_ =	shalt  }
0x80: {  	_ =	shalt  }
0x81: {  	_ =	shalt  }
0x82: {  	_ =	shalt  }
0x83: {  	_ =	shalt  }
0x84: {  	_ =	shalt  }
0x85: {  	_ =	shalt  }
0x86: {  	_ =	shalt  }
0x87: {  	_ =	shalt  }
.Lfunc_end0:
.L_simem_size_0:
called_computation_lowered:
.L_overlay_start_0:
0x88: {  	s2 =	sld [smem:$0x3FD9]  }
0x89: {  	s3 =	sld [smem:$0x3FFE];
	_ =	sdelay $0x1  }
0x8a: {  	s1 =	srdreg.scid  }
0x8b: {  	s0 =	sand.u32 $0x1, s1  }
0x8c: {  	s17 =	sshll.u32 s0, $0xA;
	s2 =	sadd.s32 s3, s2  }
0x8d: {  	s2 =	sadd.s32 s2, s17  }
0x8e: {  	[smem:$0x3FC0] =	sst s2  }
0x8f: {  	_ = 	snop  }
0x90: {  	s2 =	sld [smem:$0x3FD0];
	(tm) =	ssettm $0x1  }
0x91: {  	s18 =	sld [smem:$0x3FFB];
	_ =	sdelay $0x3  }
0x92: {  	_ =	strace s18  }
0x93: {  	s3 =	sld [smem:$0x3FFC];
	_ =	sdelay $0x3  }
0x94: {  	_ =	strace s3  }
0x95: {  	s3 =	sld [smem:$0x3FFD];
	_ =	sdelay $0x3  }
0x96: {  	_ =	strace s3  }
0x97: {  	_ =	strace $0x8FFFFFFF  }
0x98: {  	s19 =	sld [smem:$0x3FDB];
	_ =	sdelay $0x1  }
0x99: {  	s4 =	simm.s32 $_scs_section_size  }
0x9a: {  	s5 =	simm.s32 $_size__tile_overlayer_lowered;
	s6 =	simm.s32 $_tile_overlayer_lowered  }
0x9b: {  	s22 =	simm.s32 $0x1BFF;
	s21 =	sshll.u32 s6, $0x1;
	s3 =	sadd.s32 s4, s19  }
0x9c: {  	s7 =	simm.s32 $0x0;
	s20 =	sshll.u32 s5, $0x1;
	s5 =	sadd.s32 s21, s3  }
0x9d: {  	[timem:s7], [sflag:s22] =	dma.local [hbm:s5], s20  }
0x9e: {  	_ =	swait.ge [sflag:s22], s20  }
0x9f: {  	s4 =	ssub.s32 $0x0, s20;
	[sflag:s22] =	ssyncset.done $0x0  }
0xa0: {  	[sflag:s22] =	ssyncadd.s32 s4;
	_ =	sdelay $0x1  }
0xa1: {  	s23 =	simm.s32 $0x1B8B  }
0xa2: {  	_ =	swait.ge [sflag:s23], $0x1  }
0xa3: {  	[sflag:s23] =	ssyncset.done $0x0  }
0xa4: {  	s25 =	simm.s32 $0x1B8E;
	s24 =	sld [smem:$0x3FFE];
	[sflag:s23] =	ssyncadd.s32 $0xFFFFFFFF  }
0xa5: {  	s26 =	simm.s32 $execute0_lowered;
	[smem:$0x3FD2] =	sst s25  }
0xa6: {  	s5 =	sshll.u32 s26, $0x1;
	_ =	strace $0x80000046;
	[dreg:$0x1] =	wrdreg $0xFFFFFFFF  }
0xa7: {  	s28 =	simm.s32 $_size_execute0_lowered;
	s3 =	sadd.s32 s3, s5;
	[dreg:$0x0] =	wrdreg $0x0  }
0xa8: {  	s5 =	sshll.u32 s28, $0x1;
	[dreg:$0x2] =	wrdreg s3  }
0xa9: {  	[dreg:$0x3] =	wrdreg s5  }
0xaa: {  	[dreg:$0x4] =	wrdreg $0xC0  }
0xab: {  	_ =	task [dreg:s7], $0x5FFFF  }
0xac: {  	[dreg:$0x1] =	wrdreg $0xFFFFFFFF  }
0xad: {  	[dreg:$0x0] =	wrdreg $0x60  }
0xae: {  	[dreg:$0x2] =	wrdreg s24  }
0xaf: {  	[dreg:$0x3] =	wrdreg s2  }
0xb0: {  	[dreg:$0x4] =	wrdreg $0x0  }
0xb1: {  	[dreg:$0x5] =	wrdreg $0x9  }
0xb2: {  	_ =	task.clear_ibuf [dreg:s7], $0x6FFFF;
	_ =	strace $0x90000046  }
0xb3: {  	s29 =	simm.s32 $0x9;
	_ =	strace $0x80000048  }
0xb4: {  	_ =	swait.ge [sflag:s29], $0x1  }
0xb5: {  	[sflag:s29] =	ssyncadd.s32 $0xFFFFFFFF  }
0xb6: {  	_ =	strace $0x90000048  }
0xb7: {  	_ =	sfence  }
0xb8: {  	s30 =	sld [smem:$0x0];
	_ =	sdelay $0x2  }
0xb9: {  	s31 =	sshll.u32 s1, $0xD;
	s1 =	sshrl.u32 s1, $0x2  }
0xba: {  	s3 =	sand.u32 $0x4000, s31;
	s1 =	sadd.s32 s1, s30  }
0xbb: {  	s0 =	sor.u32 s3, s0;
	s1 =	sshll.u32 s1, $0x11  }
0xbc: {  	s0 =	sor.u32 s1, s0  }
0xbd: {  	s0 =	sadd.s32 $0x8F2B, s0  }
0xbe: {  	[sflag:s0] =	ssyncadd.remote.s32 $0x1  }
0xbf: {  	_ =	sfence.sel $0xFFFF  }
0xc0: {  	[dreg:$0x0] =	wrdreg $0xFFFFFFFF;
	(pc) =	sbr.abs _section_cstart, $3  }
0xc1: {  	[dreg:$0x1] =	wrdreg $0xFFFFFFFF  }
0xc2: {  	_ =	task.clear_ibuf [dreg:s7], $0x2FFFF;
	_ =	strace $0x9FFFFFFF  }
0xc3: {  	(tm) =	ssettm $0x7FFFFFFF  }
tec
execute0_lowered:
.L_overlay_start_1:
0x0: {  	(tag) =	ssettag $0x1  }
0x1: {  	s0 =	rddreg [dreg:$0x0]  }
0x2: {  	s1 =	rddreg [dreg:$0x1]  }
0x3: {  	s3 =	simm.s32 $0x0;
	s2 =	srdreg.scid;
	[dreg:$0x4] =	wrdreg s1  }
0x4: {  	s9 =	stileid.u32;
	s20 =	simm.s32 $0x15480;
	s1 =	rddreg [dreg:$0x2]  }
0x5: {  	s21 =	simm.s32 $0x15500;
	[smem:$0x7FF] =	sst s3;
	s5 =	sadd.s32 $0x2B800, s0  }
0x6: {  	s16 =	sadd.s32 $0x35800, s0;
	_ =	strace $0x80000047;
	[dreg:$0x5] =	wrdreg s5  }
0x7: {  	s22 =	simm.s32 $0x15E80;
	s24 =	simm.s32 $0x15580;
	[dreg:$0x1c] =	wrdreg s16  }
0x8: {  	s25 =	simm.s32 $0x15F00;
	s26 =	simm.s32 $0x15600;
	[dreg:$0x6] =	wrdreg s20  }
0x9: {  	s11 =	simm.s32 $0x15700;
	s13 =	simm.s32 $0x16080;
	[dreg:$0x7] =	wrdreg s21  }
0xa: {  	s28 =	simm.s32 $0x15400;
	s29 =	simm.s32 $0x15E00;
	[dreg:$0x8] =	wrdreg s22  }
0xb: {  	s30 =	simm.s32 $0x2;
	s6 =	smul.u32 $0x90, s9;
	[dreg:$0x9] =	wrdreg s24  }
0xc: {  	s2 =	sand.u32 $0x1, s2;
	s17 =	smul.u32 $0x60, s9;
	[dreg:$0xa] =	wrdreg s25  }
0xd: {  	s23 =	smul.u32 $0x55000, s9;
	s9 =	simm.s32 $0x16000;
	[dreg:$0xb] =	wrdreg s26  }
0xe: {  	s31 =	simm.s32 $0x1AC00;
	s15 =	smul.u32 $0x900, s2;
	[dreg:$0xe] =	wrdreg s9  }
0xf: {  	s4 =	sadd.s32 $0x1E00, s0;
	s18 =	smul.u32 $0x2A800, s2;
	[dreg:$0xf] =	wrdreg s11  }
0x10: {  	s7 =	ssub.s32 $0x2, s2;
	p0 =	seq.s32 s2, $0x0;
	[dreg:$0x10] =	wrdreg s13  }
0x11: {  	s20 =	simm.s32 $0x15880;
	s21 =	simm.s32 $0x16200;
	s22 =	simm.s32 $0x15900  }
0x12: {  	s24 =	simm.s32 $0x15980;
	s25 =	simm.s32 $0x16300;
	[dreg:$0x15] =	wrdreg s20  }
0x13: {  	s26 =	simm.s32 $0x15A00;
	s2 =	simm.s32 $0x15B00;
	[dreg:$0x16] =	wrdreg s21  }
0x14: {  	s11 =	simm.s32 $0x15C00;
	s13 =	simm.s32 $0x15C80;
	[dreg:$0x17] =	wrdreg s22  }
0x15: {  	s5 =	sadd.s32 s17, s0;
	s8 =	sshrl.u32 s7, $0x1;
	[dreg:$0x19] =	wrdreg s24  }
0x16: {  	s17 =	simm.s32 $0x16100;
	s20 =	simm.s32 $0x16800;
	[dreg:$0x1a] =	wrdreg s25  }
0x17: {  	s21 =	simm.s32 $0x1;
	[dreg:$0x1b] =	wrdreg s26;
	s26 =	simm.s32 $0x14  }
0x18: {  	s22 =	simm.s32 $0x16680;
	s24 =	simm.s32 $0x16700;
	s25 =	simm.s32 $0x16780  }
0x19: {  	s3 =	sadd.s32 s6, s15;
	s5 =	sadd.s32 $0x1800, s5;
	[dreg:$0x12] =	wrdreg s17  }
0x1a: {  	s19 =	ssub.s32 s7, s8;
	s7 =	simm.s32 $0x15680;
	[dreg:$0x1d] =	wrdreg s5  }
0x1b: {  	s15 =	simm.s32 $0x15780;
	s17 =	simm.s32 $0x3;
	[dreg:$0xd] =	wrdreg s7  }
0x1c: {  	s3 =	sshrl.u32 s3, $0x3;
	s16 =	smax.u32 s19, $0x1;
	[dreg:$0x11] =	wrdreg s15  }
0x1d: {  	s5 =	simm.s32 $0x6;
	s19 =	simm.s32 $0x16180;
	[smem:$0x7FD] =	sst s16  }
0x1e: {  	s3 =	sadd.s32 s3, s0;
	s5 =	simm.s32 @!p0 $0x2;
	[dreg:$0x14] =	wrdreg s19  }
0x1f: {  	s0 =	sadd.s32 s18, s0;
	s18 =	simm.s32 $0x15800;
	[dreg:$0x1f] =	wrdreg s5  }
0x20: {  	s6 =	simm.s32 $0x15B80;
	s3 =	sadd.s32 $0x1400, s3;
	[dreg:$0x13] =	wrdreg s18  }
0x21: {  	s7 =	simm.s32 $0x16500;
	s0 =	sadd.s32 $0x36200, s0;
	[dreg:$0x1e] =	wrdreg s3  }
0x22: {  	s15 =	simm.s32 $0x15D00;
	s5 =	simm.s32 $0x15F80;
	[smem:$0x7F7] =	sst s0  }
0x23: {  	s3 =	sshrl.u32 s23, $0x2;
	[dreg:$0xc] =	wrdreg s5;
	s23 =	simm.s32 $0x16280  }
0x24: {  	s19 =	simm.s32 $0x16400;
	s3 =	sadd.s32 s3, s1;
	[dreg:$0x18] =	wrdreg s23  }
0x25: {  	s18 =	simm.s32 $0x80;
	s8 =	sadd.s32 $0x4400, s3;
	[smem:$0x7FB] =	sst s3  }
0x26: {  	s0 =	simm.s32 $0x16380;
	s10 =	sadd.s32 $0x8800, s3;
	[smem:$0x7F8] =	sst s8  }
0x27: {  	s5 =	simm.s32 $0x16480;
	s12 =	sadd.s32 $0xCC00, s3;
	[smem:$0x7F9] =	sst s10  }
0x28: {  	s23 =	simm.s32 $0x15D80;
	s14 =	sadd.s32 $0x11000, s3;
	[smem:$0x7FA] =	sst s12  }
0x29: {  	s3 =	simm.s32 $0x15A80;
	[smem:$0x7FC] =	sst s14;
	s10 =	simm.s32 $0x1F180  }
0x2a: {  	s12 =	simm.s32 $0x16580;
	s14 =	simm.s32 $0x16600;
	s8 =	simm.s32 $0x0  }
.LBB2_1:
0x2b: {  	[smem:$0x7F6] =	sst s8  }
0x2c: {  	s9 =	rddreg [dreg:$0x1d];
	s8 =	simm.s32 $0x1F000;
	s16 =	simm.s32 $0x0  }
0x2d: {  	[tilespmem:s8], [sflag:$0x3] =	stream.linear.gather [hbm4b:s9+s16], $0x300, $0x38;
	[tilespmem:$0x1F390] =	vst v63  }
0x2e: {  	_ =	swait.ge [sflag:s17], $0x300  }
0x2f: {  	s8 =	simm.s32 $0x0;
	[sflag:s17] =	ssyncset.done $0x0  }
0x30: {  	s16 =	simm.s32 $0x1F300;
	s9 =	rddreg [dreg:$0x1e];
	[sflag:s17] =	ssyncadd.s32 $0xFFFFFD00  }
0x31: {  	[tilespmem:s16], [sflag:$0x3] =	stream.linear.gather [hbm4b:s9+s8], $0x90, $0x38;
	[tilespmem:$0x1F390] =	vst v63  }
0x32: {  	_ =	swait.ge [sflag:s17], $0x90  }
0x33: {  	[sflag:s17] =	ssyncset.done $0x0  }
0x34: {  	s16 =	simm.s32 $0x1F280;
	s9 =	rddreg [dreg:$0x1c];
	[sflag:s17] =	ssyncadd.s32 $0xFFFFFF70  }
0x35: {  	[tilespmem:s20], [sflag:$0x1] =	stream.indirect.gather [hbm4b:s9+s18], $0x88, s16, s18, $0xb8;
	[tilespmem:$0x1F390] =	vst v63  }
0x36: {  	_ =	swait.ge [sflag:s21], $0x4400  }
0x37: {  	[sflag:s21] =	ssyncset.done $0x0  }
0x38: {  	s9 =	simm.s32 $0x1F000;
	[sflag:s21] =	ssyncadd.s32 $0xFFFFBC00  }
0x39: {  	[spmem:s1] =	stream.indirect.scatter [tilespmem:s20], [sflag:$0x3], $0x88, s9, s18, $0xb8;
	[tilespmem:$0x1F390] =	vst v63  }
0x3a: {  	_ =	swait.ge [sflag:s17], $0x4400  }
0x3b: {  	[sflag:s17] =	ssyncset.done $0x0  }
0x3c: {  	s16 =	simm.s32 $0x1F080;
	[sflag:s17] =	ssyncadd.s32 $0xFFFFBC00  }
0x3d: {  	[spmem:s1] =	stream.indirect.scatter [tilespmem:s20], [sflag:$0x3], $0x88, s16, s18, $0xb8;
	[tilespmem:$0x1F390] =	vst v63  }
0x3e: {  	_ =	swait.ge [sflag:s17], $0x4400  }
0x3f: {  	[sflag:s17] =	ssyncset.done $0x0  }
0x40: {  	s9 =	simm.s32 $0x1F100;
	[sflag:s17] =	ssyncadd.s32 $0xFFFFBC00  }
0x41: {  	[spmem:s1] =	stream.indirect.scatter [tilespmem:s20], [sflag:$0x3], $0x88, s9, s18, $0xb8;
	[tilespmem:$0x1F390] =	vst v63  }
0x42: {  	_ =	swait.ge [sflag:s17], $0x4400  }
0x43: {  	[sflag:s17] =	ssyncset.done $0x0  }
0x44: {  	[sflag:s17] =	ssyncadd.s32 $0xFFFFBC00  }
0x45: {  	[spmem:s1] =	stream.indirect.scatter [tilespmem:s20], [sflag:$0x3], $0x88, s10, s18, $0xb8;
	[tilespmem:$0x1F390] =	vst v63  }
0x46: {  	_ =	swait.ge [sflag:s17], $0x4400  }
0x47: {  	[sflag:s17] =	ssyncset.done $0x0  }
0x48: {  	s10 =	simm.s32 $0x1F200;
	[sflag:s17] =	ssyncadd.s32 $0xFFFFBC00  }
0x49: {  	[spmem:s1] =	stream.indirect.scatter [tilespmem:s20], [sflag:$0x3], $0x88, s10, s18, $0xb8;
	[tilespmem:$0x1F390] =	vst v63  }
0x4a: {  	_ =	swait.ge [sflag:s17], $0x4400  }
0x4b: {  	[sflag:s17] =	ssyncset.done $0x0  }
0x4c: {  	[sflag:s17] =	ssyncadd.s32 $0xFFFFBC00  }
0x4d: {  	[bflag:$0x0] =	sbarrier.arrive $0xFFFF  }
0x4e: {  	s16 =	rddreg [dreg:$0x1f]  }
0x4f: {  	p1 =	sne.s32 s16, $0x1  }
.Ltmp0:
0x50: {  	_ = 	snop;
	(pc) =	sbr.rel @!p1 .LBB2_2-.Ltmp0, $2  }
0x51: {  	_ =	sdelay $0x2  }
0x52: {  	p0 =	por $0x0, $0x0;
	s9 =	rddreg [dreg:$0x4];
	s8 =	sadd.s32 $0xFFFFFFFF, s16  }
0x53: {  	s16 =	simm.s32 $0x1F300  }
0x54: {  	[tilespmem:s28], [sflag:$0x1] =	stream.indirect.gather [hbm4b:s9+s26], $0x80, s16, s26, $0xb8;
	[tilespmem:$0x1F390] =	vst v63  }
0x55: {  	s10 =	rddreg [dreg:$0x5]  }
0x56: {  	[tilespmem:s29], [sflag:$0x2] =	stream.indirect.gather [hbm4b:s10+s26], $0x80, s16, s26, $0xb8;
	[tilespmem:$0x1F390] =	vst v63  }
0x57: {  	_ =	swait.ge [sflag:s21], $0xA00  }
0x58: {  	[sflag:s21] =	ssyncset.done $0x0  }
0x59: {  	[sflag:s21] =	ssyncadd.s32 $0xFFFFF600  }
0x5a: {  	_ =	swait.ge [sflag:s30], $0xA00  }
0x5b: {  	[sflag:s30] =	ssyncset.done $0x0  }
0x5c: {  	[sflag:s30] =	ssyncadd.s32 $0xFFFFF600  }
0x5d: {  	[tilespmem:s20], [sflag:$0x1] =	stream.indirect.gather [hbm4b:s4+s18], $0x88, s28, s18, $0xb8;
	[tilespmem:$0x1F390] =	vst v63  }
0x5e: {  	s10 =	rddreg [dreg:$0x6]  }
0x5f: {  	[tilespmem:s31], [sflag:$0x2] =	stream.indirect.gather [hbm4b:s4+s18], $0x88, s10, s18, $0xb8;
	[tilespmem:$0x1F390] =	vst v63  }
0x60: {  	_ =	swait.ge [sflag:s21], $0x4400  }
0x61: {  	[sflag:s21] =	ssyncset.done $0x0  }
0x62: {  	[sflag:s21] =	ssyncadd.s32 $0xFFFFBC00  }
0x63: {  	[spmem:s1] =	stream.indirect.scatter.add.f32 [tilespmem:s20], [sflag:$0x3], $0x88, s29, s18, $0xb8;
	[tilespmem:$0x1F390] =	vst v63  }
0x64: {  	_ =	swait.ge [sflag:s17], $0x4400  }
0x65: {  	[sflag:s17] =	ssyncset.done $0x0  }
0x66: {  	s16 =	rddreg [dreg:$0x7];
	[sflag:s17] =	ssyncadd.s32 $0xFFFFBC00  }
0x67: {  	[tilespmem:s20], [sflag:$0x1] =	stream.indirect.gather [hbm4b:s4+s18], $0x88, s16, s18, $0xb8;
	[tilespmem:$0x1F390] =	vst v63  }
0x68: {  	_ =	swait.ge [sflag:s30], $0x4400  }
0x69: {  	[sflag:s30] =	ssyncset.done $0x0  }
0x6a: {  	s10 =	rddreg [dreg:$0x8];
	[sflag:s30] =	ssyncadd.s32 $0xFFFFBC00  }
0x6b: {  	[spmem:s1] =	stream.indirect.scatter.add.f32 [tilespmem:s31], [sflag:$0x3], $0x88, s10, s18, $0xb8;
	[tilespmem:$0x1F390] =	vst v63  }
0x6c: {  	_ =	swait.ge [sflag:s17], $0x4400  }
0x6d: {  	[sflag:s17] =	ssyncset.done $0x0  }
0x6e: {  	s16 =	rddreg [dreg:$0x9];
	[sflag:s17] =	ssyncadd.s32 $0xFFFFBC00  }
0x6f: {  	[tilespmem:s31], [sflag:$0x2] =	stream.indirect.gather [hbm4b:s4+s18], $0x88, s16, s18, $0xb8;
	[tilespmem:$0x1F390] =	vst v63  }
0x70: {  	_ =	swait.ge [sflag:s21], $0x4400  }
0x71: {  	[sflag:s21] =	ssyncset.done $0x0  }
0x72: {  	s10 =	rddreg [dreg:$0xa];
	[sflag:s21] =	ssyncadd.s32 $0xFFFFBC00  }
0x73: {  	[spmem:s1] =	stream.indirect.scatter.add.f32 [tilespmem:s20], [sflag:$0x3], $0x88, s10, s18, $0xb8;
	[tilespmem:$0x1F390] =	vst v63  }
0x74: {  	_ =	swait.ge [sflag:s17], $0x4400  }
0x75: {  	[sflag:s17] =	ssyncset.done $0x0  }
0x76: {  	s16 =	rddreg [dreg:$0xb];
	[sflag:s17] =	ssyncadd.s32 $0xFFFFBC00  }
0x77: {  	[tilespmem:s20], [sflag:$0x1] =	stream.indirect.gather [hbm4b:s4+s18], $0x88, s16, s18, $0xb8;
	[tilespmem:$0x1F390] =	vst v63  }
0x78: {  	_ =	swait.ge [sflag:s30], $0x4400  }
0x79: {  	[sflag:s30] =	ssyncset.done $0x0  }
0x7a: {  	s10 =	rddreg [dreg:$0xc];
	[sflag:s30] =	ssyncadd.s32 $0xFFFFBC00  }
0x7b: {  	[spmem:s1] =	stream.indirect.scatter.add.f32 [tilespmem:s31], [sflag:$0x3], $0x88, s10, s18, $0xb8;
	[tilespmem:$0x1F390] =	vst v63  }
0x7c: {  	_ =	swait.ge [sflag:s17], $0x4400  }
0x7d: {  	[sflag:s17] =	ssyncset.done $0x0  }
0x7e: {  	s16 =	rddreg [dreg:$0xd];
	[sflag:s17] =	ssyncadd.s32 $0xFFFFBC00  }
0x7f: {  	[tilespmem:s31], [sflag:$0x2] =	stream.indirect.gather [hbm4b:s4+s18], $0x88, s16, s18, $0xb8;
	[tilespmem:$0x1F390] =	vst v63  }
0x80: {  	_ =	swait.ge [sflag:s21], $0x4400  }
0x81: {  	[sflag:s21] =	ssyncset.done $0x0  }
0x82: {  	s10 =	rddreg [dreg:$0xe];
	[sflag:s21] =	ssyncadd.s32 $0xFFFFBC00  }
0x83: {  	[spmem:s1] =	stream.indirect.scatter.add.f32 [tilespmem:s20], [sflag:$0x3], $0x88, s10, s18, $0xb8;
	[tilespmem:$0x1F390] =	vst v63  }
0x84: {  	_ =	swait.ge [sflag:s17], $0x4400  }
0x85: {  	[sflag:s17] =	ssyncset.done $0x0  }
0x86: {  	s16 =	rddreg [dreg:$0xf];
	[sflag:s17] =	ssyncadd.s32 $0xFFFFBC00  }
0x87: {  	[tilespmem:s20], [sflag:$0x1] =	stream.indirect.gather [hbm4b:s4+s18], $0x88, s16, s18, $0xb8;
	[tilespmem:$0x1F390] =	vst v63  }
0x88: {  	_ =	swait.ge [sflag:s30], $0x4400  }
0x89: {  	[sflag:s30] =	ssyncset.done $0x0  }
0x8a: {  	s10 =	rddreg [dreg:$0x10];
	[sflag:s30] =	ssyncadd.s32 $0xFFFFBC00  }
0x8b: {  	[spmem:s1] =	stream.indirect.scatter.add.f32 [tilespmem:s31], [sflag:$0x3], $0x88, s10, s18, $0xb8;
	[tilespmem:$0x1F390] =	vst v63  }
0x8c: {  	_ =	swait.ge [sflag:s17], $0x4400  }
0x8d: {  	[sflag:s17] =	ssyncset.done $0x0  }
0x8e: {  	s16 =	rddreg [dreg:$0x11];
	[sflag:s17] =	ssyncadd.s32 $0xFFFFBC00  }
0x8f: {  	[tilespmem:s31], [sflag:$0x2] =	stream.indirect.gather [hbm4b:s4+s18], $0x88, s16, s18, $0xb8;
	[tilespmem:$0x1F390] =	vst v63  }
0x90: {  	_ =	swait.ge [sflag:s21], $0x4400  }
0x91: {  	[sflag:s21] =	ssyncset.done $0x0  }
0x92: {  	s10 =	rddreg [dreg:$0x12];
	[sflag:s21] =	ssyncadd.s32 $0xFFFFBC00  }
0x93: {  	[spmem:s1] =	stream.indirect.scatter.add.f32 [tilespmem:s20], [sflag:$0x3], $0x88, s10, s18, $0xb8;
	[tilespmem:$0x1F390] =	vst v63  }
0x94: {  	_ =	swait.ge [sflag:s17], $0x4400  }
0x95: {  	[sflag:s17] =	ssyncset.done $0x0  }
0x96: {  	s16 =	rddreg [dreg:$0x13];
	[sflag:s17] =	ssyncadd.s32 $0xFFFFBC00  }
0x97: {  	[tilespmem:s20], [sflag:$0x1] =	stream.indirect.gather [hbm4b:s4+s18], $0x88, s16, s18, $0xb8;
	[tilespmem:$0x1F390] =	vst v63  }
0x98: {  	_ =	swait.ge [sflag:s30], $0x4400  }
0x99: {  	[sflag:s30] =	ssyncset.done $0x0  }
0x9a: {  	s10 =	rddreg [dreg:$0x14];
	[sflag:s30] =	ssyncadd.s32 $0xFFFFBC00  }
0x9b: {  	[spmem:s1] =	stream.indirect.scatter.add.f32 [tilespmem:s31], [sflag:$0x3], $0x88, s10, s18, $0xb8;
	[tilespmem:$0x1F390] =	vst v63  }
0x9c: {  	_ =	swait.ge [sflag:s17], $0x4400  }
0x9d: {  	[sflag:s17] =	ssyncset.done $0x0  }
0x9e: {  	s16 =	rddreg [dreg:$0x15];
	[sflag:s17] =	ssyncadd.s32 $0xFFFFBC00  }
0x9f: {  	[tilespmem:s31], [sflag:$0x2] =	stream.indirect.gather [hbm4b:s4+s18], $0x88, s16, s18, $0xb8;
	[tilespmem:$0x1F390] =	vst v63  }
0xa0: {  	_ =	swait.ge [sflag:s21], $0x4400  }
0xa1: {  	[sflag:s21] =	ssyncset.done $0x0  }
0xa2: {  	s10 =	rddreg [dreg:$0x16];
	[sflag:s21] =	ssyncadd.s32 $0xFFFFBC00  }
0xa3: {  	[spmem:s1] =	stream.indirect.scatter.add.f32 [tilespmem:s20], [sflag:$0x3], $0x88, s10, s18, $0xb8;
	[tilespmem:$0x1F390] =	vst v63  }
0xa4: {  	_ =	swait.ge [sflag:s17], $0x4400  }
0xa5: {  	[sflag:s17] =	ssyncset.done $0x0  }
0xa6: {  	s16 =	rddreg [dreg:$0x17];
	[sflag:s17] =	ssyncadd.s32 $0xFFFFBC00  }
0xa7: {  	[tilespmem:s20], [sflag:$0x1] =	stream.indirect.gather [hbm4b:s4+s18], $0x88, s16, s18, $0xb8;
	[tilespmem:$0x1F390] =	vst v63  }
0xa8: {  	_ =	swait.ge [sflag:s30], $0x4400  }
0xa9: {  	[sflag:s30] =	ssyncset.done $0x0  }
0xaa: {  	s10 =	rddreg [dreg:$0x18];
	[sflag:s30] =	ssyncadd.s32 $0xFFFFBC00  }
0xab: {  	[spmem:s1] =	stream.indirect.scatter.add.f32 [tilespmem:s31], [sflag:$0x3], $0x88, s10, s18, $0xb8;
	[tilespmem:$0x1F390] =	vst v63  }
0xac: {  	_ =	swait.ge [sflag:s17], $0x4400  }
0xad: {  	[sflag:s17] =	ssyncset.done $0x0  }
0xae: {  	s16 =	rddreg [dreg:$0x19];
	[sflag:s17] =	ssyncadd.s32 $0xFFFFBC00  }
0xaf: {  	[tilespmem:s31], [sflag:$0x2] =	stream.indirect.gather [hbm4b:s4+s18], $0x88, s16, s18, $0xb8;
	[tilespmem:$0x1F390] =	vst v63  }
0xb0: {  	_ =	swait.ge [sflag:s21], $0x4400  }
0xb1: {  	[sflag:s21] =	ssyncset.done $0x0  }
0xb2: {  	s10 =	rddreg [dreg:$0x1a];
	[sflag:s21] =	ssyncadd.s32 $0xFFFFBC00  }
0xb3: {  	[spmem:s1] =	stream.indirect.scatter.add.f32 [tilespmem:s20], [sflag:$0x3], $0x88, s10, s18, $0xb8;
	[tilespmem:$0x1F390] =	vst v63  }
0xb4: {  	_ =	swait.ge [sflag:s17], $0x4400  }
0xb5: {  	[sflag:s17] =	ssyncset.done $0x0  }
0xb6: {  	s16 =	rddreg [dreg:$0x1b];
	[sflag:s17] =	ssyncadd.s32 $0xFFFFBC00  }
0xb7: {  	[tilespmem:s20], [sflag:$0x1] =	stream.indirect.gather [hbm4b:s4+s18], $0x88, s16, s18, $0xb8;
	[tilespmem:$0x1F390] =	vst v63  }
0xb8: {  	_ =	swait.ge [sflag:s30], $0x4400  }
0xb9: {  	[sflag:s30] =	ssyncset.done $0x0  }
0xba: {  	[sflag:s30] =	ssyncadd.s32 $0xFFFFBC00  }
0xbb: {  	[spmem:s1] =	stream.indirect.scatter.add.f32 [tilespmem:s31], [sflag:$0x3], $0x88, s0, s18, $0xb8;
	[tilespmem:$0x1F390] =	vst v63  }
0xbc: {  	_ =	swait.ge [sflag:s17], $0x4400  }
0xbd: {  	[sflag:s17] =	ssyncset.done $0x0  }
0xbe: {  	[sflag:s17] =	ssyncadd.s32 $0xFFFFBC00  }
0xbf: {  	[tilespmem:s31], [sflag:$0x2] =	stream.indirect.gather [hbm4b:s4+s18], $0x88, s3, s18, $0xb8;
	[tilespmem:$0x1F390] =	vst v63  }
0xc0: {  	_ =	swait.ge [sflag:s21], $0x4400  }
0xc1: {  	[sflag:s21] =	ssyncset.done $0x0  }
0xc2: {  	[sflag:s21] =	ssyncadd.s32 $0xFFFFBC00  }
0xc3: {  	[spmem:s1] =	stream.indirect.scatter.add.f32 [tilespmem:s20], [sflag:$0x3], $0x88, s19, s18, $0xb8;
	[tilespmem:$0x1F390] =	vst v63  }
0xc4: {  	_ =	swait.ge [sflag:s17], $0x4400  }
0xc5: {  	[sflag:s17] =	ssyncset.done $0x0  }
0xc6: {  	[sflag:s17] =	ssyncadd.s32 $0xFFFFBC00  }
0xc7: {  	[tilespmem:s20], [sflag:$0x1] =	stream.indirect.gather [hbm4b:s4+s18], $0x88, s2, s18, $0xb8;
	[tilespmem:$0x1F390] =	vst v63  }
0xc8: {  	_ =	swait.ge [sflag:s30], $0x4400  }
0xc9: {  	[sflag:s30] =	ssyncset.done $0x0  }
0xca: {  	[sflag:s30] =	ssyncadd.s32 $0xFFFFBC00  }
0xcb: {  	[spmem:s1] =	stream.indirect.scatter.add.f32 [tilespmem:s31], [sflag:$0x3], $0x88, s5, s18, $0xb8;
	[tilespmem:$0x1F390] =	vst v63  }
0xcc: {  	_ =	swait.ge [sflag:s17], $0x4400  }
0xcd: {  	[sflag:s17] =	ssyncset.done $0x0  }
0xce: {  	[sflag:s17] =	ssyncadd.s32 $0xFFFFBC00  }
0xcf: {  	[tilespmem:s31], [sflag:$0x2] =	stream.indirect.gather [hbm4b:s4+s18], $0x88, s6, s18, $0xb8;
	[tilespmem:$0x1F390] =	vst v63  }
0xd0: {  	_ =	swait.ge [sflag:s21], $0x4400  }
0xd1: {  	[sflag:s21] =	ssyncset.done $0x0  }
0xd2: {  	[sflag:s21] =	ssyncadd.s32 $0xFFFFBC00  }
0xd3: {  	[spmem:s1] =	stream.indirect.scatter.add.f32 [tilespmem:s20], [sflag:$0x3], $0x88, s7, s18, $0xb8;
	[tilespmem:$0x1F390] =	vst v63  }
0xd4: {  	_ =	swait.ge [sflag:s17], $0x4400  }
0xd5: {  	[sflag:s17] =	ssyncset.done $0x0  }
0xd6: {  	[sflag:s17] =	ssyncadd.s32 $0xFFFFBC00  }
0xd7: {  	[tilespmem:s20], [sflag:$0x1] =	stream.indirect.gather [hbm4b:s4+s18], $0x88, s11, s18, $0xb8;
	[tilespmem:$0x1F390] =	vst v63  }
0xd8: {  	_ =	swait.ge [sflag:s30], $0x4400  }
0xd9: {  	[sflag:s30] =	ssyncset.done $0x0  }
0xda: {  	[sflag:s30] =	ssyncadd.s32 $0xFFFFBC00  }
0xdb: {  	[spmem:s1] =	stream.indirect.scatter.add.f32 [tilespmem:s31], [sflag:$0x3], $0x88, s12, s18, $0xb8;
	[tilespmem:$0x1F390] =	vst v63  }
0xdc: {  	_ =	swait.ge [sflag:s17], $0x4400  }
0xdd: {  	[sflag:s17] =	ssyncset.done $0x0  }
0xde: {  	[sflag:s17] =	ssyncadd.s32 $0xFFFFBC00  }
0xdf: {  	[tilespmem:s31], [sflag:$0x2] =	stream.indirect.gather [hbm4b:s4+s18], $0x88, s13, s18, $0xb8;
	[tilespmem:$0x1F390] =	vst v63  }
0xe0: {  	_ =	swait.ge [sflag:s21], $0x4400  }
0xe1: {  	[sflag:s21] =	ssyncset.done $0x0  }
0xe2: {  	[sflag:s21] =	ssyncadd.s32 $0xFFFFBC00  }
0xe3: {  	[spmem:s1] =	stream.indirect.scatter.add.f32 [tilespmem:s20], [sflag:$0x3], $0x88, s14, s18, $0xb8;
	[tilespmem:$0x1F390] =	vst v63  }
0xe4: {  	_ =	swait.ge [sflag:s17], $0x4400  }
0xe5: {  	[sflag:s17] =	ssyncset.done $0x0  }
0xe6: {  	[sflag:s17] =	ssyncadd.s32 $0xFFFFBC00  }
0xe7: {  	[tilespmem:s20], [sflag:$0x1] =	stream.indirect.gather [hbm4b:s4+s18], $0x88, s15, s18, $0xb8;
	[tilespmem:$0x1F390] =	vst v63  }
0xe8: {  	_ =	swait.ge [sflag:s30], $0x4400  }
0xe9: {  	[sflag:s30] =	ssyncset.done $0x0  }
0xea: {  	[sflag:s30] =	ssyncadd.s32 $0xFFFFBC00  }
0xeb: {  	[spmem:s1] =	stream.indirect.scatter.add.f32 [tilespmem:s31], [sflag:$0x3], $0x88, s22, s18, $0xb8;
	[tilespmem:$0x1F390] =	vst v63  }
0xec: {  	_ =	swait.ge [sflag:s17], $0x4400  }
0xed: {  	[sflag:s17] =	ssyncset.done $0x0  }
0xee: {  	[sflag:s17] =	ssyncadd.s32 $0xFFFFBC00  }
0xef: {  	[tilespmem:s31], [sflag:$0x2] =	stream.indirect.gather [hbm4b:s4+s18], $0x88, s23, s18, $0xb8;
	[tilespmem:$0x1F390] =	vst v63  }
0xf0: {  	_ =	swait.ge [sflag:s21], $0x4400  }
0xf1: {  	[sflag:s21] =	ssyncset.done $0x0  }
0xf2: {  	[sflag:s21] =	ssyncadd.s32 $0xFFFFBC00  }
0xf3: {  	[spmem:s1] =	stream.indirect.scatter.add.f32 [tilespmem:s20], [sflag:$0x3], $0x88, s24, s18, $0xb8;
	[tilespmem:$0x1F390] =	vst v63  }
0xf4: {  	_ =	swait.ge [sflag:s17], $0x4400  }
0xf5: {  	[sflag:s17] =	ssyncset.done $0x0  }
0xf6: {  	[sflag:s17] =	ssyncadd.s32 $0xFFFFBC00  }
0xf7: {  	p1 =	sne.s32 s8, $0x1;
	_ =	swait.ge [sflag:s30], $0x4400  }
.Ltmp1:
0xf8: {  	[sflag:s30] =	ssyncset.done $0x0;
	(pc) =	sbr.rel @!p1 .LBB2_4-.Ltmp1, $4  }
0xf9: {  	[sflag:s30] =	ssyncadd.s32 $0xFFFFBC00  }
0xfa: {  	[spmem:s1] =	stream.indirect.scatter.add.f32 [tilespmem:s31], [sflag:$0x3], $0x88, s25, s18, $0xb8;
	[tilespmem:$0x1F390] =	vst v63  }
0xfb: {  	p0 =	por $0x1, $0x1;
	s10 =	sadd.s32 $0xFFFFFFFF, s8;
	_ =	swait.ge [sflag:s17], $0x4400  }
0xfc: {  	s8 =	simm.s32 $0x1F300;
	s9 =	rddreg [dreg:$0x4];
	[sflag:s17] =	ssyncset.done $0x0  }
.LBB2_5:
0xfd: {  	[sflag:s17] =	ssyncadd.s32 $0xFFFFBC00;
	s8 =	sadd.s32 $0x18, s8  }
0xfe: {  	[tilespmem:s28], [sflag:$0x1] =	stream.indirect.gather [hbm4b:s9+s26], $0x80, s8, s26, $0xb8;
	[tilespmem:$0x1F390] =	vst v63  }
0xff: {  	s16 =	rddreg [dreg:$0x5]  }
0x100: {  	[tilespmem:s29], [sflag:$0x2] =	stream.indirect.gather [hbm4b:s16+s26], $0x80, s8, s26, $0xb8;
	[tilespmem:$0x1F390] =	vst v63  }
0x101: {  	_ =	swait.ge [sflag:s21], $0xA00  }
0x102: {  	[sflag:s21] =	ssyncset.done $0x0  }
0x103: {  	[sflag:s21] =	ssyncadd.s32 $0xFFFFF600  }
0x104: {  	_ =	swait.ge [sflag:s30], $0xA00  }
0x105: {  	[sflag:s30] =	ssyncset.done $0x0  }
0x106: {  	[sflag:s30] =	ssyncadd.s32 $0xFFFFF600  }
0x107: {  	[tilespmem:s20], [sflag:$0x1] =	stream.indirect.gather [hbm4b:s4+s18], $0x88, s28, s18, $0xb8;
	[tilespmem:$0x1F390] =	vst v63  }
0x108: {  	s16 =	rddreg [dreg:$0x6]  }
0x109: {  	[tilespmem:s31], [sflag:$0x2] =	stream.indirect.gather [hbm4b:s4+s18], $0x88, s16, s18, $0xb8;
	[tilespmem:$0x1F390] =	vst v63  }
0x10a: {  	_ =	swait.ge [sflag:s21], $0x4400  }
0x10b: {  	[sflag:s21] =	ssyncset.done $0x0  }
0x10c: {  	[sflag:s21] =	ssyncadd.s32 $0xFFFFBC00  }
0x10d: {  	[spmem:s1] =	stream.indirect.scatter.add.f32 [tilespmem:s20], [sflag:$0x3], $0x88, s29, s18, $0xb8;
	[tilespmem:$0x1F390] =	vst v63  }
0x10e: {  	_ =	swait.ge [sflag:s17], $0x4400  }
0x10f: {  	[sflag:s17] =	ssyncset.done $0x0  }
0x110: {  	s16 =	rddreg [dreg:$0x7];
	[sflag:s17] =	ssyncadd.s32 $0xFFFFBC00  }
0x111: {  	[tilespmem:s20], [sflag:$0x1] =	stream.indirect.gather [hbm4b:s4+s18], $0x88, s16, s18, $0xb8;
	[tilespmem:$0x1F390] =	vst v63  }
0x112: {  	_ =	swait.ge [sflag:s30], $0x4400  }
0x113: {  	[sflag:s30] =	ssyncset.done $0x0  }
0x114: {  	s16 =	rddreg [dreg:$0x8];
	[sflag:s30] =	ssyncadd.s32 $0xFFFFBC00  }
0x115: {  	[spmem:s1] =	stream.indirect.scatter.add.f32 [tilespmem:s31], [sflag:$0x3], $0x88, s16, s18, $0xb8;
	[tilespmem:$0x1F390] =	vst v63  }
0x116: {  	_ =	swait.ge [sflag:s17], $0x4400  }
0x117: {  	[sflag:s17] =	ssyncset.done $0x0  }
0x118: {  	s16 =	rddreg [dreg:$0x9];
	[sflag:s17] =	ssyncadd.s32 $0xFFFFBC00  }
0x119: {  	[tilespmem:s31], [sflag:$0x2] =	stream.indirect.gather [hbm4b:s4+s18], $0x88, s16, s18, $0xb8;
	[tilespmem:$0x1F390] =	vst v63  }
0x11a: {  	_ =	swait.ge [sflag:s21], $0x4400  }
0x11b: {  	[sflag:s21] =	ssyncset.done $0x0  }
0x11c: {  	s16 =	rddreg [dreg:$0xa];
	[sflag:s21] =	ssyncadd.s32 $0xFFFFBC00  }
0x11d: {  	[spmem:s1] =	stream.indirect.scatter.add.f32 [tilespmem:s20], [sflag:$0x3], $0x88, s16, s18, $0xb8;
	[tilespmem:$0x1F390] =	vst v63  }
0x11e: {  	_ =	swait.ge [sflag:s17], $0x4400  }
0x11f: {  	[sflag:s17] =	ssyncset.done $0x0  }
0x120: {  	s16 =	rddreg [dreg:$0xb];
	[sflag:s17] =	ssyncadd.s32 $0xFFFFBC00  }
0x121: {  	[tilespmem:s20], [sflag:$0x1] =	stream.indirect.gather [hbm4b:s4+s18], $0x88, s16, s18, $0xb8;
	[tilespmem:$0x1F390] =	vst v63  }
0x122: {  	_ =	swait.ge [sflag:s30], $0x4400  }
0x123: {  	[sflag:s30] =	ssyncset.done $0x0  }
0x124: {  	s16 =	rddreg [dreg:$0xc];
	[sflag:s30] =	ssyncadd.s32 $0xFFFFBC00  }
0x125: {  	[spmem:s1] =	stream.indirect.scatter.add.f32 [tilespmem:s31], [sflag:$0x3], $0x88, s16, s18, $0xb8;
	[tilespmem:$0x1F390] =	vst v63  }
0x126: {  	_ =	swait.ge [sflag:s17], $0x4400  }
0x127: {  	[sflag:s17] =	ssyncset.done $0x0  }
0x128: {  	s16 =	rddreg [dreg:$0xd];
	[sflag:s17] =	ssyncadd.s32 $0xFFFFBC00  }
0x129: {  	[tilespmem:s31], [sflag:$0x2] =	stream.indirect.gather [hbm4b:s4+s18], $0x88, s16, s18, $0xb8;
	[tilespmem:$0x1F390] =	vst v63  }
0x12a: {  	_ =	swait.ge [sflag:s21], $0x4400  }
0x12b: {  	[sflag:s21] =	ssyncset.done $0x0  }
0x12c: {  	s16 =	rddreg [dreg:$0xe];
	[sflag:s21] =	ssyncadd.s32 $0xFFFFBC00  }
0x12d: {  	[spmem:s1] =	stream.indirect.scatter.add.f32 [tilespmem:s20], [sflag:$0x3], $0x88, s16, s18, $0xb8;
	[tilespmem:$0x1F390] =	vst v63  }
0x12e: {  	_ =	swait.ge [sflag:s17], $0x4400  }
0x12f: {  	[sflag:s17] =	ssyncset.done $0x0  }
0x130: {  	s16 =	rddreg [dreg:$0xf];
	[sflag:s17] =	ssyncadd.s32 $0xFFFFBC00  }
0x131: {  	[tilespmem:s20], [sflag:$0x1] =	stream.indirect.gather [hbm4b:s4+s18], $0x88, s16, s18, $0xb8;
	[tilespmem:$0x1F390] =	vst v63  }
0x132: {  	_ =	swait.ge [sflag:s30], $0x4400  }
0x133: {  	[sflag:s30] =	ssyncset.done $0x0  }
0x134: {  	s16 =	rddreg [dreg:$0x10];
	[sflag:s30] =	ssyncadd.s32 $0xFFFFBC00  }
0x135: {  	[spmem:s1] =	stream.indirect.scatter.add.f32 [tilespmem:s31], [sflag:$0x3], $0x88, s16, s18, $0xb8;
	[tilespmem:$0x1F390] =	vst v63  }
0x136: {  	_ =	swait.ge [sflag:s17], $0x4400  }
0x137: {  	[sflag:s17] =	ssyncset.done $0x0  }
0x138: {  	s16 =	rddreg [dreg:$0x11];
	[sflag:s17] =	ssyncadd.s32 $0xFFFFBC00  }
0x139: {  	[tilespmem:s31], [sflag:$0x2] =	stream.indirect.gather [hbm4b:s4+s18], $0x88, s16, s18, $0xb8;
	[tilespmem:$0x1F390] =	vst v63  }
0x13a: {  	_ =	swait.ge [sflag:s21], $0x4400  }
0x13b: {  	[sflag:s21] =	ssyncset.done $0x0  }
0x13c: {  	s16 =	rddreg [dreg:$0x12];
	[sflag:s21] =	ssyncadd.s32 $0xFFFFBC00  }
0x13d: {  	[spmem:s1] =	stream.indirect.scatter.add.f32 [tilespmem:s20], [sflag:$0x3], $0x88, s16, s18, $0xb8;
	[tilespmem:$0x1F390] =	vst v63  }
0x13e: {  	_ =	swait.ge [sflag:s17], $0x4400  }
0x13f: {  	[sflag:s17] =	ssyncset.done $0x0  }
0x140: {  	s16 =	rddreg [dreg:$0x13];
	[sflag:s17] =	ssyncadd.s32 $0xFFFFBC00  }
0x141: {  	[tilespmem:s20], [sflag:$0x1] =	stream.indirect.gather [hbm4b:s4+s18], $0x88, s16, s18, $0xb8;
	[tilespmem:$0x1F390] =	vst v63  }
0x142: {  	_ =	swait.ge [sflag:s30], $0x4400  }
0x143: {  	[sflag:s30] =	ssyncset.done $0x0  }
0x144: {  	s16 =	rddreg [dreg:$0x14];
	[sflag:s30] =	ssyncadd.s32 $0xFFFFBC00  }
0x145: {  	[spmem:s1] =	stream.indirect.scatter.add.f32 [tilespmem:s31], [sflag:$0x3], $0x88, s16, s18, $0xb8;
	[tilespmem:$0x1F390] =	vst v63  }
0x146: {  	_ =	swait.ge [sflag:s17], $0x4400  }
0x147: {  	[sflag:s17] =	ssyncset.done $0x0  }
0x148: {  	s16 =	rddreg [dreg:$0x15];
	[sflag:s17] =	ssyncadd.s32 $0xFFFFBC00  }
0x149: {  	[tilespmem:s31], [sflag:$0x2] =	stream.indirect.gather [hbm4b:s4+s18], $0x88, s16, s18, $0xb8;
	[tilespmem:$0x1F390] =	vst v63  }
0x14a: {  	_ =	swait.ge [sflag:s21], $0x4400  }
0x14b: {  	[sflag:s21] =	ssyncset.done $0x0  }
0x14c: {  	s16 =	rddreg [dreg:$0x16];
	[sflag:s21] =	ssyncadd.s32 $0xFFFFBC00  }
0x14d: {  	[spmem:s1] =	stream.indirect.scatter.add.f32 [tilespmem:s20], [sflag:$0x3], $0x88, s16, s18, $0xb8;
	[tilespmem:$0x1F390] =	vst v63  }
0x14e: {  	_ =	swait.ge [sflag:s17], $0x4400  }
0x14f: {  	[sflag:s17] =	ssyncset.done $0x0  }
0x150: {  	s16 =	rddreg [dreg:$0x17];
	[sflag:s17] =	ssyncadd.s32 $0xFFFFBC00  }
0x151: {  	[tilespmem:s20], [sflag:$0x1] =	stream.indirect.gather [hbm4b:s4+s18], $0x88, s16, s18, $0xb8;
	[tilespmem:$0x1F390] =	vst v63  }
0x152: {  	_ =	swait.ge [sflag:s30], $0x4400  }
0x153: {  	[sflag:s30] =	ssyncset.done $0x0  }
0x154: {  	s16 =	rddreg [dreg:$0x18];
	[sflag:s30] =	ssyncadd.s32 $0xFFFFBC00  }
0x155: {  	[spmem:s1] =	stream.indirect.scatter.add.f32 [tilespmem:s31], [sflag:$0x3], $0x88, s16, s18, $0xb8;
	[tilespmem:$0x1F390] =	vst v63  }
0x156: {  	_ =	swait.ge [sflag:s17], $0x4400  }
0x157: {  	[sflag:s17] =	ssyncset.done $0x0  }
0x158: {  	s16 =	rddreg [dreg:$0x19];
	[sflag:s17] =	ssyncadd.s32 $0xFFFFBC00  }
0x159: {  	[tilespmem:s31], [sflag:$0x2] =	stream.indirect.gather [hbm4b:s4+s18], $0x88, s16, s18, $0xb8;
	[tilespmem:$0x1F390] =	vst v63  }
0x15a: {  	_ =	swait.ge [sflag:s21], $0x4400  }
0x15b: {  	[sflag:s21] =	ssyncset.done $0x0  }
0x15c: {  	s16 =	rddreg [dreg:$0x1a];
	[sflag:s21] =	ssyncadd.s32 $0xFFFFBC00  }
0x15d: {  	[spmem:s1] =	stream.indirect.scatter.add.f32 [tilespmem:s20], [sflag:$0x3], $0x88, s16, s18, $0xb8;
	[tilespmem:$0x1F390] =	vst v63  }
0x15e: {  	_ =	swait.ge [sflag:s17], $0x4400  }
0x15f: {  	[sflag:s17] =	ssyncset.done $0x0  }
0x160: {  	s16 =	rddreg [dreg:$0x1b];
	[sflag:s17] =	ssyncadd.s32 $0xFFFFBC00  }
0x161: {  	[tilespmem:s20], [sflag:$0x1] =	stream.indirect.gather [hbm4b:s4+s18], $0x88, s16, s18, $0xb8;
	[tilespmem:$0x1F390] =	vst v63  }
0x162: {  	_ =	swait.ge [sflag:s30], $0x4400  }
0x163: {  	[sflag:s30] =	ssyncset.done $0x0  }
0x164: {  	[sflag:s30] =	ssyncadd.s32 $0xFFFFBC00  }
0x165: {  	[spmem:s1] =	stream.indirect.scatter.add.f32 [tilespmem:s31], [sflag:$0x3], $0x88, s0, s18, $0xb8;
	[tilespmem:$0x1F390] =	vst v63  }
0x166: {  	_ =	swait.ge [sflag:s17], $0x4400  }
0x167: {  	[sflag:s17] =	ssyncset.done $0x0  }
0x168: {  	[sflag:s17] =	ssyncadd.s32 $0xFFFFBC00  }
0x169: {  	[tilespmem:s31], [sflag:$0x2] =	stream.indirect.gather [hbm4b:s4+s18], $0x88, s3, s18, $0xb8;
	[tilespmem:$0x1F390] =	vst v63  }
0x16a: {  	_ =	swait.ge [sflag:s21], $0x4400  }
0x16b: {  	[sflag:s21] =	ssyncset.done $0x0  }
0x16c: {  	[sflag:s21] =	ssyncadd.s32 $0xFFFFBC00  }
0x16d: {  	[spmem:s1] =	stream.indirect.scatter.add.f32 [tilespmem:s20], [sflag:$0x3], $0x88, s19, s18, $0xb8;
	[tilespmem:$0x1F390] =	vst v63  }
0x16e: {  	_ =	swait.ge [sflag:s17], $0x4400  }
0x16f: {  	[sflag:s17] =	ssyncset.done $0x0  }
0x170: {  	[sflag:s17] =	ssyncadd.s32 $0xFFFFBC00  }
0x171: {  	[tilespmem:s20], [sflag:$0x1] =	stream.indirect.gather [hbm4b:s4+s18], $0x88, s2, s18, $0xb8;
	[tilespmem:$0x1F390] =	vst v63  }
0x172: {  	_ =	swait.ge [sflag:s30], $0x4400  }
0x173: {  	[sflag:s30] =	ssyncset.done $0x0  }
0x174: {  	[sflag:s30] =	ssyncadd.s32 $0xFFFFBC00  }
0x175: {  	[spmem:s1] =	stream.indirect.scatter.add.f32 [tilespmem:s31], [sflag:$0x3], $0x88, s5, s18, $0xb8;
	[tilespmem:$0x1F390] =	vst v63  }
0x176: {  	_ =	swait.ge [sflag:s17], $0x4400  }
0x177: {  	[sflag:s17] =	ssyncset.done $0x0  }
0x178: {  	[sflag:s17] =	ssyncadd.s32 $0xFFFFBC00  }
0x179: {  	[tilespmem:s31], [sflag:$0x2] =	stream.indirect.gather [hbm4b:s4+s18], $0x88, s6, s18, $0xb8;
	[tilespmem:$0x1F390] =	vst v63  }
0x17a: {  	_ =	swait.ge [sflag:s21], $0x4400  }
0x17b: {  	[sflag:s21] =	ssyncset.done $0x0  }
0x17c: {  	[sflag:s21] =	ssyncadd.s32 $0xFFFFBC00  }
0x17d: {  	[spmem:s1] =	stream.indirect.scatter.add.f32 [tilespmem:s20], [sflag:$0x3], $0x88, s7, s18, $0xb8;
	[tilespmem:$0x1F390] =	vst v63  }
0x17e: {  	_ =	swait.ge [sflag:s17], $0x4400  }
0x17f: {  	[sflag:s17] =	ssyncset.done $0x0  }
0x180: {  	[sflag:s17] =	ssyncadd.s32 $0xFFFFBC00  }
0x181: {  	[tilespmem:s20], [sflag:$0x1] =	stream.indirect.gather [hbm4b:s4+s18], $0x88, s11, s18, $0xb8;
	[tilespmem:$0x1F390] =	vst v63  }
0x182: {  	_ =	swait.ge [sflag:s30], $0x4400  }
0x183: {  	[sflag:s30] =	ssyncset.done $0x0  }
0x184: {  	[sflag:s30] =	ssyncadd.s32 $0xFFFFBC00  }
0x185: {  	[spmem:s1] =	stream.indirect.scatter.add.f32 [tilespmem:s31], [sflag:$0x3], $0x88, s12, s18, $0xb8;
	[tilespmem:$0x1F390] =	vst v63  }
0x186: {  	_ =	swait.ge [sflag:s17], $0x4400  }
0x187: {  	[sflag:s17] =	ssyncset.done $0x0  }
0x188: {  	[sflag:s17] =	ssyncadd.s32 $0xFFFFBC00  }
0x189: {  	[tilespmem:s31], [sflag:$0x2] =	stream.indirect.gather [hbm4b:s4+s18], $0x88, s13, s18, $0xb8;
	[tilespmem:$0x1F390] =	vst v63  }
0x18a: {  	_ =	swait.ge [sflag:s21], $0x4400  }
0x18b: {  	[sflag:s21] =	ssyncset.done $0x0  }
0x18c: {  	[sflag:s21] =	ssyncadd.s32 $0xFFFFBC00  }
0x18d: {  	[spmem:s1] =	stream.indirect.scatter.add.f32 [tilespmem:s20], [sflag:$0x3], $0x88, s14, s18, $0xb8;
	[tilespmem:$0x1F390] =	vst v63  }
0x18e: {  	_ =	swait.ge [sflag:s17], $0x4400  }
0x18f: {  	[sflag:s17] =	ssyncset.done $0x0  }
0x190: {  	[sflag:s17] =	ssyncadd.s32 $0xFFFFBC00  }
0x191: {  	[tilespmem:s20], [sflag:$0x1] =	stream.indirect.gather [hbm4b:s4+s18], $0x88, s15, s18, $0xb8;
	[tilespmem:$0x1F390] =	vst v63  }
0x192: {  	_ =	swait.ge [sflag:s30], $0x4400  }
0x193: {  	[sflag:s30] =	ssyncset.done $0x0  }
0x194: {  	[sflag:s30] =	ssyncadd.s32 $0xFFFFBC00  }
0x195: {  	[spmem:s1] =	stream.indirect.scatter.add.f32 [tilespmem:s31], [sflag:$0x3], $0x88, s22, s18, $0xb8;
	[tilespmem:$0x1F390] =	vst v63  }
0x196: {  	_ =	swait.ge [sflag:s17], $0x4400  }
0x197: {  	[sflag:s17] =	ssyncset.done $0x0  }
0x198: {  	[sflag:s17] =	ssyncadd.s32 $0xFFFFBC00  }
0x199: {  	[tilespmem:s31], [sflag:$0x2] =	stream.indirect.gather [hbm4b:s4+s18], $0x88, s23, s18, $0xb8;
	[tilespmem:$0x1F390] =	vst v63  }
0x19a: {  	_ =	swait.ge [sflag:s21], $0x4400  }
0x19b: {  	[sflag:s21] =	ssyncset.done $0x0  }
0x19c: {  	[sflag:s21] =	ssyncadd.s32 $0xFFFFBC00  }
0x19d: {  	[spmem:s1] =	stream.indirect.scatter.add.f32 [tilespmem:s20], [sflag:$0x3], $0x88, s24, s18, $0xb8;
	[tilespmem:$0x1F390] =	vst v63  }
0x19e: {  	_ =	swait.ge [sflag:s17], $0x4400  }
0x19f: {  	[sflag:s17] =	ssyncset.done $0x0  }
0x1a0: {  	[sflag:s17] =	ssyncadd.s32 $0xFFFFBC00  }
0x1a1: {  	p1 =	sne.s32 s10, $0x1;
	_ =	swait.ge [sflag:s30], $0x4400  }
.Ltmp2:
0x1a2: {  	[sflag:s30] =	ssyncset.done $0x0;
	(pc) =	sbr.rel @p1 .LBB2_5-.Ltmp2, $4  }
0x1a3: {  	[sflag:s30] =	ssyncadd.s32 $0xFFFFBC00  }
0x1a4: {  	[spmem:s1] =	stream.indirect.scatter.add.f32 [tilespmem:s31], [sflag:$0x3], $0x88, s25, s18, $0xb8;
	[tilespmem:$0x1F390] =	vst v63  }
0x1a5: {  	_ =	swait.ge [sflag:s17], $0x4400  }
0x1a6: {  	s10 =	sadd.s32 $0xFFFFFFFF, s10;
	s9 =	rddreg [dreg:$0x4];
	[sflag:s17] =	ssyncset.done $0x0  }
0x1a7: {  	s16 =	simm.s32 $0x1F000  }
.LBB2_7:
0x1a8: {  	s8 =	sadd.s32 @p0 $0x18, s8;
	s10 =	simm.s32 $0x1F300  }
0x1a9: {  	[sflag:s17] =	ssyncadd.s32 @p0 $0xFFFFBC00;
	s10 =	smov.u32 @p0 s8  }
0x1aa: {  	[tilespmem:s28], [sflag:$0x1] =	stream.indirect.gather [hbm4b:s9+s26], $0x80, s10, s26, $0xb8;
	[tilespmem:$0x1F390] =	vst v63  }
0x1ab: {  	s8 =	rddreg [dreg:$0x5]  }
0x1ac: {  	[tilespmem:s29], [sflag:$0x2] =	stream.indirect.gather [hbm4b:s8+s26], $0x80, s10, s26, $0xb8;
	[tilespmem:$0x1F390] =	vst v63  }
0x1ad: {  	_ =	swait.ge [sflag:s21], $0xA00  }
0x1ae: {  	[sflag:s21] =	ssyncset.done $0x0  }
0x1af: {  	[sflag:s21] =	ssyncadd.s32 $0xFFFFF600  }
0x1b0: {  	_ =	swait.ge [sflag:s30], $0xA00  }
0x1b1: {  	[sflag:s30] =	ssyncset.done $0x0  }
0x1b2: {  	[sflag:s30] =	ssyncadd.s32 $0xFFFFF600  }
0x1b3: {  	[tilespmem:s20], [sflag:$0x1] =	stream.indirect.gather [hbm4b:s4+s18], $0x88, s28, s18, $0xb8;
	[tilespmem:$0x1F390] =	vst v63  }
0x1b4: {  	s9 =	rddreg [dreg:$0x6]  }
0x1b5: {  	[tilespmem:s31], [sflag:$0x2] =	stream.indirect.gather [hbm4b:s4+s18], $0x88, s9, s18, $0xb8;
	[tilespmem:$0x1F390] =	vst v63  }
0x1b6: {  	_ =	swait.ge [sflag:s21], $0x4400  }
0x1b7: {  	[sflag:s21] =	ssyncset.done $0x0  }
0x1b8: {  	[sflag:s21] =	ssyncadd.s32 $0xFFFFBC00  }
0x1b9: {  	[spmem:s1] =	stream.indirect.scatter.add.f32 [tilespmem:s20], [sflag:$0x3], $0x88, s29, s18, $0xb8;
	[tilespmem:$0x1F390] =	vst v63  }
0x1ba: {  	_ =	swait.ge [sflag:s17], $0x4400  }
0x1bb: {  	[sflag:s17] =	ssyncset.done $0x0  }
0x1bc: {  	s10 =	rddreg [dreg:$0x7];
	[sflag:s17] =	ssyncadd.s32 $0xFFFFBC00  }
0x1bd: {  	[tilespmem:s20], [sflag:$0x1] =	stream.indirect.gather [hbm4b:s4+s18], $0x88, s10, s18, $0xb8;
	[tilespmem:$0x1F390] =	vst v63  }
0x1be: {  	_ =	swait.ge [sflag:s30], $0x4400  }
0x1bf: {  	[sflag:s30] =	ssyncset.done $0x0  }
0x1c0: {  	s9 =	rddreg [dreg:$0x8];
	[sflag:s30] =	ssyncadd.s32 $0xFFFFBC00  }
0x1c1: {  	[spmem:s1] =	stream.indirect.scatter.add.f32 [tilespmem:s31], [sflag:$0x3], $0x88, s9, s18, $0xb8;
	[tilespmem:$0x1F390] =	vst v63  }
0x1c2: {  	_ =	swait.ge [sflag:s17], $0x4400  }
0x1c3: {  	[sflag:s17] =	ssyncset.done $0x0  }
0x1c4: {  	s10 =	rddreg [dreg:$0x9];
	[sflag:s17] =	ssyncadd.s32 $0xFFFFBC00  }
0x1c5: {  	[tilespmem:s31], [sflag:$0x2] =	stream.indirect.gather [hbm4b:s4+s18], $0x88, s10, s18, $0xb8;
	[tilespmem:$0x1F390] =	vst v63  }
0x1c6: {  	_ =	swait.ge [sflag:s21], $0x4400  }
0x1c7: {  	[sflag:s21] =	ssyncset.done $0x0  }
0x1c8: {  	s9 =	rddreg [dreg:$0xa];
	[sflag:s21] =	ssyncadd.s32 $0xFFFFBC00  }
0x1c9: {  	[spmem:s1] =	stream.indirect.scatter.add.f32 [tilespmem:s20], [sflag:$0x3], $0x88, s9, s18, $0xb8;
	[tilespmem:$0x1F390] =	vst v63  }
0x1ca: {  	_ =	swait.ge [sflag:s17], $0x4400  }
0x1cb: {  	[sflag:s17] =	ssyncset.done $0x0  }
0x1cc: {  	s10 =	rddreg [dreg:$0xb];
	[sflag:s17] =	ssyncadd.s32 $0xFFFFBC00  }
0x1cd: {  	[tilespmem:s20], [sflag:$0x1] =	stream.indirect.gather [hbm4b:s4+s18], $0x88, s10, s18, $0xb8;
	[tilespmem:$0x1F390] =	vst v63  }
0x1ce: {  	_ =	swait.ge [sflag:s30], $0x4400  }
0x1cf: {  	[sflag:s30] =	ssyncset.done $0x0  }
0x1d0: {  	s9 =	rddreg [dreg:$0xc];
	[sflag:s30] =	ssyncadd.s32 $0xFFFFBC00  }
0x1d1: {  	[spmem:s1] =	stream.indirect.scatter.add.f32 [tilespmem:s31], [sflag:$0x3], $0x88, s9, s18, $0xb8;
	[tilespmem:$0x1F390] =	vst v63  }
0x1d2: {  	_ =	swait.ge [sflag:s17], $0x4400  }
0x1d3: {  	[sflag:s17] =	ssyncset.done $0x0  }
0x1d4: {  	s10 =	rddreg [dreg:$0xd];
	[sflag:s17] =	ssyncadd.s32 $0xFFFFBC00  }
0x1d5: {  	[tilespmem:s31], [sflag:$0x2] =	stream.indirect.gather [hbm4b:s4+s18], $0x88, s10, s18, $0xb8;
	[tilespmem:$0x1F390] =	vst v63  }
0x1d6: {  	_ =	swait.ge [sflag:s21], $0x4400  }
0x1d7: {  	[sflag:s21] =	ssyncset.done $0x0  }
0x1d8: {  	s9 =	rddreg [dreg:$0xe];
	[sflag:s21] =	ssyncadd.s32 $0xFFFFBC00  }
0x1d9: {  	[spmem:s1] =	stream.indirect.scatter.add.f32 [tilespmem:s20], [sflag:$0x3], $0x88, s9, s18, $0xb8;
	[tilespmem:$0x1F390] =	vst v63  }
0x1da: {  	_ =	swait.ge [sflag:s17], $0x4400  }
0x1db: {  	[sflag:s17] =	ssyncset.done $0x0  }
0x1dc: {  	s10 =	rddreg [dreg:$0xf];
	[sflag:s17] =	ssyncadd.s32 $0xFFFFBC00  }
0x1dd: {  	[tilespmem:s20], [sflag:$0x1] =	stream.indirect.gather [hbm4b:s4+s18], $0x88, s10, s18, $0xb8;
	[tilespmem:$0x1F390] =	vst v63  }
0x1de: {  	_ =	swait.ge [sflag:s30], $0x4400  }
0x1df: {  	[sflag:s30] =	ssyncset.done $0x0  }
0x1e0: {  	s9 =	rddreg [dreg:$0x10];
	[sflag:s30] =	ssyncadd.s32 $0xFFFFBC00  }
0x1e1: {  	[spmem:s1] =	stream.indirect.scatter.add.f32 [tilespmem:s31], [sflag:$0x3], $0x88, s9, s18, $0xb8;
	[tilespmem:$0x1F390] =	vst v63  }
0x1e2: {  	_ =	swait.ge [sflag:s17], $0x4400  }
0x1e3: {  	[sflag:s17] =	ssyncset.done $0x0  }
0x1e4: {  	s10 =	rddreg [dreg:$0x11];
	[sflag:s17] =	ssyncadd.s32 $0xFFFFBC00  }
0x1e5: {  	[tilespmem:s31], [sflag:$0x2] =	stream.indirect.gather [hbm4b:s4+s18], $0x88, s10, s18, $0xb8;
	[tilespmem:$0x1F390] =	vst v63  }
0x1e6: {  	_ =	swait.ge [sflag:s21], $0x4400  }
0x1e7: {  	[sflag:s21] =	ssyncset.done $0x0  }
0x1e8: {  	s9 =	rddreg [dreg:$0x12];
	[sflag:s21] =	ssyncadd.s32 $0xFFFFBC00  }
0x1e9: {  	[spmem:s1] =	stream.indirect.scatter.add.f32 [tilespmem:s20], [sflag:$0x3], $0x88, s9, s18, $0xb8;
	[tilespmem:$0x1F390] =	vst v63  }
0x1ea: {  	_ =	swait.ge [sflag:s17], $0x4400  }
0x1eb: {  	[sflag:s17] =	ssyncset.done $0x0  }
0x1ec: {  	s10 =	rddreg [dreg:$0x13];
	[sflag:s17] =	ssyncadd.s32 $0xFFFFBC00  }
0x1ed: {  	[tilespmem:s20], [sflag:$0x1] =	stream.indirect.gather [hbm4b:s4+s18], $0x88, s10, s18, $0xb8;
	[tilespmem:$0x1F390] =	vst v63  }
0x1ee: {  	_ =	swait.ge [sflag:s30], $0x4400  }
0x1ef: {  	[sflag:s30] =	ssyncset.done $0x0  }
0x1f0: {  	s9 =	rddreg [dreg:$0x14];
	[sflag:s30] =	ssyncadd.s32 $0xFFFFBC00  }
0x1f1: {  	[spmem:s1] =	stream.indirect.scatter.add.f32 [tilespmem:s31], [sflag:$0x3], $0x88, s9, s18, $0xb8;
	[tilespmem:$0x1F390] =	vst v63  }
0x1f2: {  	_ =	swait.ge [sflag:s17], $0x4400  }
0x1f3: {  	[sflag:s17] =	ssyncset.done $0x0  }
0x1f4: {  	s10 =	rddreg [dreg:$0x15];
	[sflag:s17] =	ssyncadd.s32 $0xFFFFBC00  }
0x1f5: {  	[tilespmem:s31], [sflag:$0x2] =	stream.indirect.gather [hbm4b:s4+s18], $0x88, s10, s18, $0xb8;
	[tilespmem:$0x1F390] =	vst v63  }
0x1f6: {  	_ =	swait.ge [sflag:s21], $0x4400  }
0x1f7: {  	[sflag:s21] =	ssyncset.done $0x0  }
0x1f8: {  	s9 =	rddreg [dreg:$0x16];
	[sflag:s21] =	ssyncadd.s32 $0xFFFFBC00  }
0x1f9: {  	[spmem:s1] =	stream.indirect.scatter.add.f32 [tilespmem:s20], [sflag:$0x3], $0x88, s9, s18, $0xb8;
	[tilespmem:$0x1F390] =	vst v63  }
0x1fa: {  	_ =	swait.ge [sflag:s17], $0x4400  }
0x1fb: {  	[sflag:s17] =	ssyncset.done $0x0  }
0x1fc: {  	s10 =	rddreg [dreg:$0x17];
	[sflag:s17] =	ssyncadd.s32 $0xFFFFBC00  }
0x1fd: {  	[tilespmem:s20], [sflag:$0x1] =	stream.indirect.gather [hbm4b:s4+s18], $0x88, s10, s18, $0xb8;
	[tilespmem:$0x1F390] =	vst v63  }
0x1fe: {  	_ =	swait.ge [sflag:s30], $0x4400  }
0x1ff: {  	[sflag:s30] =	ssyncset.done $0x0  }
0x200: {  	s9 =	rddreg [dreg:$0x18];
	[sflag:s30] =	ssyncadd.s32 $0xFFFFBC00  }
0x201: {  	[spmem:s1] =	stream.indirect.scatter.add.f32 [tilespmem:s31], [sflag:$0x3], $0x88, s9, s18, $0xb8;
	[tilespmem:$0x1F390] =	vst v63  }
0x202: {  	_ =	swait.ge [sflag:s17], $0x4400  }
0x203: {  	[sflag:s17] =	ssyncset.done $0x0  }
0x204: {  	s10 =	rddreg [dreg:$0x19];
	[sflag:s17] =	ssyncadd.s32 $0xFFFFBC00  }
0x205: {  	[tilespmem:s31], [sflag:$0x2] =	stream.indirect.gather [hbm4b:s4+s18], $0x88, s10, s18, $0xb8;
	[tilespmem:$0x1F390] =	vst v63  }
0x206: {  	_ =	swait.ge [sflag:s21], $0x4400  }
0x207: {  	[sflag:s21] =	ssyncset.done $0x0  }
0x208: {  	s9 =	rddreg [dreg:$0x1a];
	[sflag:s21] =	ssyncadd.s32 $0xFFFFBC00  }
0x209: {  	[spmem:s1] =	stream.indirect.scatter.add.f32 [tilespmem:s20], [sflag:$0x3], $0x88, s9, s18, $0xb8;
	[tilespmem:$0x1F390] =	vst v63  }
0x20a: {  	_ =	swait.ge [sflag:s17], $0x4400  }
0x20b: {  	[sflag:s17] =	ssyncset.done $0x0  }
0x20c: {  	s10 =	rddreg [dreg:$0x1b];
	[sflag:s17] =	ssyncadd.s32 $0xFFFFBC00  }
0x20d: {  	[tilespmem:s20], [sflag:$0x1] =	stream.indirect.gather [hbm4b:s4+s18], $0x88, s10, s18, $0xb8;
	[tilespmem:$0x1F390] =	vst v63  }
0x20e: {  	_ =	swait.ge [sflag:s30], $0x4400  }
0x20f: {  	[sflag:s30] =	ssyncset.done $0x0  }
0x210: {  	[sflag:s30] =	ssyncadd.s32 $0xFFFFBC00  }
0x211: {  	[spmem:s1] =	stream.indirect.scatter.add.f32 [tilespmem:s31], [sflag:$0x3], $0x88, s0, s18, $0xb8;
	[tilespmem:$0x1F390] =	vst v63  }
0x212: {  	_ =	swait.ge [sflag:s17], $0x4400  }
0x213: {  	[sflag:s17] =	ssyncset.done $0x0  }
0x214: {  	[sflag:s17] =	ssyncadd.s32 $0xFFFFBC00  }
0x215: {  	[tilespmem:s31], [sflag:$0x2] =	stream.indirect.gather [hbm4b:s4+s18], $0x88, s3, s18, $0xb8;
	[tilespmem:$0x1F390] =	vst v63  }
0x216: {  	_ =	swait.ge [sflag:s21], $0x4400  }
0x217: {  	[sflag:s21] =	ssyncset.done $0x0  }
0x218: {  	[sflag:s21] =	ssyncadd.s32 $0xFFFFBC00  }
0x219: {  	[spmem:s1] =	stream.indirect.scatter.add.f32 [tilespmem:s20], [sflag:$0x3], $0x88, s19, s18, $0xb8;
	[tilespmem:$0x1F390] =	vst v63  }
0x21a: {  	_ =	swait.ge [sflag:s17], $0x4400  }
0x21b: {  	[sflag:s17] =	ssyncset.done $0x0  }
0x21c: {  	[sflag:s17] =	ssyncadd.s32 $0xFFFFBC00  }
0x21d: {  	[tilespmem:s20], [sflag:$0x1] =	stream.indirect.gather [hbm4b:s4+s18], $0x88, s2, s18, $0xb8;
	[tilespmem:$0x1F390] =	vst v63  }
0x21e: {  	_ =	swait.ge [sflag:s30], $0x4400  }
0x21f: {  	[sflag:s30] =	ssyncset.done $0x0  }
0x220: {  	[sflag:s30] =	ssyncadd.s32 $0xFFFFBC00  }
0x221: {  	[spmem:s1] =	stream.indirect.scatter.add.f32 [tilespmem:s31], [sflag:$0x3], $0x88, s5, s18, $0xb8;
	[tilespmem:$0x1F390] =	vst v63  }
0x222: {  	_ =	swait.ge [sflag:s17], $0x4400  }
0x223: {  	[sflag:s17] =	ssyncset.done $0x0  }
0x224: {  	[sflag:s17] =	ssyncadd.s32 $0xFFFFBC00  }
0x225: {  	[tilespmem:s31], [sflag:$0x2] =	stream.indirect.gather [hbm4b:s4+s18], $0x88, s6, s18, $0xb8;
	[tilespmem:$0x1F390] =	vst v63  }
0x226: {  	_ =	swait.ge [sflag:s21], $0x4400  }
0x227: {  	[sflag:s21] =	ssyncset.done $0x0  }
0x228: {  	[sflag:s21] =	ssyncadd.s32 $0xFFFFBC00  }
0x229: {  	[spmem:s1] =	stream.indirect.scatter.add.f32 [tilespmem:s20], [sflag:$0x3], $0x88, s7, s18, $0xb8;
	[tilespmem:$0x1F390] =	vst v63  }
0x22a: {  	_ =	swait.ge [sflag:s17], $0x4400  }
0x22b: {  	[sflag:s17] =	ssyncset.done $0x0  }
0x22c: {  	[sflag:s17] =	ssyncadd.s32 $0xFFFFBC00  }
0x22d: {  	[tilespmem:s20], [sflag:$0x1] =	stream.indirect.gather [hbm4b:s4+s18], $0x88, s11, s18, $0xb8;
	[tilespmem:$0x1F390] =	vst v63  }
0x22e: {  	_ =	swait.ge [sflag:s30], $0x4400  }
0x22f: {  	[sflag:s30] =	ssyncset.done $0x0  }
0x230: {  	[sflag:s30] =	ssyncadd.s32 $0xFFFFBC00  }
0x231: {  	[spmem:s1] =	stream.indirect.scatter.add.f32 [tilespmem:s31], [sflag:$0x3], $0x88, s12, s18, $0xb8;
	[tilespmem:$0x1F390] =	vst v63  }
0x232: {  	_ =	swait.ge [sflag:s17], $0x4400  }
0x233: {  	[sflag:s17] =	ssyncset.done $0x0  }
0x234: {  	[sflag:s17] =	ssyncadd.s32 $0xFFFFBC00  }
0x235: {  	[tilespmem:s31], [sflag:$0x2] =	stream.indirect.gather [hbm4b:s4+s18], $0x88, s13, s18, $0xb8;
	[tilespmem:$0x1F390] =	vst v63  }
0x236: {  	_ =	swait.ge [sflag:s21], $0x4400  }
0x237: {  	[sflag:s21] =	ssyncset.done $0x0  }
0x238: {  	[sflag:s21] =	ssyncadd.s32 $0xFFFFBC00  }
0x239: {  	[spmem:s1] =	stream.indirect.scatter.add.f32 [tilespmem:s20], [sflag:$0x3], $0x88, s14, s18, $0xb8;
	[tilespmem:$0x1F390] =	vst v63  }
0x23a: {  	_ =	swait.ge [sflag:s17], $0x4400  }
0x23b: {  	[sflag:s17] =	ssyncset.done $0x0  }
0x23c: {  	[sflag:s17] =	ssyncadd.s32 $0xFFFFBC00  }
0x23d: {  	[tilespmem:s20], [sflag:$0x1] =	stream.indirect.gather [hbm4b:s4+s18], $0x88, s15, s18, $0xb8;
	[tilespmem:$0x1F390] =	vst v63  }
0x23e: {  	_ =	swait.ge [sflag:s30], $0x4400  }
0x23f: {  	[sflag:s30] =	ssyncset.done $0x0  }
0x240: {  	[sflag:s30] =	ssyncadd.s32 $0xFFFFBC00  }
0x241: {  	[spmem:s1] =	stream.indirect.scatter.add.f32 [tilespmem:s31], [sflag:$0x3], $0x88, s22, s18, $0xb8;
	[tilespmem:$0x1F390] =	vst v63  }
0x242: {  	_ =	swait.ge [sflag:s17], $0x4400  }
0x243: {  	[sflag:s17] =	ssyncset.done $0x0  }
0x244: {  	[sflag:s17] =	ssyncadd.s32 $0xFFFFBC00  }
0x245: {  	[tilespmem:s31], [sflag:$0x2] =	stream.indirect.gather [hbm4b:s4+s18], $0x88, s23, s18, $0xb8;
	[tilespmem:$0x1F390] =	vst v63  }
0x246: {  	_ =	swait.ge [sflag:s21], $0x4400  }
0x247: {  	[sflag:s21] =	ssyncset.done $0x0  }
0x248: {  	[sflag:s21] =	ssyncadd.s32 $0xFFFFBC00  }
0x249: {  	[spmem:s1] =	stream.indirect.scatter.add.f32 [tilespmem:s20], [sflag:$0x3], $0x88, s24, s18, $0xb8;
	[tilespmem:$0x1F390] =	vst v63  }
0x24a: {  	_ =	swait.ge [sflag:s17], $0x4400  }
0x24b: {  	[sflag:s17] =	ssyncset.done $0x0  }
0x24c: {  	[sflag:s17] =	ssyncadd.s32 $0xFFFFBC00  }
0x24d: {  	_ =	swait.ge [sflag:s30], $0x4400  }
0x24e: {  	[sflag:s30] =	ssyncset.done $0x0  }
0x24f: {  	[sflag:s30] =	ssyncadd.s32 $0xFFFFBC00  }
0x250: {  	[spmem:s1] =	stream.indirect.scatter.add.f32 [tilespmem:s31], [sflag:$0x3], $0x88, s25, s18, $0xb8;
	[tilespmem:$0x1F390] =	vst v63  }
0x251: {  	_ =	swait.ge [sflag:s17], $0x4400  }
0x252: {  	[sflag:s17] =	ssyncset.done $0x0  }
0x253: {  	[sflag:s17] =	ssyncadd.s32 $0xFFFFBC00  }
0x254: {  	[bflag:$0x0] =	sbarrier.arrive $0xFFFF  }
0x255: {  	s9 =	sld [smem:$0x7FB];
	_ =	sdelay $0x2  }
0x256: {  	[tilespmem:s20], [sflag:$0x3] =	stream.linear.gather [spmem:s9], $0x4400, $0x38;
	[tilespmem:$0x1F390] =	vst v63  }
0x257: {  	_ =	swait.ge [sflag:s17], $0x4400  }
0x258: {  	s8 =	sld [smem:$0x7F7]  }
0x259: {  	[sflag:s17] =	ssyncset.done $0x0  }
0x25a: {  	[sflag:s17] =	ssyncadd.s32 $0xFFFFBC00  }
0x25b: {  	[hbm4b:s8+s18] =	stream.indirect.scatter [tilespmem:s20], [sflag:$0x3], $0x88, s16, s18, $0xb8;
	[tilespmem:$0x1F390] =	vst v63  }
0x25c: {  	_ =	swait.ge [sflag:s17], $0x4400  }
0x25d: {  	s10 =	sld [smem:$0x7F8]  }
0x25e: {  	[sflag:s17] =	ssyncset.done $0x0  }
0x25f: {  	[sflag:s17] =	ssyncadd.s32 $0xFFFFBC00  }
0x260: {  	[tilespmem:s20], [sflag:$0x3] =	stream.linear.gather [spmem:s10], $0x4400, $0x38;
	[tilespmem:$0x1F390] =	vst v63  }
0x261: {  	_ =	swait.ge [sflag:s17], $0x4400  }
0x262: {  	[sflag:s17] =	ssyncset.done $0x0  }
0x263: {  	s16 =	simm.s32 $0x1F080;
	[sflag:s17] =	ssyncadd.s32 $0xFFFFBC00  }
0x264: {  	[hbm4b:s8+s18] =	stream.indirect.scatter [tilespmem:s20], [sflag:$0x3], $0x88, s16, s18, $0xb8;
	[tilespmem:$0x1F390] =	vst v63  }
0x265: {  	_ =	swait.ge [sflag:s17], $0x4400  }
0x266: {  	s10 =	sld [smem:$0x7F9]  }
0x267: {  	[sflag:s17] =	ssyncset.done $0x0  }
0x268: {  	[sflag:s17] =	ssyncadd.s32 $0xFFFFBC00  }
0x269: {  	[tilespmem:s20], [sflag:$0x3] =	stream.linear.gather [spmem:s10], $0x4400, $0x38;
	[tilespmem:$0x1F390] =	vst v63  }
0x26a: {  	_ =	swait.ge [sflag:s17], $0x4400  }
0x26b: {  	[sflag:s17] =	ssyncset.done $0x0  }
0x26c: {  	s16 =	simm.s32 $0x1F100;
	[sflag:s17] =	ssyncadd.s32 $0xFFFFBC00  }
0x26d: {  	[hbm4b:s8+s18] =	stream.indirect.scatter [tilespmem:s20], [sflag:$0x3], $0x88, s16, s18, $0xb8;
	[tilespmem:$0x1F390] =	vst v63  }
0x26e: {  	_ =	swait.ge [sflag:s17], $0x4400  }
0x26f: {  	s10 =	sld [smem:$0x7FA]  }
0x270: {  	[sflag:s17] =	ssyncset.done $0x0  }
0x271: {  	[sflag:s17] =	ssyncadd.s32 $0xFFFFBC00  }
0x272: {  	[tilespmem:s20], [sflag:$0x3] =	stream.linear.gather [spmem:s10], $0x4400, $0x38;
	[tilespmem:$0x1F390] =	vst v63  }
0x273: {  	_ =	swait.ge [sflag:s17], $0x4400  }
0x274: {  	[sflag:s17] =	ssyncset.done $0x0  }
0x275: {  	s10 =	simm.s32 $0x1F180;
	[sflag:s17] =	ssyncadd.s32 $0xFFFFBC00  }
0x276: {  	[hbm4b:s8+s18] =	stream.indirect.scatter [tilespmem:s20], [sflag:$0x3], $0x88, s10, s18, $0xb8;
	[tilespmem:$0x1F390] =	vst v63  }
0x277: {  	_ =	swait.ge [sflag:s17], $0x4400  }
0x278: {  	s16 =	sld [smem:$0x7FC]  }
0x279: {  	[sflag:s17] =	ssyncset.done $0x0  }
0x27a: {  	[sflag:s17] =	ssyncadd.s32 $0xFFFFBC00  }
0x27b: {  	[tilespmem:s20], [sflag:$0x3] =	stream.linear.gather [spmem:s16], $0x4400, $0x38;
	[tilespmem:$0x1F390] =	vst v63  }
0x27c: {  	_ =	swait.ge [sflag:s17], $0x4400  }
0x27d: {  	[sflag:s17] =	ssyncset.done $0x0  }
0x27e: {  	s16 =	simm.s32 $0x1F200;
	[sflag:s17] =	ssyncadd.s32 $0xFFFFBC00  }
0x27f: {  	[hbm4b:s8+s18] =	stream.indirect.scatter [tilespmem:s20], [sflag:$0x3], $0x88, s16, s18, $0xb8;
	[tilespmem:$0x1F390] =	vst v63  }
0x280: {  	_ =	swait.ge [sflag:s17], $0x4400  }
0x281: {  	s8 =	sld [smem:$0x7F6]  }
0x282: {  	s16 =	sld [smem:$0x7FD];
	_ =	sdelay $0x1  }
0x283: {  	s9 =	sadd.s32 $0x1, s8  }
0x284: {  	p0 =	sne.s32 s9, s16  }
.Ltmp3:
0x285: {  	_ = 	snop;
	(pc) =	sbr.rel @p0 .LBB2_1-.Ltmp3, $4  }
.Ltmp4:
0x286: {  	_ = 	snop;
	(pc) =	sbr.rel @!p0 .LBB2_8-.Ltmp4, $4  }
0x287: {  	_ = 	snop  }
0x288: {  	[sflag:s17] =	ssyncset.done $0x0  }
0x289: {  	[sflag:s17] =	ssyncadd.s32 $0xFFFFBC00;
	s8 =	smov.u32 s9  }
0x28a: {  	_ = 	snop  }
.LBB2_2:
.Ltmp5:
0x28b: {  	(pc) =	sbr.rel .LBB2_7-.Ltmp5, $2  }
0x28c: {  	_ =	sdelay $0x2  }
0x28d: {  	s8 =	simm.s32 $0x1F300;
	s16 =	simm.s32 $0x1F000  }
.LBB2_4:
.Ltmp6:
0x28e: {  	(pc) =	sbr.rel .LBB2_7-.Ltmp6, $2  }
0x28f: {  	_ =	sdelay $0x2  }
0x290: {  	s8 =	simm.s32 $0x1F300;
	s16 =	simm.s32 $0x1F000  }
.LBB2_8:
0x291: {  	_ =	sfence.sel $0x180000  }
0x292: {  	[bflag:$0x0] =	sbarrier.arrive $0xFFFF  }
0x293: {  	_ =	strace $0x90000047  }
0x294: {  	s0 =	stileid.u32;
	[bflag:$0x2] =	sbarrier.arrive $0xFFFF  }
0x295: {  	p0 =	sne.s32 s0, $0x0;
	s0 =	rddreg [dreg:$0x3]  }
0x296: {  	s0 =	sadd.s32 @!p0 $0x100000, s0  }
0x297: {  	[sflag:s0] =	ssyncadd.tile.s32 @!p0 $0x1;
	_ =	shalt  }
.Lfunc_end2:
_tile_overlayer_lowered:
.L_overlay_start_2:
0x298: {  	(tag) =	ssettag $0x2  }
0x299: {  	s0 =	rddreg [dreg:$0x0];
	s2 =	stileid.u32  }
0x29a: {  	s1 =	rddreg [dreg:$0x1];
	p0 =	sne.s32 s2, $0x0  }
0x29b: {  	s3 =	rddreg [dreg:$0x2];
	[bflag:$0x3] =	sbarrier.arrive $0xFFFF;
	s2 =	simm.s32 @!p0 $0x1C03  }
0x29c: {  	[timem:s3], [sflag:s2] =	dma.local @!p0 [hbm:s0], s1  }
0x29d: {  	s0 =	simm.s32 @!p0 $0x3  }
0x29e: {  	_ =	swait.ge @!p0 [sflag:s0], s1  }
0x29f: {  	s1 =	ssub.s32 @!p0 $0x0, s1;
	[sflag:s0] =	ssyncset.done @!p0 $0x0  }
0x2a0: {  	[sflag:s0] =	ssyncadd.s32 @!p0 s1  }
0x2a1: {  	[bflag:$0x3] =	sbarrier.arrive $0xFFFF  }
0x2a2: {  	_ =	shalt  }

// kernel: kernel.9.cloned.1.call-start
scs
__scs_entry_jumppad:
0x0: {  	(pc) =	sbr.rel $0x88, $3  }
0x1: {  	(tag) =	ssettag $0x0;
	lr =	simm.s32 $0x1  }
0x2: {  	[smem:$0x3F99] =	sst lr;
	_ =	strace $0xD0000000  }
0x3: {  	_ = 	snop  }
0x4: {  	_ = 	snop  }
0x5: {  	_ = 	snop  }
0x6: {  	_ = 	snop  }
0x7: {  	_ = 	snop  }
__scs_overlays_trampoline_lowered:
0x8: {  	[smem:$0x3FA8] =	sst s0  }
0x9: {  	[smem:$0x3FA9] =	sst s1  }
0xa: {  	[smem:$0x3FAA] =	sst s2  }
0xb: {  	[smem:$0x3FAB] =	sst s3  }
0xc: {  	[smem:$0x3FAC] =	sst s4  }
0xd: {  	[smem:$0x3FAD] =	sst s5  }
0xe: {  	[smem:$0x3FAE] =	sst s6  }
0xf: {  	[smem:$0x3FAF] =	sst s7  }
0x10: {  	[smem:$0x3FB0] =	sst s8  }
0x11: {  	[smem:$0x3FB1] =	sst s9;
	s0 =	simm.s32 @!p0 $0x0  }
0x12: {  	s1 =	sld [smem:$0x3F97];
	s0 =	simm.s32 @p0 $0x1  }
0x13: {  	[smem:$0x3FB2] =	sst s0;
	s0 =	simm.s32 @!p1 $0x0  }
0x14: {  	s2 =	sld [smem:$0x3F96];
	s0 =	simm.s32 @p1 $0x1  }
0x15: {  	[smem:$0x3FB3] =	sst s0;
	s0 =	simm.s32 @!p2 $0x0  }
0x16: {  	s3 =	sld [smem:$0x3FDB];
	s0 =	simm.s32 @p2 $0x1  }
0x17: {  	s4 =	simm.s32 $0x1BF5;
	[smem:$0x3FB5] =	sst s0  }
0x18: {  	s0 =	sld [smem:$0x3F98];
	_ =	swait.ge [sflag:s4], $0x0  }
0x19: {  	s7 =	sld [smem:$0x3F99]  }
0x1a: {  	s8 =	sadd.s32 $0xFFFFE003, lr  }
0x1b: {  	s9 =	sadd.s32 $0xFFFFFEF7, lr;
	s5 =	simm.s32 $0xFFFFFFFF;
	p2 =	slt.u32 s8, $0xFFFFF086  }
0x1c: {  	p1 =	slt.u32 s9, $0xF7A;
	s5 =	simm.s32 @!p2 $0x0  }
0x1d: {  	s5 =	simm.s32 @p1 $0x1;
	p0 =	seq.s32 s7, s2  }
0x1e: {  	s7 =	smul.u32 @!p0 $0xF7A, s2;
	p2 =	seq.s32 @!p0 s5, $0x0  }
0x1f: {  	s9 =	smul.u32 $0xF7A, s1;
	s8 =	simm.s32 @!p0 $0x1BF5;
	p2 =	por !p2, p0  }
0x20: {  	[sflag:s8] =	ssyncset.s32 @!p0 $0xFFFFF086;
	s6 =	sadd.s32 @!p0 s3, s7;
	s7 =	simm.s32 @!p0 $0x108  }
0x21: {  	s3 =	sadd.s32 s3, s9;
	s6 =	sadd.s32 @!p0 $0x88, s6;
	s7 =	simm.s32 @p2 $0x1082  }
0x22: {  	[simem:s7], [sflag:s8] =	dma.local @!p0 [hbm:s6], $0xF7A  }
0x23: {  	s9 =	sor.u32 $0xD0000000, s2;
	s6 =	simm.s32 $0x108;
	_ =	swait.ge @!p0 [sflag:s8], $0x0  }
0x24: {  	s3 =	sadd.s32 $0x88, s3;
	s6 =	simm.s32 @!p1 $0x1082;
	[sflag:s4] =	ssyncset.s32 $0xFFFFF086  }
0x25: {  	[simem:s6], [sflag:s4] =	dma.local [hbm:s3], $0xF7A  }
0x26: {  	[smem:$0x3F99] =	sst s1;
	(tag) =	ssettag s2;
	_ =	strace s9  }
0x27: {  	s1 =	sld [smem:$0x3FA9]  }
0x28: {  	s2 =	sld [smem:$0x3FAA]  }
0x29: {  	s4 =	sld [smem:$0x3FAC]  }
0x2a: {  	p0 =	seq.s32 s5, $0x0;
	s5 =	sld [smem:$0x3FAD]  }
0x2b: {  	s6 =	sld [smem:$0x3FAE]  }
0x2c: {  	s7 =	sld [smem:$0x3FAF]  }
0x2d: {  	s3 =	simm.s32 $0x108;
	s8 =	sld [smem:$0x3FB0]  }
0x2e: {  	s3 =	simm.s32 @!p0 $0x1082;
	s9 =	sld [smem:$0x3FB1]  }
0x2f: {  	lr =	sadd.s32 s0, s3;
	s0 =	sld [smem:$0x3FA8]  }
0x30: {  	s3 =	sld [smem:$0x3FAB]  }
0x31: {  	[smem:$0x3FB4] =	sst s10  }
0x32: {  	s10 =	sld [smem:$0x3FB2];
	_ =	sdelay $0x3  }
0x33: {  	p0 =	seq.s32 s10, $0x1;
	s10 =	sld [smem:$0x3FB4];
	_ =	sdelay $0x3  }
0x34: {  	[smem:$0x3FB4] =	sst s10  }
0x35: {  	s10 =	sld [smem:$0x3FB3];
	_ =	sdelay $0x3  }
0x36: {  	p1 =	seq.s32 s10, $0x1;
	s10 =	sld [smem:$0x3FB4];
	_ =	sdelay $0x3  }
0x37: {  	[smem:$0x3FB4] =	sst s10  }
0x38: {  	s10 =	sld [smem:$0x3FB5]  }
0x39: {  	_ = 	snop;
	(pc) =	sbr.ind lr, $3  }
0x3a: {  	_ = 	snop  }
0x3b: {  	_ = 	snop  }
0x3c: {  	p2 =	seq.s32 s10, $0x1;
	s10 =	sld [smem:$0x3FB4]  }
0x3d: {  	_ =	shalt  }
0x3e: {  	_ =	shalt  }
0x3f: {  	_ =	shalt  }
0x40: {  	_ =	shalt  }
0x41: {  	_ =	shalt  }
0x42: {  	_ =	shalt  }
0x43: {  	_ =	shalt  }
0x44: {  	_ =	shalt  }
0x45: {  	_ =	shalt  }
0x46: {  	_ =	shalt  }
0x47: {  	_ =	shalt  }
0x48: {  	_ =	shalt  }
0x49: {  	_ =	shalt  }
0x4a: {  	_ =	shalt  }
0x4b: {  	_ =	shalt  }
0x4c: {  	_ =	shalt  }
0x4d: {  	_ =	shalt  }
0x4e: {  	_ =	shalt  }
0x4f: {  	_ =	shalt  }
0x50: {  	_ =	shalt  }
0x51: {  	_ =	shalt  }
0x52: {  	_ =	shalt  }
0x53: {  	_ =	shalt  }
0x54: {  	_ =	shalt  }
0x55: {  	_ =	shalt  }
0x56: {  	_ =	shalt  }
0x57: {  	_ =	shalt  }
0x58: {  	_ =	shalt  }
0x59: {  	_ =	shalt  }
0x5a: {  	_ =	shalt  }
0x5b: {  	_ =	shalt  }
0x5c: {  	_ =	shalt  }
0x5d: {  	_ =	shalt  }
0x5e: {  	_ =	shalt  }
0x5f: {  	_ =	shalt  }
0x60: {  	_ =	shalt  }
0x61: {  	_ =	shalt  }
0x62: {  	_ =	shalt  }
0x63: {  	_ =	shalt  }
0x64: {  	_ =	shalt  }
0x65: {  	_ =	shalt  }
0x66: {  	_ =	shalt  }
0x67: {  	_ =	shalt  }
0x68: {  	_ =	shalt  }
0x69: {  	_ =	shalt  }
0x6a: {  	_ =	shalt  }
0x6b: {  	_ =	shalt  }
0x6c: {  	_ =	shalt  }
0x6d: {  	_ =	shalt  }
0x6e: {  	_ =	shalt  }
0x6f: {  	_ =	shalt  }
0x70: {  	_ =	shalt  }
0x71: {  	_ =	shalt  }
0x72: {  	_ =	shalt  }
0x73: {  	_ =	shalt  }
0x74: {  	_ =	shalt  }
0x75: {  	_ =	shalt  }
0x76: {  	_ =	shalt  }
0x77: {  	_ =	shalt  }
0x78: {  	_ =	shalt  }
0x79: {  	_ =	shalt  }
0x7a: {  	_ =	shalt  }
0x7b: {  	_ =	shalt  }
0x7c: {  	_ =	shalt  }
0x7d: {  	_ =	shalt  }
0x7e: {  	_ =	shalt  }
0x7f: {  	_ =	shalt  }
0x80: {  	_ =	shalt  }
0x81: {  	_ =	shalt  }
0x82: {  	_ =	shalt  }
0x83: {  	_ =	shalt  }
0x84: {  	_ =	shalt  }
0x85: {  	_ =	shalt  }
0x86: {  	_ =	shalt  }
0x87: {  	_ =	shalt  }
.Lfunc_end0:
.L_simem_size_0:
called_computation.1_lowered:
.L_overlay_start_0:
0x88: {  	s2 =	sld [smem:$0x3FD9]  }
0x89: {  	s3 =	sld [smem:$0x3FFE];
	_ =	sdelay $0x1  }
0x8a: {  	s1 =	srdreg.scid  }
0x8b: {  	s0 =	sand.u32 $0x1, s1  }
0x8c: {  	s17 =	sshll.u32 s0, $0xA;
	s2 =	sadd.s32 s3, s2  }
0x8d: {  	s2 =	sadd.s32 s2, s17  }
0x8e: {  	[smem:$0x3FC0] =	sst s2  }
0x8f: {  	_ = 	snop  }
0x90: {  	s2 =	sld [smem:$0x3FD0];
	(tm) =	ssettm $0x1  }
0x91: {  	s18 =	sld [smem:$0x3FFB];
	_ =	sdelay $0x3  }
0x92: {  	_ =	strace s18  }
0x93: {  	s3 =	sld [smem:$0x3FFC];
	_ =	sdelay $0x3  }
0x94: {  	_ =	strace s3  }
0x95: {  	s3 =	sld [smem:$0x3FFD];
	_ =	sdelay $0x3  }
0x96: {  	_ =	strace s3  }
0x97: {  	_ =	strace $0x8FFFFFFF  }
0x98: {  	s19 =	sld [smem:$0x3FDB];
	_ =	sdelay $0x1  }
0x99: {  	s4 =	simm.s32 $_scs_section_size  }
0x9a: {  	s5 =	simm.s32 $_size__tile_overlayer_lowered;
	s6 =	simm.s32 $_tile_overlayer_lowered  }
0x9b: {  	s22 =	simm.s32 $0x1BFF;
	s21 =	sshll.u32 s6, $0x1;
	s3 =	sadd.s32 s4, s19  }
0x9c: {  	s7 =	simm.s32 $0x0;
	s20 =	sshll.u32 s5, $0x1;
	s5 =	sadd.s32 s21, s3  }
0x9d: {  	[timem:s7], [sflag:s22] =	dma.local [hbm:s5], s20  }
0x9e: {  	_ =	swait.ge [sflag:s22], s20  }
0x9f: {  	s4 =	ssub.s32 $0x0, s20;
	[sflag:s22] =	ssyncset.done $0x0  }
0xa0: {  	[sflag:s22] =	ssyncadd.s32 s4;
	_ =	sdelay $0x1  }
0xa1: {  	s23 =	simm.s32 $0x1B8B  }
0xa2: {  	_ =	swait.ge [sflag:s23], $0x1  }
0xa3: {  	[sflag:s23] =	ssyncset.done $0x0  }
0xa4: {  	s25 =	simm.s32 $0x1B8E;
	s24 =	sld [smem:$0x3FFE];
	[sflag:s23] =	ssyncadd.s32 $0xFFFFFFFF  }
0xa5: {  	s26 =	simm.s32 $execute0_lowered;
	[smem:$0x3FD2] =	sst s25  }
0xa6: {  	s5 =	sshll.u32 s26, $0x1;
	_ =	strace $0x80000049;
	[dreg:$0x1] =	wrdreg $0xFFFFFFFF  }
0xa7: {  	s28 =	simm.s32 $_size_execute0_lowered;
	s3 =	sadd.s32 s3, s5;
	[dreg:$0x0] =	wrdreg $0x0  }
0xa8: {  	s5 =	sshll.u32 s28, $0x1;
	[dreg:$0x2] =	wrdreg s3  }
0xa9: {  	[dreg:$0x3] =	wrdreg s5  }
0xaa: {  	[dreg:$0x4] =	wrdreg $0xC0  }
0xab: {  	_ =	task [dreg:s7], $0x5FFFF  }
0xac: {  	[dreg:$0x1] =	wrdreg $0xFFFFFFFF  }
0xad: {  	[dreg:$0x0] =	wrdreg $0x60  }
0xae: {  	[dreg:$0x2] =	wrdreg s24  }
0xaf: {  	[dreg:$0x3] =	wrdreg s2  }
0xb0: {  	[dreg:$0x4] =	wrdreg $0x0  }
0xb1: {  	[dreg:$0x5] =	wrdreg $0x9  }
0xb2: {  	_ =	task.clear_ibuf [dreg:s7], $0x6FFFF;
	_ =	strace $0x90000049  }
0xb3: {  	s29 =	simm.s32 $0x9;
	_ =	strace $0x8000004B  }
0xb4: {  	_ =	swait.ge [sflag:s29], $0x1  }
0xb5: {  	[sflag:s29] =	ssyncadd.s32 $0xFFFFFFFF  }
0xb6: {  	_ =	strace $0x9000004B  }
0xb7: {  	_ =	sfence  }
0xb8: {  	s30 =	sld [smem:$0x0];
	_ =	sdelay $0x2  }
0xb9: {  	s31 =	sshll.u32 s1, $0xD;
	s1 =	sshrl.u32 s1, $0x2  }
0xba: {  	s3 =	sand.u32 $0x4000, s31;
	s1 =	sadd.s32 s1, s30  }
0xbb: {  	s0 =	sor.u32 s3, s0;
	s1 =	sshll.u32 s1, $0x11  }
0xbc: {  	s0 =	sor.u32 s1, s0  }
0xbd: {  	s0 =	sadd.s32 $0x8F2B, s0  }
0xbe: {  	[sflag:s0] =	ssyncadd.remote.s32 $0x1  }
0xbf: {  	_ =	sfence.sel $0xFFFF  }
0xc0: {  	[dreg:$0x0] =	wrdreg $0xFFFFFFFF;
	(pc) =	sbr.abs _section_cstart, $3  }
0xc1: {  	[dreg:$0x1] =	wrdreg $0xFFFFFFFF  }
0xc2: {  	_ =	task.clear_ibuf [dreg:s7], $0x2FFFF;
	_ =	strace $0x9FFFFFFF  }
0xc3: {  	(tm) =	ssettm $0x7FFFFFFF  }
tec
execute0_lowered:
.L_overlay_start_1:
0x0: {  	(tag) =	ssettag $0x1  }
0x1: {  	s0 =	rddreg [dreg:$0x0]  }
0x2: {  	s3 =	rddreg [dreg:$0x2]  }
0x3: {  	s9 =	stileid.u32;
	s1 =	srdreg.scid  }
0x4: {  	s4 =	simm.s32 $0x0;
	s28 =	simm.s32 $0x14;
	s29 =	simm.s32 $0xA000  }
0x5: {  	s30 =	simm.s32 $0xAA00;
	s31 =	simm.s32 $0x2;
	s14 =	simm.s32 $0xAF80  }
0x6: {  	s15 =	simm.s32 $0xA680;
	s16 =	simm.s32 $0xB000;
	s11 =	simm.s32 $0xA880  }
0x7: {  	s12 =	simm.s32 $0xB300;
	s13 =	simm.s32 $0xB380;
	s2 =	smul.u32 $0x60, s9  }
0x8: {  	s1 =	sand.u32 $0x1, s1;
	[smem:$0x7FF] =	sst s4;
	s7 =	smul.u32 $0xA8, s9  }
0x9: {  	s5 =	sadd.s32 $0x1E00, s0;
	s6 =	sadd.s32 $0x2B800, s0;
	s9 =	smul.u32 $0x28000, s9  }
0xa: {  	s8 =	sadd.s32 $0x15800, s0;
	s17 =	smul.u32 $0xA80, s1;
	_ =	strace $0x8000004A  }
0xb: {  	[dreg:$0x4] =	wrdreg s8;
	s18 =	smul.u32 $0x14000, s1;
	s19 =	ssub.s32 $0x2, s1  }
0xc: {  	s8 =	simm.s32 $0xF500;
	p0 =	sne.s32 s1, $0x0;
	s1 =	simm.s32 $0xD400  }
0xd: {  	s2 =	sadd.s32 s2, s0;
	s20 =	sshrl.u32 s19, $0x1;
	s21 =	sshrl.u32 s9, $0x2  }
0xe: {  	s9 =	simm.s32 $0xF580;
	s4 =	sadd.s32 s7, s17;
	s7 =	ssub.s32 s19, s20  }
0xf: {  	s2 =	sadd.s32 $0x1800, s2;
	s20 =	simm.s32 $0xF400;
	s19 =	simm.s32 $0x80  }
0x10: {  	s17 =	simm.s32 $0xB180;
	s4 =	sshrl.u32 s4, $0x3;
	[dreg:$0x5] =	wrdreg s2  }
0x11: {  	s2 =	sadd.s32 s21, s3;
	s26 =	smax.u32 s7, $0x1;
	s21 =	simm.s32 $0xB400  }
0x12: {  	s7 =	simm.s32 $0xF480;
	s4 =	sadd.s32 s4, s0;
	[dreg:$0x7] =	wrdreg s2  }
0x13: {  	s0 =	sadd.s32 s18, s0;
	s22 =	sadd.s32 $0x2000, s2;
	[dreg:$0xd] =	wrdreg s26  }
0x14: {  	s23 =	sadd.s32 $0x4000, s2;
	s24 =	sadd.s32 $0x6000, s2;
	[dreg:$0x9] =	wrdreg s22  }
0x15: {  	s25 =	sadd.s32 $0x8000, s2;
	s18 =	simm.s32 $0x3;
	[dreg:$0xa] =	wrdreg s23  }
0x16: {  	s2 =	simm.s32 $0x0;
	s26 =	simm.s32 $0xB100;
	[dreg:$0xb] =	wrdreg s24  }
0x17: {  	s4 =	sadd.s32 $0x8B200, s4;
	s0 =	sadd.s32 $0x35800, s0;
	[dreg:$0xc] =	wrdreg s25  }
0x18: {  	s22 =	simm.s32 $0x1;
	s23 =	simm.s32 $0xA700;
	[dreg:$0x6] =	wrdreg s4  }
0x19: {  	s24 =	simm.s32 $0xB080;
	s25 =	simm.s32 $0xA780;
	[dreg:$0x8] =	wrdreg s0  }
.LBB2_1:
0x1a: {  	[dreg:$0xe] =	wrdreg s2  }
0x1b: {  	s4 =	simm.s32 $0x0;
	s0 =	rddreg [dreg:$0x5]  }
0x1c: {  	[tilespmem:s20], [sflag:$0x3] =	stream.linear.gather [hbm4b:s0+s4], $0x300, $0x38;
	[tilespmem:$0xF7A8] =	vst v63  }
0x1d: {  	_ =	swait.ge [sflag:s18], $0x300  }
0x1e: {  	[sflag:s18] =	ssyncset.done $0x0  }
0x1f: {  	s0 =	simm.s32 $0xF700;
	s20 =	rddreg [dreg:$0x6];
	[sflag:s18] =	ssyncadd.s32 $0xFFFFFD00  }
0x20: {  	[tilespmem:s0], [sflag:$0x3] =	stream.linear.gather [hbm4b:s20+s4], $0xA8, $0x38;
	[tilespmem:$0xF7A8] =	vst v63  }
0x21: {  	_ =	swait.ge [sflag:s18], $0xA8  }
0x22: {  	[sflag:s18] =	ssyncset.done $0x0  }
0x23: {  	s20 =	simm.s32 $0xF680;
	s4 =	rddreg [dreg:$0x4];
	[sflag:s18] =	ssyncadd.s32 $0xFFFFFF58  }
0x24: {  	[tilespmem:s21], [sflag:$0x1] =	stream.indirect.gather [hbm4b:s4+s19], $0x40, s20, s19, $0xb8;
	[tilespmem:$0xF7A8] =	vst v63  }
0x25: {  	_ =	swait.ge [sflag:s22], $0x2000  }
0x26: {  	[sflag:s22] =	ssyncset.done $0x0  }
0x27: {  	s10 =	simm.s32 $0xF400;
	[sflag:s22] =	ssyncadd.s32 $0xFFFFE000  }
0x28: {  	[spmem:s3] =	stream.indirect.scatter [tilespmem:s21], [sflag:$0x3], $0x40, s10, s19, $0xb8;
	[tilespmem:$0xF7A8] =	vst v63  }
0x29: {  	_ =	swait.ge [sflag:s18], $0x2000  }
0x2a: {  	[sflag:s18] =	ssyncset.done $0x0  }
0x2b: {  	[sflag:s18] =	ssyncadd.s32 $0xFFFFE000  }
0x2c: {  	[spmem:s3] =	stream.indirect.scatter [tilespmem:s21], [sflag:$0x3], $0x40, s7, s19, $0xb8;
	[tilespmem:$0xF7A8] =	vst v63  }
0x2d: {  	_ =	swait.ge [sflag:s18], $0x2000  }
0x2e: {  	[sflag:s18] =	ssyncset.done $0x0  }
0x2f: {  	[sflag:s18] =	ssyncadd.s32 $0xFFFFE000  }
0x30: {  	[spmem:s3] =	stream.indirect.scatter [tilespmem:s21], [sflag:$0x3], $0x40, s8, s19, $0xb8;
	[tilespmem:$0xF7A8] =	vst v63  }
0x31: {  	_ =	swait.ge [sflag:s18], $0x2000  }
0x32: {  	[sflag:s18] =	ssyncset.done $0x0  }
0x33: {  	[sflag:s18] =	ssyncadd.s32 $0xFFFFE000  }
0x34: {  	[spmem:s3] =	stream.indirect.scatter [tilespmem:s21], [sflag:$0x3], $0x40, s9, s19, $0xb8;
	[tilespmem:$0xF7A8] =	vst v63  }
0x35: {  	_ =	swait.ge [sflag:s18], $0x2000  }
0x36: {  	[sflag:s18] =	ssyncset.done $0x0  }
0x37: {  	s2 =	simm.s32 $0xF600;
	[sflag:s18] =	ssyncadd.s32 $0xFFFFE000  }
0x38: {  	[spmem:s3] =	stream.indirect.scatter [tilespmem:s21], [sflag:$0x3], $0x40, s2, s19, $0xb8;
	[tilespmem:$0xF7A8] =	vst v63  }
0x39: {  	_ =	swait.ge [sflag:s18], $0x2000  }
0x3a: {  	s20 =	simm.s32 $0x0;
	s10 =	simm.s32 $0xA800;
	[sflag:s18] =	ssyncset.done $0x0  }
0x3b: {  	s7 =	simm.s32 $0xA900;
	s8 =	simm.s32 $0xB280;
	[sflag:s18] =	ssyncadd.s32 $0xFFFFE000  }
0x3c: {  	s9 =	simm.s32 $0xA980;
	s2 =	simm.s32 $0xB200;
	[bflag:$0x0] =	sbarrier.arrive $0xFFFF  }
.LBB2_2:
0x3d: {  	s4 =	rddreg [dreg:$0x1]  }
0x3e: {  	[tilespmem:s29], [sflag:$0x1] =	stream.indirect.gather [hbm4b:s4+s28], $0x80, s0, s28, $0xb8;
	[tilespmem:$0xF7A8] =	vst v63  }
0x3f: {  	_ = 	snop  }
0x40: {  	[tilespmem:s30], [sflag:$0x2] =	stream.indirect.gather [hbm4b:s6+s28], $0x80, s0, s28, $0xb8;
	[tilespmem:$0xF7A8] =	vst v63  }
0x41: {  	_ =	swait.ge [sflag:s22], $0xA00  }
0x42: {  	[sflag:s22] =	ssyncset.done $0x0  }
0x43: {  	[sflag:s22] =	ssyncadd.s32 $0xFFFFF600  }
0x44: {  	_ =	swait.ge [sflag:s31], $0xA00  }
0x45: {  	[sflag:s31] =	ssyncset.done $0x0  }
0x46: {  	[sflag:s31] =	ssyncadd.s32 $0xFFFFF600  }
0x47: {  	[tilespmem:s21], [sflag:$0x1] =	stream.indirect.gather [hbm4b:s5+s19], $0x40, s29, s19, $0xb8;
	[tilespmem:$0xF7A8] =	vst v63  }
0x48: {  	s4 =	simm.s32 $0xA080  }
0x49: {  	[tilespmem:s1], [sflag:$0x2] =	stream.indirect.gather [hbm4b:s5+s19], $0x40, s4, s19, $0xb8;
	[tilespmem:$0xF7A8] =	vst v63  }
0x4a: {  	_ =	swait.ge [sflag:s22], $0x2000  }
0x4b: {  	[sflag:s22] =	ssyncset.done $0x0  }
0x4c: {  	[sflag:s22] =	ssyncadd.s32 $0xFFFFE000  }
0x4d: {  	[spmem:s3] =	stream.indirect.scatter.add.f32 [tilespmem:s21], [sflag:$0x3], $0x40, s30, s19, $0xb8;
	[tilespmem:$0xF7A8] =	vst v63  }
0x4e: {  	_ =	swait.ge [sflag:s18], $0x2000  }
0x4f: {  	[sflag:s18] =	ssyncset.done $0x0  }
0x50: {  	s4 =	simm.s32 $0xA100;
	[sflag:s18] =	ssyncadd.s32 $0xFFFFE000  }
0x51: {  	[tilespmem:s21], [sflag:$0x1] =	stream.indirect.gather [hbm4b:s5+s19], $0x40, s4, s19, $0xb8;
	[tilespmem:$0xF7A8] =	vst v63  }
0x52: {  	_ =	swait.ge [sflag:s31], $0x2000  }
0x53: {  	[sflag:s31] =	ssyncset.done $0x0  }
0x54: {  	s4 =	simm.s32 $0xAA80;
	[sflag:s31] =	ssyncadd.s32 $0xFFFFE000  }
0x55: {  	[spmem:s3] =	stream.indirect.scatter.add.f32 [tilespmem:s1], [sflag:$0x3], $0x40, s4, s19, $0xb8;
	[tilespmem:$0xF7A8] =	vst v63  }
0x56: {  	_ =	swait.ge [sflag:s18], $0x2000  }
0x57: {  	[sflag:s18] =	ssyncset.done $0x0  }
0x58: {  	s4 =	simm.s32 $0xA180;
	[sflag:s18] =	ssyncadd.s32 $0xFFFFE000  }
0x59: {  	[tilespmem:s1], [sflag:$0x2] =	stream.indirect.gather [hbm4b:s5+s19], $0x40, s4, s19, $0xb8;
	[tilespmem:$0xF7A8] =	vst v63  }
0x5a: {  	_ =	swait.ge [sflag:s22], $0x2000  }
0x5b: {  	[sflag:s22] =	ssyncset.done $0x0  }
0x5c: {  	s4 =	simm.s32 $0xAB00;
	[sflag:s22] =	ssyncadd.s32 $0xFFFFE000  }
0x5d: {  	[spmem:s3] =	stream.indirect.scatter.add.f32 [tilespmem:s21], [sflag:$0x3], $0x40, s4, s19, $0xb8;
	[tilespmem:$0xF7A8] =	vst v63  }
0x5e: {  	_ =	swait.ge [sflag:s18], $0x2000  }
0x5f: {  	[sflag:s18] =	ssyncset.done $0x0  }
0x60: {  	s4 =	simm.s32 $0xA200;
	[sflag:s18] =	ssyncadd.s32 $0xFFFFE000  }
0x61: {  	[tilespmem:s21], [sflag:$0x1] =	stream.indirect.gather [hbm4b:s5+s19], $0x40, s4, s19, $0xb8;
	[tilespmem:$0xF7A8] =	vst v63  }
0x62: {  	_ =	swait.ge [sflag:s31], $0x2000  }
0x63: {  	[sflag:s31] =	ssyncset.done $0x0  }
0x64: {  	s4 =	simm.s32 $0xAB80;
	[sflag:s31] =	ssyncadd.s32 $0xFFFFE000  }
0x65: {  	[spmem:s3] =	stream.indirect.scatter.add.f32 [tilespmem:s1], [sflag:$0x3], $0x40, s4, s19, $0xb8;
	[tilespmem:$0xF7A8] =	vst v63  }
0x66: {  	_ =	swait.ge [sflag:s18], $0x2000  }
0x67: {  	[sflag:s18] =	ssyncset.done $0x0  }
0x68: {  	s4 =	simm.s32 $0xA280;
	[sflag:s18] =	ssyncadd.s32 $0xFFFFE000  }
0x69: {  	[tilespmem:s1], [sflag:$0x2] =	stream.indirect.gather [hbm4b:s5+s19], $0x40, s4, s19, $0xb8;
	[tilespmem:$0xF7A8] =	vst v63  }
0x6a: {  	_ =	swait.ge [sflag:s22], $0x2000  }
0x6b: {  	[sflag:s22] =	ssyncset.done $0x0  }
0x6c: {  	s4 =	simm.s32 $0xAC00;
	[sflag:s22] =	ssyncadd.s32 $0xFFFFE000  }
0x6d: {  	[spmem:s3] =	stream.indirect.scatter.add.f32 [tilespmem:s21], [sflag:$0x3], $0x40, s4, s19, $0xb8;
	[tilespmem:$0xF7A8] =	vst v63  }
0x6e: {  	_ =	swait.ge [sflag:s18], $0x2000  }
0x6f: {  	[sflag:s18] =	ssyncset.done $0x0  }
0x70: {  	s4 =	simm.s32 $0xA300;
	[sflag:s18] =	ssyncadd.s32 $0xFFFFE000  }
0x71: {  	[tilespmem:s21], [sflag:$0x1] =	stream.indirect.gather [hbm4b:s5+s19], $0x40, s4, s19, $0xb8;
	[tilespmem:$0xF7A8] =	vst v63  }
0x72: {  	_ =	swait.ge [sflag:s31], $0x2000  }
0x73: {  	[sflag:s31] =	ssyncset.done $0x0  }
0x74: {  	s4 =	simm.s32 $0xAC80;
	[sflag:s31] =	ssyncadd.s32 $0xFFFFE000  }
0x75: {  	[spmem:s3] =	stream.indirect.scatter.add.f32 [tilespmem:s1], [sflag:$0x3], $0x40, s4, s19, $0xb8;
	[tilespmem:$0xF7A8] =	vst v63  }
0x76: {  	_ =	swait.ge [sflag:s18], $0x2000  }
0x77: {  	[sflag:s18] =	ssyncset.done $0x0  }
0x78: {  	s4 =	simm.s32 $0xA380;
	[sflag:s18] =	ssyncadd.s32 $0xFFFFE000  }
0x79: {  	[tilespmem:s1], [sflag:$0x2] =	stream.indirect.gather [hbm4b:s5+s19], $0x40, s4, s19, $0xb8;
	[tilespmem:$0xF7A8] =	vst v63  }
0x7a: {  	_ =	swait.ge [sflag:s22], $0x2000  }
0x7b: {  	[sflag:s22] =	ssyncset.done $0x0  }
0x7c: {  	s4 =	simm.s32 $0xAD00;
	[sflag:s22] =	ssyncadd.s32 $0xFFFFE000  }
0x7d: {  	[spmem:s3] =	stream.indirect.scatter.add.f32 [tilespmem:s21], [sflag:$0x3], $0x40, s4, s19, $0xb8;
	[tilespmem:$0xF7A8] =	vst v63  }
0x7e: {  	_ =	swait.ge [sflag:s18], $0x2000  }
0x7f: {  	[sflag:s18] =	ssyncset.done $0x0  }
0x80: {  	s4 =	simm.s32 $0xA400;
	[sflag:s18] =	ssyncadd.s32 $0xFFFFE000  }
0x81: {  	[tilespmem:s21], [sflag:$0x1] =	stream.indirect.gather [hbm4b:s5+s19], $0x40, s4, s19, $0xb8;
	[tilespmem:$0xF7A8] =	vst v63  }
0x82: {  	_ =	swait.ge [sflag:s31], $0x2000  }
0x83: {  	[sflag:s31] =	ssyncset.done $0x0  }
0x84: {  	s4 =	simm.s32 $0xAD80;
	[sflag:s31] =	ssyncadd.s32 $0xFFFFE000  }
0x85: {  	[spmem:s3] =	stream.indirect.scatter.add.f32 [tilespmem:s1], [sflag:$0x3], $0x40, s4, s19, $0xb8;
	[tilespmem:$0xF7A8] =	vst v63  }
0x86: {  	_ =	swait.ge [sflag:s18], $0x2000  }
0x87: {  	[sflag:s18] =	ssyncset.done $0x0  }
0x88: {  	s4 =	simm.s32 $0xA480;
	[sflag:s18] =	ssyncadd.s32 $0xFFFFE000  }
0x89: {  	[tilespmem:s1], [sflag:$0x2] =	stream.indirect.gather [hbm4b:s5+s19], $0x40, s4, s19, $0xb8;
	[tilespmem:$0xF7A8] =	vst v63  }
0x8a: {  	_ =	swait.ge [sflag:s22], $0x2000  }
0x8b: {  	[sflag:s22] =	ssyncset.done $0x0  }
0x8c: {  	s4 =	simm.s32 $0xAE00;
	[sflag:s22] =	ssyncadd.s32 $0xFFFFE000  }
0x8d: {  	[spmem:s3] =	stream.indirect.scatter.add.f32 [tilespmem:s21], [sflag:$0x3], $0x40, s4, s19, $0xb8;
	[tilespmem:$0xF7A8] =	vst v63  }
0x8e: {  	_ =	swait.ge [sflag:s18], $0x2000  }
0x8f: {  	[sflag:s18] =	ssyncset.done $0x0  }
0x90: {  	s4 =	simm.s32 $0xA500;
	[sflag:s18] =	ssyncadd.s32 $0xFFFFE000  }
0x91: {  	[tilespmem:s21], [sflag:$0x1] =	stream.indirect.gather [hbm4b:s5+s19], $0x40, s4, s19, $0xb8;
	[tilespmem:$0xF7A8] =	vst v63  }
0x92: {  	_ =	swait.ge [sflag:s31], $0x2000  }
0x93: {  	[sflag:s31] =	ssyncset.done $0x0  }
0x94: {  	s4 =	simm.s32 $0xAE80;
	[sflag:s31] =	ssyncadd.s32 $0xFFFFE000  }
0x95: {  	[spmem:s3] =	stream.indirect.scatter.add.f32 [tilespmem:s1], [sflag:$0x3], $0x40, s4, s19, $0xb8;
	[tilespmem:$0xF7A8] =	vst v63  }
0x96: {  	_ =	swait.ge [sflag:s18], $0x2000  }
0x97: {  	[sflag:s18] =	ssyncset.done $0x0  }
0x98: {  	s4 =	simm.s32 $0xA580;
	[sflag:s18] =	ssyncadd.s32 $0xFFFFE000  }
0x99: {  	[tilespmem:s1], [sflag:$0x2] =	stream.indirect.gather [hbm4b:s5+s19], $0x40, s4, s19, $0xb8;
	[tilespmem:$0xF7A8] =	vst v63  }
0x9a: {  	_ =	swait.ge [sflag:s22], $0x2000  }
0x9b: {  	[sflag:s22] =	ssyncset.done $0x0  }
0x9c: {  	s4 =	simm.s32 $0xAF00;
	[sflag:s22] =	ssyncadd.s32 $0xFFFFE000  }
0x9d: {  	[spmem:s3] =	stream.indirect.scatter.add.f32 [tilespmem:s21], [sflag:$0x3], $0x40, s4, s19, $0xb8;
	[tilespmem:$0xF7A8] =	vst v63  }
0x9e: {  	_ =	swait.ge [sflag:s18], $0x2000  }
0x9f: {  	[sflag:s18] =	ssyncset.done $0x0  }
0xa0: {  	s4 =	simm.s32 $0xA600;
	[sflag:s18] =	ssyncadd.s32 $0xFFFFE000  }
0xa1: {  	[tilespmem:s21], [sflag:$0x1] =	stream.indirect.gather [hbm4b:s5+s19], $0x40, s4, s19, $0xb8;
	[tilespmem:$0xF7A8] =	vst v63  }
0xa2: {  	_ =	swait.ge [sflag:s31], $0x2000  }
0xa3: {  	[sflag:s31] =	ssyncset.done $0x0  }
0xa4: {  	[sflag:s31] =	ssyncadd.s32 $0xFFFFE000  }
0xa5: {  	[spmem:s3] =	stream.indirect.scatter.add.f32 [tilespmem:s1], [sflag:$0x3], $0x40, s14, s19, $0xb8;
	[tilespmem:$0xF7A8] =	vst v63  }
0xa6: {  	_ =	swait.ge [sflag:s18], $0x2000  }
0xa7: {  	[sflag:s18] =	ssyncset.done $0x0  }
0xa8: {  	[sflag:s18] =	ssyncadd.s32 $0xFFFFE000  }
0xa9: {  	[tilespmem:s1], [sflag:$0x2] =	stream.indirect.gather [hbm4b:s5+s19], $0x40, s15, s19, $0xb8;
	[tilespmem:$0xF7A8] =	vst v63  }
0xaa: {  	_ =	swait.ge [sflag:s22], $0x2000  }
0xab: {  	[sflag:s22] =	ssyncset.done $0x0  }
0xac: {  	[sflag:s22] =	ssyncadd.s32 $0xFFFFE000  }
0xad: {  	[spmem:s3] =	stream.indirect.scatter.add.f32 [tilespmem:s21], [sflag:$0x3], $0x40, s16, s19, $0xb8;
	[tilespmem:$0xF7A8] =	vst v63  }
0xae: {  	_ =	swait.ge [sflag:s18], $0x2000  }
0xaf: {  	[sflag:s18] =	ssyncset.done $0x0  }
0xb0: {  	[sflag:s18] =	ssyncadd.s32 $0xFFFFE000  }
0xb1: {  	[tilespmem:s21], [sflag:$0x1] =	stream.indirect.gather [hbm4b:s5+s19], $0x40, s23, s19, $0xb8;
	[tilespmem:$0xF7A8] =	vst v63  }
0xb2: {  	_ =	swait.ge [sflag:s31], $0x2000  }
0xb3: {  	[sflag:s31] =	ssyncset.done $0x0  }
0xb4: {  	[sflag:s31] =	ssyncadd.s32 $0xFFFFE000  }
0xb5: {  	[spmem:s3] =	stream.indirect.scatter.add.f32 [tilespmem:s1], [sflag:$0x3], $0x40, s24, s19, $0xb8;
	[tilespmem:$0xF7A8] =	vst v63  }
0xb6: {  	_ =	swait.ge [sflag:s18], $0x2000  }
0xb7: {  	[sflag:s18] =	ssyncset.done $0x0  }
0xb8: {  	[sflag:s18] =	ssyncadd.s32 $0xFFFFE000  }
0xb9: {  	[tilespmem:s1], [sflag:$0x2] =	stream.indirect.gather [hbm4b:s5+s19], $0x40, s25, s19, $0xb8;
	[tilespmem:$0xF7A8] =	vst v63  }
0xba: {  	_ =	swait.ge [sflag:s22], $0x2000  }
0xbb: {  	[sflag:s22] =	ssyncset.done $0x0  }
0xbc: {  	[sflag:s22] =	ssyncadd.s32 $0xFFFFE000  }
0xbd: {  	[spmem:s3] =	stream.indirect.scatter.add.f32 [tilespmem:s21], [sflag:$0x3], $0x40, s26, s19, $0xb8;
	[tilespmem:$0xF7A8] =	vst v63  }
0xbe: {  	_ =	swait.ge [sflag:s18], $0x2000  }
0xbf: {  	[sflag:s18] =	ssyncset.done $0x0  }
0xc0: {  	[sflag:s18] =	ssyncadd.s32 $0xFFFFE000  }
0xc1: {  	[tilespmem:s21], [sflag:$0x1] =	stream.indirect.gather [hbm4b:s5+s19], $0x40, s10, s19, $0xb8;
	[tilespmem:$0xF7A8] =	vst v63  }
0xc2: {  	_ =	swait.ge [sflag:s31], $0x2000  }
0xc3: {  	[sflag:s31] =	ssyncset.done $0x0  }
0xc4: {  	[sflag:s31] =	ssyncadd.s32 $0xFFFFE000  }
0xc5: {  	[spmem:s3] =	stream.indirect.scatter.add.f32 [tilespmem:s1], [sflag:$0x3], $0x40, s17, s19, $0xb8;
	[tilespmem:$0xF7A8] =	vst v63  }
0xc6: {  	_ =	swait.ge [sflag:s18], $0x2000  }
0xc7: {  	[sflag:s18] =	ssyncset.done $0x0  }
0xc8: {  	[sflag:s18] =	ssyncadd.s32 $0xFFFFE000  }
0xc9: {  	[tilespmem:s1], [sflag:$0x2] =	stream.indirect.gather [hbm4b:s5+s19], $0x40, s11, s19, $0xb8;
	[tilespmem:$0xF7A8] =	vst v63  }
0xca: {  	_ =	swait.ge [sflag:s22], $0x2000  }
0xcb: {  	[sflag:s22] =	ssyncset.done $0x0  }
0xcc: {  	[sflag:s22] =	ssyncadd.s32 $0xFFFFE000  }
0xcd: {  	[spmem:s3] =	stream.indirect.scatter.add.f32 [tilespmem:s21], [sflag:$0x3], $0x40, s2, s19, $0xb8;
	[tilespmem:$0xF7A8] =	vst v63  }
0xce: {  	_ =	swait.ge [sflag:s18], $0x2000  }
0xcf: {  	[sflag:s18] =	ssyncset.done $0x0  }
0xd0: {  	[sflag:s18] =	ssyncadd.s32 $0xFFFFE000  }
0xd1: {  	[tilespmem:s21], [sflag:$0x1] =	stream.indirect.gather [hbm4b:s5+s19], $0x40, s7, s19, $0xb8;
	[tilespmem:$0xF7A8] =	vst v63  }
0xd2: {  	_ =	swait.ge [sflag:s31], $0x2000  }
0xd3: {  	[sflag:s31] =	ssyncset.done $0x0  }
0xd4: {  	[sflag:s31] =	ssyncadd.s32 $0xFFFFE000  }
0xd5: {  	[spmem:s3] =	stream.indirect.scatter.add.f32 [tilespmem:s1], [sflag:$0x3], $0x40, s8, s19, $0xb8;
	[tilespmem:$0xF7A8] =	vst v63  }
0xd6: {  	_ =	swait.ge [sflag:s18], $0x2000  }
0xd7: {  	[sflag:s18] =	ssyncset.done $0x0  }
0xd8: {  	[sflag:s18] =	ssyncadd.s32 $0xFFFFE000  }
0xd9: {  	[tilespmem:s1], [sflag:$0x2] =	stream.indirect.gather [hbm4b:s5+s19], $0x40, s9, s19, $0xb8;
	[tilespmem:$0xF7A8] =	vst v63  }
0xda: {  	_ =	swait.ge [sflag:s22], $0x2000  }
0xdb: {  	[sflag:s22] =	ssyncset.done $0x0  }
0xdc: {  	[sflag:s22] =	ssyncadd.s32 $0xFFFFE000  }
0xdd: {  	[spmem:s3] =	stream.indirect.scatter.add.f32 [tilespmem:s21], [sflag:$0x3], $0x40, s12, s19, $0xb8;
	[tilespmem:$0xF7A8] =	vst v63  }
0xde: {  	_ =	swait.ge [sflag:s18], $0x2000  }
0xdf: {  	[sflag:s18] =	ssyncset.done $0x0  }
0xe0: {  	[sflag:s18] =	ssyncadd.s32 $0xFFFFE000  }
0xe1: {  	p1 =	slt.u32 @!p0 s20, $0x6;
	_ =	swait.ge [sflag:s31], $0x2000  }
0xe2: {  	p1 =	por p0, !p1;
	[sflag:s31] =	ssyncset.done $0x0  }
.Ltmp0:
0xe3: {  	[sflag:s31] =	ssyncadd.s32 $0xFFFFE000;
	(pc) =	sbr.rel @!p1 .LBB2_2-.Ltmp0, $4  }
0xe4: {  	[spmem:s3] =	stream.indirect.scatter.add.f32 [tilespmem:s1], [sflag:$0x3], $0x40, s13, s19, $0xb8;
	[tilespmem:$0xF7A8] =	vst v63  }
0xe5: {  	_ =	swait.ge [sflag:s18], $0x2000  }
0xe6: {  	[sflag:s18] =	ssyncset.done $0x0  }
0xe7: {  	s20 =	sadd.s32 $0x1, s20;
	s0 =	sadd.s32 $0x18, s0;
	[sflag:s18] =	ssyncadd.s32 $0xFFFFE000  }
0xe8: {  	[bflag:$0x0] =	sbarrier.arrive $0xFFFF  }
0xe9: {  	s0 =	rddreg [dreg:$0x7]  }
0xea: {  	[tilespmem:s21], [sflag:$0x3] =	stream.linear.gather [spmem:s0], $0x2000, $0x38;
	[tilespmem:$0xF7A8] =	vst v63  }
0xeb: {  	_ =	swait.ge [sflag:s18], $0x2000  }
0xec: {  	[sflag:s18] =	ssyncset.done $0x0  }
0xed: {  	s20 =	simm.s32 $0xF400;
	s0 =	rddreg [dreg:$0x8];
	[sflag:s18] =	ssyncadd.s32 $0xFFFFE000  }
0xee: {  	[hbm4b:s0+s19] =	stream.indirect.scatter [tilespmem:s21], [sflag:$0x3], $0x40, s20, s19, $0xb8;
	[tilespmem:$0xF7A8] =	vst v63  }
0xef: {  	_ =	swait.ge [sflag:s18], $0x2000  }
0xf0: {  	[sflag:s18] =	ssyncset.done $0x0  }
0xf1: {  	s4 =	rddreg [dreg:$0x9];
	[sflag:s18] =	ssyncadd.s32 $0xFFFFE000  }
0xf2: {  	[tilespmem:s21], [sflag:$0x3] =	stream.linear.gather [spmem:s4], $0x2000, $0x38;
	[tilespmem:$0xF7A8] =	vst v63  }
0xf3: {  	_ =	swait.ge [sflag:s18], $0x2000  }
0xf4: {  	[sflag:s18] =	ssyncset.done $0x0  }
0xf5: {  	s7 =	simm.s32 $0xF480;
	[sflag:s18] =	ssyncadd.s32 $0xFFFFE000  }
0xf6: {  	[hbm4b:s0+s19] =	stream.indirect.scatter [tilespmem:s21], [sflag:$0x3], $0x40, s7, s19, $0xb8;
	[tilespmem:$0xF7A8] =	vst v63  }
0xf7: {  	_ =	swait.ge [sflag:s18], $0x2000  }
0xf8: {  	[sflag:s18] =	ssyncset.done $0x0  }
0xf9: {  	s8 =	rddreg [dreg:$0xa];
	[sflag:s18] =	ssyncadd.s32 $0xFFFFE000  }
0xfa: {  	[tilespmem:s21], [sflag:$0x3] =	stream.linear.gather [spmem:s8], $0x2000, $0x38;
	[tilespmem:$0xF7A8] =	vst v63  }
0xfb: {  	_ =	swait.ge [sflag:s18], $0x2000  }
0xfc: {  	[sflag:s18] =	ssyncset.done $0x0  }
0xfd: {  	s8 =	simm.s32 $0xF500;
	[sflag:s18] =	ssyncadd.s32 $0xFFFFE000  }
0xfe: {  	[hbm4b:s0+s19] =	stream.indirect.scatter [tilespmem:s21], [sflag:$0x3], $0x40, s8, s19, $0xb8;
	[tilespmem:$0xF7A8] =	vst v63  }
0xff: {  	_ =	swait.ge [sflag:s18], $0x2000  }
0x100: {  	[sflag:s18] =	ssyncset.done $0x0  }
0x101: {  	s9 =	rddreg [dreg:$0xb];
	[sflag:s18] =	ssyncadd.s32 $0xFFFFE000  }
0x102: {  	[tilespmem:s21], [sflag:$0x3] =	stream.linear.gather [spmem:s9], $0x2000, $0x38;
	[tilespmem:$0xF7A8] =	vst v63  }
0x103: {  	_ =	swait.ge [sflag:s18], $0x2000  }
0x104: {  	[sflag:s18] =	ssyncset.done $0x0  }
0x105: {  	s9 =	simm.s32 $0xF580;
	[sflag:s18] =	ssyncadd.s32 $0xFFFFE000  }
0x106: {  	[hbm4b:s0+s19] =	stream.indirect.scatter [tilespmem:s21], [sflag:$0x3], $0x40, s9, s19, $0xb8;
	[tilespmem:$0xF7A8] =	vst v63  }
0x107: {  	_ =	swait.ge [sflag:s18], $0x2000  }
0x108: {  	[sflag:s18] =	ssyncset.done $0x0  }
0x109: {  	s10 =	rddreg [dreg:$0xc];
	[sflag:s18] =	ssyncadd.s32 $0xFFFFE000  }
0x10a: {  	[tilespmem:s21], [sflag:$0x3] =	stream.linear.gather [spmem:s10], $0x2000, $0x38;
	[tilespmem:$0xF7A8] =	vst v63  }
0x10b: {  	_ =	swait.ge [sflag:s18], $0x2000  }
0x10c: {  	[sflag:s18] =	ssyncset.done $0x0  }
0x10d: {  	s2 =	simm.s32 $0xF600;
	[sflag:s18] =	ssyncadd.s32 $0xFFFFE000  }
0x10e: {  	[hbm4b:s0+s19] =	stream.indirect.scatter [tilespmem:s21], [sflag:$0x3], $0x40, s2, s19, $0xb8;
	[tilespmem:$0xF7A8] =	vst v63  }
0x10f: {  	_ =	swait.ge [sflag:s18], $0x2000  }
0x110: {  	s2 =	rddreg [dreg:$0xe]  }
0x111: {  	s10 =	rddreg [dreg:$0xd];
	s2 =	sadd.s32 $0x1, s2  }
0x112: {  	p1 =	sne.s32 s2, s10  }
.Ltmp1:
0x113: {  	_ = 	snop;
	(pc) =	sbr.rel @p1 .LBB2_1-.Ltmp1, $3  }
0x114: {  	_ =	sdelay $0x1  }
0x115: {  	[sflag:s18] =	ssyncset.done $0x0  }
0x116: {  	[sflag:s18] =	ssyncadd.s32 $0xFFFFE000  }
0x117: {  	_ =	sfence.sel $0x180000  }
0x118: {  	[bflag:$0x0] =	sbarrier.arrive $0xFFFF  }
0x119: {  	_ =	strace $0x9000004A  }
0x11a: {  	s0 =	stileid.u32;
	[bflag:$0x2] =	sbarrier.arrive $0xFFFF  }
0x11b: {  	p0 =	sne.s32 s0, $0x0;
	s0 =	rddreg [dreg:$0x3]  }
0x11c: {  	s0 =	sadd.s32 @!p0 $0x100000, s0  }
0x11d: {  	[sflag:s0] =	ssyncadd.tile.s32 @!p0 $0x1;
	_ =	shalt  }
.Lfunc_end2:
_tile_overlayer_lowered:
.L_overlay_start_2:
0x11e: {  	(tag) =	ssettag $0x2  }
0x11f: {  	s0 =	rddreg [dreg:$0x0];
	s2 =	stileid.u32  }
0x120: {  	s1 =	rddreg [dreg:$0x1];
	p0 =	sne.s32 s2, $0x0  }
0x121: {  	s3 =	rddreg [dreg:$0x2];
	[bflag:$0x3] =	sbarrier.arrive $0xFFFF;
	s2 =	simm.s32 @!p0 $0x1C03  }
0x122: {  	[timem:s3], [sflag:s2] =	dma.local @!p0 [hbm:s0], s1  }
0x123: {  	s0 =	simm.s32 @!p0 $0x3  }
0x124: {  	_ =	swait.ge @!p0 [sflag:s0], s1  }
0x125: {  	s1 =	ssub.s32 @!p0 $0x0, s1;
	[sflag:s0] =	ssyncset.done @!p0 $0x0  }
0x126: {  	[sflag:s0] =	ssyncadd.s32 @!p0 s1  }
0x127: {  	[bflag:$0x3] =	sbarrier.arrive $0xFFFF  }
0x128: {  	_ =	shalt  }

</sc_bundles>
